<compile_context>
chip_gen: v7x
topology: tpu7x:2x2x1
jax: 0.10.2.dev20260603
libtpu: 0.0.44.dev20260713+nightly
codegen_flags: <defaults>
</compile_context>

<pallas_src>
import functools

import jax
import jax.numpy as jnp
from jax import lax
from jax.experimental import pallas as pl
from jax.experimental.pallas import tpu as pltpu
from jax.experimental.pallas import tpu_sc as plsc

B = 16384
D = 256
NNE = 10
L = 16

_info = plsc.get_sparse_core_info()
NC = _info.num_cores
NS = _info.num_subcores
NW = NC * NS
BPW = B // NW

CH = 8
GI = CH * NNE
NIT = BPW // CH
SG = 64
NSG = BPW // SG
GN = CH
NRING = 4

_mesh = plsc.VectorSubcoreMesh(core_axis_name="c", subcore_axis_name="s")


@functools.partial(
    pl.kernel,
    mesh=_mesh,
    out_type=(
        jax.ShapeDtypeStruct((B, D), jnp.float32),
        jax.ShapeDtypeStruct((B, D), jnp.float32),
    ),
    scratch_types=[
        pltpu.VMEM((NSG, SG), jnp.int32),
        pltpu.VMEM((NIT, GI), jnp.int32),
        pltpu.VMEM((SG, D), jnp.float32),
        pltpu.VMEM((SG, D), jnp.float32),
        pltpu.VMEM((GI, D), jnp.float32),
        pltpu.VMEM((GI, D), jnp.float32),
        pltpu.VMEM((GI, D), jnp.float32),
        pltpu.VMEM((GI, D), jnp.float32),
        pltpu.VMEM((GN, D), jnp.float32),
        pltpu.VMEM((GN, D), jnp.float32),
        pltpu.SemaphoreType.DMA,
        pltpu.SemaphoreType.DMA,
        pltpu.SemaphoreType.DMA,
        pltpu.SemaphoreType.DMA,
        pltpu.SemaphoreType.DMA,
        pltpu.SemaphoreType.DMA,
    ],
)
def _sc_gather_mean(nodes_hbm, neigh_hbm, table_hbm, self_out, mean_out,
                    sidx_v, nidx_v, srows0, srows1, gb0, gb1, gb2, gb3,
                    ob0, ob1, gs0, gs1, gs2, gs3, os0, os1):
    wid = lax.axis_index("s") * NC + lax.axis_index("c")
    base = wid * BPW

    pltpu.sync_copy(nodes_hbm.at[wid], sidx_v)
    pltpu.sync_copy(neigh_hbm.at[wid], nidx_v)

    sbufs = (srows0, srows1)
    gbufs = (gb0, gb1, gb2, gb3)
    gsems = (gs0, gs1, gs2, gs3)
    obufs = (ob0, ob1)
    osems = (os0, os1)

    pltpu.make_async_copy(table_hbm.at[sidx_v.at[0]], srows0, gs0).start()
    for g in range(NSG):
        b = g % 2
        if g + 1 < NSG:
            nb = (g + 1) % 2
            pltpu.make_async_copy(
                table_hbm.at[sidx_v.at[g + 1]], sbufs[nb], gsems[nb]).start()
        pltpu.make_async_copy(
            table_hbm.at[sidx_v.at[g]], sbufs[b], gsems[b]).wait()
        pltpu.sync_copy(sbufs[b], self_out.at[pl.ds(base + g * SG, SG)])

    for b in range(NRING - 1):
        pltpu.make_async_copy(
            table_hbm.at[nidx_v.at[b]], gbufs[b], gsems[b]).start()

    def ring_body(g, _):
        for b in range(NRING):
            it = g * NRING + b
            ob = b % 2
            pltpu.make_async_copy(
                table_hbm.at[nidx_v.at[it]], gbufs[b], gsems[b]).wait()

            if b >= 2:
                pltpu.make_async_copy(
                    obufs[ob], mean_out.at[pl.ds(base, GN)],
                    osems[ob]).wait()
            else:
                @pl.when(g >= 1)
                def _():
                    pltpu.make_async_copy(
                        obufs[ob], mean_out.at[pl.ds(base, GN)],
                        osems[ob]).wait()

            def node_body(n, _):
                for d in range(D // L):
                    col = pl.ds(d * L, L)
                    obufs[ob][n, col] = gbufs[b][n * NNE, col]
                return 0

            lax.fori_loop(0, CH, node_body, 0)

            @pl.when(it + NRING - 1 < NIT)
            def _():
                pltpu.make_async_copy(
                    table_hbm.at[nidx_v.at[it + NRING - 1]],
                    gbufs[(b + NRING - 1) % NRING],
                    gsems[(b + NRING - 1) % NRING]).start()

            pltpu.make_async_copy(
                obufs[ob],
                mean_out.at[pl.ds(base + it * GN, GN)],
                osems[ob]).start()
        return 0

    lax.fori_loop(0, NIT // NRING, ring_body, 0)

    for ob in range(2):
        pltpu.make_async_copy(
            obufs[ob], mean_out.at[pl.ds(base, GN)], osems[ob]).wait()


def _mm_body(s_ref, m_ref, w1_ref, w2_ref, o_ref):
    acc = jnp.dot(s_ref[...], w1_ref[...], preferred_element_type=jnp.float32)
    acc += jnp.dot(m_ref[...], w2_ref[...], preferred_element_type=jnp.float32)
    o_ref[...] = jnp.maximum(acc, 0.0)


_BM = 1024


@jax.jit
def kernel(feat_table, nodes, neigh_idx, weight):
    nodes_r = nodes.astype(jnp.int32).reshape(NW, NSG, SG)
    neigh_r = neigh_idx.astype(jnp.int32).reshape(NW, NIT, GI)

    self_f, mean_f = _sc_gather_mean(nodes_r, neigh_r, feat_table)

    out = pl.pallas_call(
        _mm_body,
        grid=(B // _BM,),
        in_specs=[
            pl.BlockSpec((_BM, D), lambda i: (i, 0)),
            pl.BlockSpec((_BM, D), lambda i: (i, 0)),
            pl.BlockSpec((D, D), lambda i: (0, 0)),
            pl.BlockSpec((D, D), lambda i: (0, 0)),
        ],
        out_specs=pl.BlockSpec((_BM, D), lambda i: (i, 0)),
        out_shape=jax.ShapeDtypeStruct((B, D), jnp.float32),
    )(self_f, mean_f, weight[:D], weight[D:])
    return out

# --- scband reference (transcript-rebuilt; emitter-appended) ---
"""Pipeline reference for scband-encoder-17532056502284 (READ-ONLY COPY).

The authoritative reference and input builder live on the scoring server;
editing this copy changes nothing except your own understanding.
"""

import jax, jax.numpy as jnp
import numpy as np

N_NODES = 50000
D_FEAT = 256
EMBED_DIM = 256
BATCH = 16384
NUM_SAMPLE = 10


def setup_inputs(seed: int = 0) -> dict:
    key = jax.random.key(seed)
    k1, k2, k3, k4 = jax.random.split(key, 4)
    feat_table = jax.random.normal(k1, (N_NODES, D_FEAT), dtype=jnp.float32)
    nodes = jax.random.randint(k2, (BATCH,), 0, N_NODES, dtype=jnp.int64) if jax.config.jax_enable_x64 else jax.random.randint(k2, (BATCH,), 0, N_NODES).astype(jnp.int32)
    neigh_idx = jax.random.randint(k3, (BATCH, NUM_SAMPLE), 0, N_NODES).astype(jnp.int32)
    # xavier_uniform init for weight [2*feat_dim, embed_dim] (gcn=False -> concat self + neigh)
    lim = float(np.sqrt(6.0 / (2 * D_FEAT + EMBED_DIM)))
    weight = jax.random.uniform(k4, (2 * D_FEAT, EMBED_DIM), minval=-lim, maxval=lim, dtype=jnp.float32)
    return {"feat_table": feat_table, "nodes": nodes, "neigh_idx": neigh_idx, "weight": weight}


def reference(feat_table, nodes, neigh_idx, weight):
    # MeanAggregator over num_sample sampled neighbors per node
    neigh_feats = jnp.take(feat_table, neigh_idx, axis=0).mean(axis=1)  # [B, d_feat]
    # gcn=False branch: concat self features with aggregated neighbor features
    self_feats = jnp.take(feat_table, nodes, axis=0)  # [B, d_feat]
    combined = jnp.concatenate([self_feats, neigh_feats], axis=1)  # [B, 2*d_feat]
    out = jax.nn.relu(combined @ weight)  # [B, embed_dim]
    return out

if __name__ == "__main__":
    import jax
    _d = setup_inputs()
    print(jax.jit(kernel)(*tuple(_d.values())))

</pallas_src>

<mosaic_0001>
#map = affine_map<(d0, d1) -> (0, 0, 0)>
#map1 = affine_map<(d0, d1) -> (0, 0)>
module attributes {stable_mosaic.version = 14 : i64} {
  func.func @_sc_gather_mean(%arg0: i32, %arg1: i32, %arg2: memref<32x8x64xi32, #tpu.memory_space<hbm>>, %arg3: memref<32x64x80xi32, #tpu.memory_space<hbm>>, %arg4: memref<50000x256xf32, #tpu.memory_space<hbm>>, %arg5: memref<16384x256xf32, #tpu.memory_space<hbm>>, %arg6: memref<16384x256xf32, #tpu.memory_space<hbm>>, %arg7: memref<8x64xi32, #tpu.memory_space<vmem>>, %arg8: memref<64x80xi32, #tpu.memory_space<vmem>>, %arg9: memref<64x256xf32, #tpu.memory_space<vmem>>, %arg10: memref<64x256xf32, #tpu.memory_space<vmem>>, %arg11: memref<80x256xf32, #tpu.memory_space<vmem>>, %arg12: memref<80x256xf32, #tpu.memory_space<vmem>>, %arg13: memref<80x256xf32, #tpu.memory_space<vmem>>, %arg14: memref<80x256xf32, #tpu.memory_space<vmem>>, %arg15: memref<8x256xf32, #tpu.memory_space<vmem>>, %arg16: memref<8x256xf32, #tpu.memory_space<vmem>>, %arg17: memref<!tpu.dma_semaphore, #tpu.memory_space<semaphore_mem>>, %arg18: memref<!tpu.dma_semaphore, #tpu.memory_space<semaphore_mem>>, %arg19: memref<!tpu.dma_semaphore, #tpu.memory_space<semaphore_mem>>, %arg20: memref<!tpu.dma_semaphore, #tpu.memory_space<semaphore_mem>>, %arg21: memref<!tpu.dma_semaphore, #tpu.memory_space<semaphore_mem>>, %arg22: memref<!tpu.dma_semaphore, #tpu.memory_space<semaphore_mem>>) attributes {dimension_semantics = [#tpu.dimension_semantics<core_parallel>, #tpu.dimension_semantics<subcore_parallel>], iteration_bounds = array<i64: 2, 16>, scalar_prefetch = 0 : i64, scratch_operands = 16 : i64, tpu.core_type = #tpu.core_type<sc_vector_subcore>, window_params = [{transform_indices = #map}, {transform_indices = #map}, {transform_indices = #map1}, {transform_indices = #map1}, {transform_indices = #map1}]} {
    %mul3A = arith.constant 2 : i32
    %mul3A_0 = arith.muli %arg1, %mul3A : i32
    %add3A = arith.addi %mul3A_0, %arg0 : i32
    %mul3A_1 = arith.constant 512 : i32
    %mul3A_2 = arith.muli %add3A, %mul3A_1 : i32
    "tpu.region"() ({
      %run_scoped3A = tpu.sem_alloc : memref<!tpu.dma_semaphore, #tpu.memory_space<semaphore_mem>>
      %dma_start3A_164 = arith.constant 0 : i32
      %dma_start3A_165 = arith.constant 0 : i32
      %dma_start3A_166 = tpu.memref_slice %arg2[%add3A, %dma_start3A_164, %dma_start3A_165] : memref<32x8x64xi32, #tpu.memory_space<hbm>> -> memref<1x8x64xi32, #tpu.memory_space<hbm>>
      %dma_start3A_167 = tpu.memref_squeeze %dma_start3A_166 : memref<1x8x64xi32, #tpu.memory_space<hbm>> -> memref<8x64xi32, #tpu.memory_space<hbm>>
      %dma_start3A_168 = arith.constant 0 : i32
      %dma_start3A_169 = arith.constant 0 : i32
      %dma_start3A_170 = tpu.memref_slice %arg2[%add3A, %dma_start3A_168, %dma_start3A_169] : memref<32x8x64xi32, #tpu.memory_space<hbm>> -> memref<1x8x64xi32, #tpu.memory_space<hbm>>
      %dma_start3A_171 = tpu.memref_squeeze %dma_start3A_170 : memref<1x8x64xi32, #tpu.memory_space<hbm>> -> memref<8x64xi32, #tpu.memory_space<hbm>>
      tpu.enqueue_dma source(%dma_start3A_171 : memref<8x64xi32, #tpu.memory_space<hbm>>) target(%arg7 : memref<8x64xi32, #tpu.memory_space<vmem>>) target_semaphore(%run_scoped3A : memref<!tpu.dma_semaphore, #tpu.memory_space<semaphore_mem>>)
      %dma_wait3A_172 = arith.constant 0 : i32
      %dma_wait3A_173 = arith.constant 0 : i32
      %dma_wait3A_174 = tpu.memref_slice %arg2[%add3A, %dma_wait3A_172, %dma_wait3A_173] : memref<32x8x64xi32, #tpu.memory_space<hbm>> -> memref<1x8x64xi32, #tpu.memory_space<hbm>>
      %dma_wait3A_175 = tpu.memref_squeeze %dma_wait3A_174 : memref<1x8x64xi32, #tpu.memory_space<hbm>> -> memref<8x64xi32, #tpu.memory_space<hbm>>
      %dma_wait3A_176 = arith.constant 0 : i32
      %dma_wait3A_177 = arith.constant 0 : i32
      %dma_wait3A_178 = tpu.memref_slice %arg2[%add3A, %dma_wait3A_176, %dma_wait3A_177] : memref<32x8x64xi32, #tpu.memory_space<hbm>> -> memref<1x8x64xi32, #tpu.memory_space<hbm>>
      %dma_wait3A_179 = tpu.memref_squeeze %dma_wait3A_178 : memref<1x8x64xi32, #tpu.memory_space<hbm>> -> memref<8x64xi32, #tpu.memory_space<hbm>>
      tpu.wait_dma2 semaphore(%run_scoped3A : memref<!tpu.dma_semaphore, #tpu.memory_space<semaphore_mem>>) src(%dma_wait3A_179 : memref<8x64xi32, #tpu.memory_space<hbm>>) dst(%arg7 : memref<8x64xi32, #tpu.memory_space<vmem>>)
      tpu.yield
    }) : () -> ()
    "tpu.region"() ({
      %run_scoped3A = tpu.sem_alloc : memref<!tpu.dma_semaphore, #tpu.memory_space<semaphore_mem>>
      %dma_start3A_164 = arith.constant 0 : i32
      %dma_start3A_165 = arith.constant 0 : i32
      %dma_start3A_166 = tpu.memref_slice %arg3[%add3A, %dma_start3A_164, %dma_start3A_165] : memref<32x64x80xi32, #tpu.memory_space<hbm>> -> memref<1x64x80xi32, #tpu.memory_space<hbm>>
      %dma_start3A_167 = tpu.memref_squeeze %dma_start3A_166 : memref<1x64x80xi32, #tpu.memory_space<hbm>> -> memref<64x80xi32, #tpu.memory_space<hbm>>
      %dma_start3A_168 = arith.constant 0 : i32
      %dma_start3A_169 = arith.constant 0 : i32
      %dma_start3A_170 = tpu.memref_slice %arg3[%add3A, %dma_start3A_168, %dma_start3A_169] : memref<32x64x80xi32, #tpu.memory_space<hbm>> -> memref<1x64x80xi32, #tpu.memory_space<hbm>>
      %dma_start3A_171 = tpu.memref_squeeze %dma_start3A_170 : memref<1x64x80xi32, #tpu.memory_space<hbm>> -> memref<64x80xi32, #tpu.memory_space<hbm>>
      tpu.enqueue_dma source(%dma_start3A_171 : memref<64x80xi32, #tpu.memory_space<hbm>>) target(%arg8 : memref<64x80xi32, #tpu.memory_space<vmem>>) target_semaphore(%run_scoped3A : memref<!tpu.dma_semaphore, #tpu.memory_space<semaphore_mem>>)
      %dma_wait3A_172 = arith.constant 0 : i32
      %dma_wait3A_173 = arith.constant 0 : i32
      %dma_wait3A_174 = tpu.memref_slice %arg3[%add3A, %dma_wait3A_172, %dma_wait3A_173] : memref<32x64x80xi32, #tpu.memory_space<hbm>> -> memref<1x64x80xi32, #tpu.memory_space<hbm>>
      %dma_wait3A_175 = tpu.memref_squeeze %dma_wait3A_174 : memref<1x64x80xi32, #tpu.memory_space<hbm>> -> memref<64x80xi32, #tpu.memory_space<hbm>>
      %dma_wait3A_176 = arith.constant 0 : i32
      %dma_wait3A_177 = arith.constant 0 : i32
      %dma_wait3A_178 = tpu.memref_slice %arg3[%add3A, %dma_wait3A_176, %dma_wait3A_177] : memref<32x64x80xi32, #tpu.memory_space<hbm>> -> memref<1x64x80xi32, #tpu.memory_space<hbm>>
      %dma_wait3A_179 = tpu.memref_squeeze %dma_wait3A_178 : memref<1x64x80xi32, #tpu.memory_space<hbm>> -> memref<64x80xi32, #tpu.memory_space<hbm>>
      tpu.wait_dma2 semaphore(%run_scoped3A : memref<!tpu.dma_semaphore, #tpu.memory_space<semaphore_mem>>) src(%dma_wait3A_179 : memref<64x80xi32, #tpu.memory_space<hbm>>) dst(%arg8 : memref<64x80xi32, #tpu.memory_space<vmem>>)
      tpu.yield
    }) : () -> ()
    %dma_start3A = arith.constant 0 : i32
    %dma_start3A_3 = arith.constant 0 : i32
    %dma_start3A_4 = tpu.memref_slice %arg7[%dma_start3A, %dma_start3A_3] : memref<8x64xi32, #tpu.memory_space<vmem>> -> memref<1x64xi32, #tpu.memory_space<vmem>>
    %dma_start3A_5 = tpu.memref_squeeze %dma_start3A_4 : memref<1x64xi32, #tpu.memory_space<vmem>> -> memref<64xi32, #tpu.memory_space<vmem>>
    %dma_start3A_6 = arith.constant 0 : i32
    %dma_start3A_7 = arith.constant 0 : i32
    %dma_start3A_8 = tpu.memref_slice %arg4[%dma_start3A_6, %dma_start3A_7] : memref<50000x256xf32, #tpu.memory_space<hbm>> -> memref<50000x256xf32, #tpu.memory_space<hbm>>
    tpu.enqueue_indirect_dma source(%dma_start3A_8 : memref<50000x256xf32, #tpu.memory_space<hbm>>) target(%arg9 : memref<64x256xf32, #tpu.memory_space<vmem>>) offsets(%dma_start3A_5 : memref<64xi32, #tpu.memory_space<vmem>>) semaphore(%arg17 : memref<!tpu.dma_semaphore, #tpu.memory_space<semaphore_mem>>)
    %dma_start3A_9 = arith.constant 1 : i32
    %dma_start3A_10 = arith.constant 0 : i32
    %dma_start3A_11 = tpu.memref_slice %arg7[%dma_start3A_9, %dma_start3A_10] : memref<8x64xi32, #tpu.memory_space<vmem>> -> memref<1x64xi32, #tpu.memory_space<vmem>>
    %dma_start3A_12 = tpu.memref_squeeze %dma_start3A_11 : memref<1x64xi32, #tpu.memory_space<vmem>> -> memref<64xi32, #tpu.memory_space<vmem>>
    %dma_start3A_13 = arith.constant 0 : i32
    %dma_start3A_14 = arith.constant 0 : i32
    %dma_start3A_15 = tpu.memref_slice %arg4[%dma_start3A_13, %dma_start3A_14] : memref<50000x256xf32, #tpu.memory_space<hbm>> -> memref<50000x256xf32, #tpu.memory_space<hbm>>
    tpu.enqueue_indirect_dma source(%dma_start3A_15 : memref<50000x256xf32, #tpu.memory_space<hbm>>) target(%arg10 : memref<64x256xf32, #tpu.memory_space<vmem>>) offsets(%dma_start3A_12 : memref<64xi32, #tpu.memory_space<vmem>>) semaphore(%arg18 : memref<!tpu.dma_semaphore, #tpu.memory_space<semaphore_mem>>)
    %dma_wait3A = arith.constant 0 : i32
    %dma_wait3A_16 = arith.constant 0 : i32
    %dma_wait3A_17 = tpu.memref_slice %arg7[%dma_wait3A, %dma_wait3A_16] : memref<8x64xi32, #tpu.memory_space<vmem>> -> memref<1x64xi32, #tpu.memory_space<vmem>>
    %dma_wait3A_18 = tpu.memref_squeeze %dma_wait3A_17 : memref<1x64xi32, #tpu.memory_space<vmem>> -> memref<64xi32, #tpu.memory_space<vmem>>
    %dma_wait3A_19 = arith.constant 0 : i32
    %dma_wait3A_20 = arith.constant 0 : i32
    %dma_wait3A_21 = tpu.memref_slice %arg4[%dma_wait3A_19, %dma_wait3A_20] : memref<50000x256xf32, #tpu.memory_space<hbm>> -> memref<50000x256xf32, #tpu.memory_space<hbm>>
    tpu.wait_indirect_dma semaphore(%arg17 : memref<!tpu.dma_semaphore, #tpu.memory_space<semaphore_mem>>) src(%dma_wait3A_21 : memref<50000x256xf32, #tpu.memory_space<hbm>>) dst(%arg9 : memref<64x256xf32, #tpu.memory_space<vmem>>)
    %add3A_22 = arith.constant 0 : i32
    %add3A_23 = arith.addi %mul3A_2, %add3A_22 : i32
    "tpu.region"() ({
      %run_scoped3A = tpu.sem_alloc : memref<!tpu.dma_semaphore, #tpu.memory_space<semaphore_mem>>
      %dma_start3A_164 = arith.constant 0 : i32
      %dma_start3A_165 = tpu.memref_slice %arg5[%add3A_23, %dma_start3A_164] : memref<16384x256xf32, #tpu.memory_space<hbm>> -> memref<64x256xf32, #tpu.memory_space<hbm>>
      %dma_start3A_166 = arith.constant 0 : i32
      %dma_start3A_167 = tpu.memref_slice %arg5[%add3A_23, %dma_start3A_166] : memref<16384x256xf32, #tpu.memory_space<hbm>> -> memref<64x256xf32, #tpu.memory_space<hbm>>
      tpu.enqueue_dma source(%arg9 : memref<64x256xf32, #tpu.memory_space<vmem>>) target(%dma_start3A_167 : memref<64x256xf32, #tpu.memory_space<hbm>>) target_semaphore(%run_scoped3A : memref<!tpu.dma_semaphore, #tpu.memory_space<semaphore_mem>>)
      %dma_wait3A_168 = arith.constant 0 : i32
      %dma_wait3A_169 = tpu.memref_slice %arg5[%add3A_23, %dma_wait3A_168] : memref<16384x256xf32, #tpu.memory_space<hbm>> -> memref<64x256xf32, #tpu.memory_space<hbm>>
      %dma_wait3A_170 = arith.constant 0 : i32
      %dma_wait3A_171 = tpu.memref_slice %arg5[%add3A_23, %dma_wait3A_170] : memref<16384x256xf32, #tpu.memory_space<hbm>> -> memref<64x256xf32, #tpu.memory_space<hbm>>
      tpu.wait_dma2 semaphore(%run_scoped3A : memref<!tpu.dma_semaphore, #tpu.memory_space<semaphore_mem>>) src(%arg9 : memref<64x256xf32, #tpu.memory_space<vmem>>) dst(%dma_wait3A_171 : memref<64x256xf32, #tpu.memory_space<hbm>>)
      tpu.yield
    }) : () -> ()
    %dma_start3A_24 = arith.constant 2 : i32
    %dma_start3A_25 = arith.constant 0 : i32
    %dma_start3A_26 = tpu.memref_slice %arg7[%dma_start3A_24, %dma_start3A_25] : memref<8x64xi32, #tpu.memory_space<vmem>> -> memref<1x64xi32, #tpu.memory_space<vmem>>
    %dma_start3A_27 = tpu.memref_squeeze %dma_start3A_26 : memref<1x64xi32, #tpu.memory_space<vmem>> -> memref<64xi32, #tpu.memory_space<vmem>>
    %dma_start3A_28 = arith.constant 0 : i32
    %dma_start3A_29 = arith.constant 0 : i32
    %dma_start3A_30 = tpu.memref_slice %arg4[%dma_start3A_28, %dma_start3A_29] : memref<50000x256xf32, #tpu.memory_space<hbm>> -> memref<50000x256xf32, #tpu.memory_space<hbm>>
    tpu.enqueue_indirect_dma source(%dma_start3A_30 : memref<50000x256xf32, #tpu.memory_space<hbm>>) target(%arg9 : memref<64x256xf32, #tpu.memory_space<vmem>>) offsets(%dma_start3A_27 : memref<64xi32, #tpu.memory_space<vmem>>) semaphore(%arg17 : memref<!tpu.dma_semaphore, #tpu.memory_space<semaphore_mem>>)
    %dma_wait3A_31 = arith.constant 1 : i32
    %dma_wait3A_32 = arith.constant 0 : i32
    %dma_wait3A_33 = tpu.memref_slice %arg7[%dma_wait3A_31, %dma_wait3A_32] : memref<8x64xi32, #tpu.memory_space<vmem>> -> memref<1x64xi32, #tpu.memory_space<vmem>>
    %dma_wait3A_34 = tpu.memref_squeeze %dma_wait3A_33 : memref<1x64xi32, #tpu.memory_space<vmem>> -> memref<64xi32, #tpu.memory_space<vmem>>
    %dma_wait3A_35 = arith.constant 0 : i32
    %dma_wait3A_36 = arith.constant 0 : i32
    %dma_wait3A_37 = tpu.memref_slice %arg4[%dma_wait3A_35, %dma_wait3A_36] : memref<50000x256xf32, #tpu.memory_space<hbm>> -> memref<50000x256xf32, #tpu.memory_space<hbm>>
    tpu.wait_indirect_dma semaphore(%arg18 : memref<!tpu.dma_semaphore, #tpu.memory_space<semaphore_mem>>) src(%dma_wait3A_37 : memref<50000x256xf32, #tpu.memory_space<hbm>>) dst(%arg10 : memref<64x256xf32, #tpu.memory_space<vmem>>)
    %add3A_38 = arith.constant 64 : i32
    %add3A_39 = arith.addi %mul3A_2, %add3A_38 : i32
    "tpu.region"() ({
      %run_scoped3A = tpu.sem_alloc : memref<!tpu.dma_semaphore, #tpu.memory_space<semaphore_mem>>
      %dma_start3A_164 = arith.constant 0 : i32
      %dma_start3A_165 = tpu.memref_slice %arg5[%add3A_39, %dma_start3A_164] : memref<16384x256xf32, #tpu.memory_space<hbm>> -> memref<64x256xf32, #tpu.memory_space<hbm>>
      %dma_start3A_166 = arith.constant 0 : i32
      %dma_start3A_167 = tpu.memref_slice %arg5[%add3A_39, %dma_start3A_166] : memref<16384x256xf32, #tpu.memory_space<hbm>> -> memref<64x256xf32, #tpu.memory_space<hbm>>
      tpu.enqueue_dma source(%arg10 : memref<64x256xf32, #tpu.memory_space<vmem>>) target(%dma_start3A_167 : memref<64x256xf32, #tpu.memory_space<hbm>>) target_semaphore(%run_scoped3A : memref<!tpu.dma_semaphore, #tpu.memory_space<semaphore_mem>>)
      %dma_wait3A_168 = arith.constant 0 : i32
      %dma_wait3A_169 = tpu.memref_slice %arg5[%add3A_39, %dma_wait3A_168] : memref<16384x256xf32, #tpu.memory_space<hbm>> -> memref<64x256xf32, #tpu.memory_space<hbm>>
      %dma_wait3A_170 = arith.constant 0 : i32
      %dma_wait3A_171 = tpu.memref_slice %arg5[%add3A_39, %dma_wait3A_170] : memref<16384x256xf32, #tpu.memory_space<hbm>> -> memref<64x256xf32, #tpu.memory_space<hbm>>
      tpu.wait_dma2 semaphore(%run_scoped3A : memref<!tpu.dma_semaphore, #tpu.memory_space<semaphore_mem>>) src(%arg10 : memref<64x256xf32, #tpu.memory_space<vmem>>) dst(%dma_wait3A_171 : memref<64x256xf32, #tpu.memory_space<hbm>>)
      tpu.yield
    }) : () -> ()
    %dma_start3A_40 = arith.constant 3 : i32
    %dma_start3A_41 = arith.constant 0 : i32
    %dma_start3A_42 = tpu.memref_slice %arg7[%dma_start3A_40, %dma_start3A_41] : memref<8x64xi32, #tpu.memory_space<vmem>> -> memref<1x64xi32, #tpu.memory_space<vmem>>
    %dma_start3A_43 = tpu.memref_squeeze %dma_start3A_42 : memref<1x64xi32, #tpu.memory_space<vmem>> -> memref<64xi32, #tpu.memory_space<vmem>>
    %dma_start3A_44 = arith.constant 0 : i32
    %dma_start3A_45 = arith.constant 0 : i32
    %dma_start3A_46 = tpu.memref_slice %arg4[%dma_start3A_44, %dma_start3A_45] : memref<50000x256xf32, #tpu.memory_space<hbm>> -> memref<50000x256xf32, #tpu.memory_space<hbm>>
    tpu.enqueue_indirect_dma source(%dma_start3A_46 : memref<50000x256xf32, #tpu.memory_space<hbm>>) target(%arg10 : memref<64x256xf32, #tpu.memory_space<vmem>>) offsets(%dma_start3A_43 : memref<64xi32, #tpu.memory_space<vmem>>) semaphore(%arg18 : memref<!tpu.dma_semaphore, #tpu.memory_space<semaphore_mem>>)
    %dma_wait3A_47 = arith.constant 2 : i32
    %dma_wait3A_48 = arith.constant 0 : i32
    %dma_wait3A_49 = tpu.memref_slice %arg7[%dma_wait3A_47, %dma_wait3A_48] : memref<8x64xi32, #tpu.memory_space<vmem>> -> memref<1x64xi32, #tpu.memory_space<vmem>>
    %dma_wait3A_50 = tpu.memref_squeeze %dma_wait3A_49 : memref<1x64xi32, #tpu.memory_space<vmem>> -> memref<64xi32, #tpu.memory_space<vmem>>
    %dma_wait3A_51 = arith.constant 0 : i32
    %dma_wait3A_52 = arith.constant 0 : i32
    %dma_wait3A_53 = tpu.memref_slice %arg4[%dma_wait3A_51, %dma_wait3A_52] : memref<50000x256xf32, #tpu.memory_space<hbm>> -> memref<50000x256xf32, #tpu.memory_space<hbm>>
    tpu.wait_indirect_dma semaphore(%arg17 : memref<!tpu.dma_semaphore, #tpu.memory_space<semaphore_mem>>) src(%dma_wait3A_53 : memref<50000x256xf32, #tpu.memory_space<hbm>>) dst(%arg9 : memref<64x256xf32, #tpu.memory_space<vmem>>)
    %add3A_54 = arith.constant 128 : i32
    %add3A_55 = arith.addi %mul3A_2, %add3A_54 : i32
    "tpu.region"() ({
      %run_scoped3A = tpu.sem_alloc : memref<!tpu.dma_semaphore, #tpu.memory_space<semaphore_mem>>
      %dma_start3A_164 = arith.constant 0 : i32
      %dma_start3A_165 = tpu.memref_slice %arg5[%add3A_55, %dma_start3A_164] : memref<16384x256xf32, #tpu.memory_space<hbm>> -> memref<64x256xf32, #tpu.memory_space<hbm>>
      %dma_start3A_166 = arith.constant 0 : i32
      %dma_start3A_167 = tpu.memref_slice %arg5[%add3A_55, %dma_start3A_166] : memref<16384x256xf32, #tpu.memory_space<hbm>> -> memref<64x256xf32, #tpu.memory_space<hbm>>
      tpu.enqueue_dma source(%arg9 : memref<64x256xf32, #tpu.memory_space<vmem>>) target(%dma_start3A_167 : memref<64x256xf32, #tpu.memory_space<hbm>>) target_semaphore(%run_scoped3A : memref<!tpu.dma_semaphore, #tpu.memory_space<semaphore_mem>>)
      %dma_wait3A_168 = arith.constant 0 : i32
      %dma_wait3A_169 = tpu.memref_slice %arg5[%add3A_55, %dma_wait3A_168] : memref<16384x256xf32, #tpu.memory_space<hbm>> -> memref<64x256xf32, #tpu.memory_space<hbm>>
      %dma_wait3A_170 = arith.constant 0 : i32
      %dma_wait3A_171 = tpu.memref_slice %arg5[%add3A_55, %dma_wait3A_170] : memref<16384x256xf32, #tpu.memory_space<hbm>> -> memref<64x256xf32, #tpu.memory_space<hbm>>
      tpu.wait_dma2 semaphore(%run_scoped3A : memref<!tpu.dma_semaphore, #tpu.memory_space<semaphore_mem>>) src(%arg9 : memref<64x256xf32, #tpu.memory_space<vmem>>) dst(%dma_wait3A_171 : memref<64x256xf32, #tpu.memory_space<hbm>>)
      tpu.yield
    }) : () -> ()
    %dma_start3A_56 = arith.constant 4 : i32
    %dma_start3A_57 = arith.constant 0 : i32
    %dma_start3A_58 = tpu.memref_slice %arg7[%dma_start3A_56, %dma_start3A_57] : memref<8x64xi32, #tpu.memory_space<vmem>> -> memref<1x64xi32, #tpu.memory_space<vmem>>
    %dma_start3A_59 = tpu.memref_squeeze %dma_start3A_58 : memref<1x64xi32, #tpu.memory_space<vmem>> -> memref<64xi32, #tpu.memory_space<vmem>>
    %dma_start3A_60 = arith.constant 0 : i32
    %dma_start3A_61 = arith.constant 0 : i32
    %dma_start3A_62 = tpu.memref_slice %arg4[%dma_start3A_60, %dma_start3A_61] : memref<50000x256xf32, #tpu.memory_space<hbm>> -> memref<50000x256xf32, #tpu.memory_space<hbm>>
    tpu.enqueue_indirect_dma source(%dma_start3A_62 : memref<50000x256xf32, #tpu.memory_space<hbm>>) target(%arg9 : memref<64x256xf32, #tpu.memory_space<vmem>>) offsets(%dma_start3A_59 : memref<64xi32, #tpu.memory_space<vmem>>) semaphore(%arg17 : memref<!tpu.dma_semaphore, #tpu.memory_space<semaphore_mem>>)
    %dma_wait3A_63 = arith.constant 3 : i32
    %dma_wait3A_64 = arith.constant 0 : i32
    %dma_wait3A_65 = tpu.memref_slice %arg7[%dma_wait3A_63, %dma_wait3A_64] : memref<8x64xi32, #tpu.memory_space<vmem>> -> memref<1x64xi32, #tpu.memory_space<vmem>>
    %dma_wait3A_66 = tpu.memref_squeeze %dma_wait3A_65 : memref<1x64xi32, #tpu.memory_space<vmem>> -> memref<64xi32, #tpu.memory_space<vmem>>
    %dma_wait3A_67 = arith.constant 0 : i32
    %dma_wait3A_68 = arith.constant 0 : i32
    %dma_wait3A_69 = tpu.memref_slice %arg4[%dma_wait3A_67, %dma_wait3A_68] : memref<50000x256xf32, #tpu.memory_space<hbm>> -> memref<50000x256xf32, #tpu.memory_space<hbm>>
    tpu.wait_indirect_dma semaphore(%arg18 : memref<!tpu.dma_semaphore, #tpu.memory_space<semaphore_mem>>) src(%dma_wait3A_69 : memref<50000x256xf32, #tpu.memory_space<hbm>>) dst(%arg10 : memref<64x256xf32, #tpu.memory_space<vmem>>)
    %add3A_70 = arith.constant 192 : i32
    %add3A_71 = arith.addi %mul3A_2, %add3A_70 : i32
    "tpu.region"() ({
      %run_scoped3A = tpu.sem_alloc : memref<!tpu.dma_semaphore, #tpu.memory_space<semaphore_mem>>
      %dma_start3A_164 = arith.constant 0 : i32
      %dma_start3A_165 = tpu.memref_slice %arg5[%add3A_71, %dma_start3A_164] : memref<16384x256xf32, #tpu.memory_space<hbm>> -> memref<64x256xf32, #tpu.memory_space<hbm>>
      %dma_start3A_166 = arith.constant 0 : i32
      %dma_start3A_167 = tpu.memref_slice %arg5[%add3A_71, %dma_start3A_166] : memref<16384x256xf32, #tpu.memory_space<hbm>> -> memref<64x256xf32, #tpu.memory_space<hbm>>
      tpu.enqueue_dma source(%arg10 : memref<64x256xf32, #tpu.memory_space<vmem>>) target(%dma_start3A_167 : memref<64x256xf32, #tpu.memory_space<hbm>>) target_semaphore(%run_scoped3A : memref<!tpu.dma_semaphore, #tpu.memory_space<semaphore_mem>>)
      %dma_wait3A_168 = arith.constant 0 : i32
      %dma_wait3A_169 = tpu.memref_slice %arg5[%add3A_71, %dma_wait3A_168] : memref<16384x256xf32, #tpu.memory_space<hbm>> -> memref<64x256xf32, #tpu.memory_space<hbm>>
      %dma_wait3A_170 = arith.constant 0 : i32
      %dma_wait3A_171 = tpu.memref_slice %arg5[%add3A_71, %dma_wait3A_170] : memref<16384x256xf32, #tpu.memory_space<hbm>> -> memref<64x256xf32, #tpu.memory_space<hbm>>
      tpu.wait_dma2 semaphore(%run_scoped3A : memref<!tpu.dma_semaphore, #tpu.memory_space<semaphore_mem>>) src(%arg10 : memref<64x256xf32, #tpu.memory_space<vmem>>) dst(%dma_wait3A_171 : memref<64x256xf32, #tpu.memory_space<hbm>>)
      tpu.yield
    }) : () -> ()
    %dma_start3A_72 = arith.constant 5 : i32
    %dma_start3A_73 = arith.constant 0 : i32
    %dma_start3A_74 = tpu.memref_slice %arg7[%dma_start3A_72, %dma_start3A_73] : memref<8x64xi32, #tpu.memory_space<vmem>> -> memref<1x64xi32, #tpu.memory_space<vmem>>
    %dma_start3A_75 = tpu.memref_squeeze %dma_start3A_74 : memref<1x64xi32, #tpu.memory_space<vmem>> -> memref<64xi32, #tpu.memory_space<vmem>>
    %dma_start3A_76 = arith.constant 0 : i32
    %dma_start3A_77 = arith.constant 0 : i32
    %dma_start3A_78 = tpu.memref_slice %arg4[%dma_start3A_76, %dma_start3A_77] : memref<50000x256xf32, #tpu.memory_space<hbm>> -> memref<50000x256xf32, #tpu.memory_space<hbm>>
    tpu.enqueue_indirect_dma source(%dma_start3A_78 : memref<50000x256xf32, #tpu.memory_space<hbm>>) target(%arg10 : memref<64x256xf32, #tpu.memory_space<vmem>>) offsets(%dma_start3A_75 : memref<64xi32, #tpu.memory_space<vmem>>) semaphore(%arg18 : memref<!tpu.dma_semaphore, #tpu.memory_space<semaphore_mem>>)
    %dma_wait3A_79 = arith.constant 4 : i32
    %dma_wait3A_80 = arith.constant 0 : i32
    %dma_wait3A_81 = tpu.memref_slice %arg7[%dma_wait3A_79, %dma_wait3A_80] : memref<8x64xi32, #tpu.memory_space<vmem>> -> memref<1x64xi32, #tpu.memory_space<vmem>>
    %dma_wait3A_82 = tpu.memref_squeeze %dma_wait3A_81 : memref<1x64xi32, #tpu.memory_space<vmem>> -> memref<64xi32, #tpu.memory_space<vmem>>
    %dma_wait3A_83 = arith.constant 0 : i32
    %dma_wait3A_84 = arith.constant 0 : i32
    %dma_wait3A_85 = tpu.memref_slice %arg4[%dma_wait3A_83, %dma_wait3A_84] : memref<50000x256xf32, #tpu.memory_space<hbm>> -> memref<50000x256xf32, #tpu.memory_space<hbm>>
    tpu.wait_indirect_dma semaphore(%arg17 : memref<!tpu.dma_semaphore, #tpu.memory_space<semaphore_mem>>) src(%dma_wait3A_85 : memref<50000x256xf32, #tpu.memory_space<hbm>>) dst(%arg9 : memref<64x256xf32, #tpu.memory_space<vmem>>)
    %add3A_86 = arith.constant 256 : i32
    %add3A_87 = arith.addi %mul3A_2, %add3A_86 : i32
    "tpu.region"() ({
      %run_scoped3A = tpu.sem_alloc : memref<!tpu.dma_semaphore, #tpu.memory_space<semaphore_mem>>
      %dma_start3A_164 = arith.constant 0 : i32
      %dma_start3A_165 = tpu.memref_slice %arg5[%add3A_87, %dma_start3A_164] : memref<16384x256xf32, #tpu.memory_space<hbm>> -> memref<64x256xf32, #tpu.memory_space<hbm>>
      %dma_start3A_166 = arith.constant 0 : i32
      %dma_start3A_167 = tpu.memref_slice %arg5[%add3A_87, %dma_start3A_166] : memref<16384x256xf32, #tpu.memory_space<hbm>> -> memref<64x256xf32, #tpu.memory_space<hbm>>
      tpu.enqueue_dma source(%arg9 : memref<64x256xf32, #tpu.memory_space<vmem>>) target(%dma_start3A_167 : memref<64x256xf32, #tpu.memory_space<hbm>>) target_semaphore(%run_scoped3A : memref<!tpu.dma_semaphore, #tpu.memory_space<semaphore_mem>>)
      %dma_wait3A_168 = arith.constant 0 : i32
      %dma_wait3A_169 = tpu.memref_slice %arg5[%add3A_87, %dma_wait3A_168] : memref<16384x256xf32, #tpu.memory_space<hbm>> -> memref<64x256xf32, #tpu.memory_space<hbm>>
      %dma_wait3A_170 = arith.constant 0 : i32
      %dma_wait3A_171 = tpu.memref_slice %arg5[%add3A_87, %dma_wait3A_170] : memref<16384x256xf32, #tpu.memory_space<hbm>> -> memref<64x256xf32, #tpu.memory_space<hbm>>
      tpu.wait_dma2 semaphore(%run_scoped3A : memref<!tpu.dma_semaphore, #tpu.memory_space<semaphore_mem>>) src(%arg9 : memref<64x256xf32, #tpu.memory_space<vmem>>) dst(%dma_wait3A_171 : memref<64x256xf32, #tpu.memory_space<hbm>>)
      tpu.yield
    }) : () -> ()
    %dma_start3A_88 = arith.constant 6 : i32
    %dma_start3A_89 = arith.constant 0 : i32
    %dma_start3A_90 = tpu.memref_slice %arg7[%dma_start3A_88, %dma_start3A_89] : memref<8x64xi32, #tpu.memory_space<vmem>> -> memref<1x64xi32, #tpu.memory_space<vmem>>
    %dma_start3A_91 = tpu.memref_squeeze %dma_start3A_90 : memref<1x64xi32, #tpu.memory_space<vmem>> -> memref<64xi32, #tpu.memory_space<vmem>>
    %dma_start3A_92 = arith.constant 0 : i32
    %dma_start3A_93 = arith.constant 0 : i32
    %dma_start3A_94 = tpu.memref_slice %arg4[%dma_start3A_92, %dma_start3A_93] : memref<50000x256xf32, #tpu.memory_space<hbm>> -> memref<50000x256xf32, #tpu.memory_space<hbm>>
    tpu.enqueue_indirect_dma source(%dma_start3A_94 : memref<50000x256xf32, #tpu.memory_space<hbm>>) target(%arg9 : memref<64x256xf32, #tpu.memory_space<vmem>>) offsets(%dma_start3A_91 : memref<64xi32, #tpu.memory_space<vmem>>) semaphore(%arg17 : memref<!tpu.dma_semaphore, #tpu.memory_space<semaphore_mem>>)
    %dma_wait3A_95 = arith.constant 5 : i32
    %dma_wait3A_96 = arith.constant 0 : i32
    %dma_wait3A_97 = tpu.memref_slice %arg7[%dma_wait3A_95, %dma_wait3A_96] : memref<8x64xi32, #tpu.memory_space<vmem>> -> memref<1x64xi32, #tpu.memory_space<vmem>>
    %dma_wait3A_98 = tpu.memref_squeeze %dma_wait3A_97 : memref<1x64xi32, #tpu.memory_space<vmem>> -> memref<64xi32, #tpu.memory_space<vmem>>
    %dma_wait3A_99 = arith.constant 0 : i32
    %dma_wait3A_100 = arith.constant 0 : i32
    %dma_wait3A_101 = tpu.memref_slice %arg4[%dma_wait3A_99, %dma_wait3A_100] : memref<50000x256xf32, #tpu.memory_space<hbm>> -> memref<50000x256xf32, #tpu.memory_space<hbm>>
    tpu.wait_indirect_dma semaphore(%arg18 : memref<!tpu.dma_semaphore, #tpu.memory_space<semaphore_mem>>) src(%dma_wait3A_101 : memref<50000x256xf32, #tpu.memory_space<hbm>>) dst(%arg10 : memref<64x256xf32, #tpu.memory_space<vmem>>)
    %add3A_102 = arith.constant 320 : i32
    %add3A_103 = arith.addi %mul3A_2, %add3A_102 : i32
    "tpu.region"() ({
      %run_scoped3A = tpu.sem_alloc : memref<!tpu.dma_semaphore, #tpu.memory_space<semaphore_mem>>
      %dma_start3A_164 = arith.constant 0 : i32
      %dma_start3A_165 = tpu.memref_slice %arg5[%add3A_103, %dma_start3A_164] : memref<16384x256xf32, #tpu.memory_space<hbm>> -> memref<64x256xf32, #tpu.memory_space<hbm>>
      %dma_start3A_166 = arith.constant 0 : i32
      %dma_start3A_167 = tpu.memref_slice %arg5[%add3A_103, %dma_start3A_166] : memref<16384x256xf32, #tpu.memory_space<hbm>> -> memref<64x256xf32, #tpu.memory_space<hbm>>
      tpu.enqueue_dma source(%arg10 : memref<64x256xf32, #tpu.memory_space<vmem>>) target(%dma_start3A_167 : memref<64x256xf32, #tpu.memory_space<hbm>>) target_semaphore(%run_scoped3A : memref<!tpu.dma_semaphore, #tpu.memory_space<semaphore_mem>>)
      %dma_wait3A_168 = arith.constant 0 : i32
      %dma_wait3A_169 = tpu.memref_slice %arg5[%add3A_103, %dma_wait3A_168] : memref<16384x256xf32, #tpu.memory_space<hbm>> -> memref<64x256xf32, #tpu.memory_space<hbm>>
      %dma_wait3A_170 = arith.constant 0 : i32
      %dma_wait3A_171 = tpu.memref_slice %arg5[%add3A_103, %dma_wait3A_170] : memref<16384x256xf32, #tpu.memory_space<hbm>> -> memref<64x256xf32, #tpu.memory_space<hbm>>
      tpu.wait_dma2 semaphore(%run_scoped3A : memref<!tpu.dma_semaphore, #tpu.memory_space<semaphore_mem>>) src(%arg10 : memref<64x256xf32, #tpu.memory_space<vmem>>) dst(%dma_wait3A_171 : memref<64x256xf32, #tpu.memory_space<hbm>>)
      tpu.yield
    }) : () -> ()
    %dma_start3A_104 = arith.constant 7 : i32
    %dma_start3A_105 = arith.constant 0 : i32
    %dma_start3A_106 = tpu.memref_slice %arg7[%dma_start3A_104, %dma_start3A_105] : memref<8x64xi32, #tpu.memory_space<vmem>> -> memref<1x64xi32, #tpu.memory_space<vmem>>
    %dma_start3A_107 = tpu.memref_squeeze %dma_start3A_106 : memref<1x64xi32, #tpu.memory_space<vmem>> -> memref<64xi32, #tpu.memory_space<vmem>>
    %dma_start3A_108 = arith.constant 0 : i32
    %dma_start3A_109 = arith.constant 0 : i32
    %dma_start3A_110 = tpu.memref_slice %arg4[%dma_start3A_108, %dma_start3A_109] : memref<50000x256xf32, #tpu.memory_space<hbm>> -> memref<50000x256xf32, #tpu.memory_space<hbm>>
    tpu.enqueue_indirect_dma source(%dma_start3A_110 : memref<50000x256xf32, #tpu.memory_space<hbm>>) target(%arg10 : memref<64x256xf32, #tpu.memory_space<vmem>>) offsets(%dma_start3A_107 : memref<64xi32, #tpu.memory_space<vmem>>) semaphore(%arg18 : memref<!tpu.dma_semaphore, #tpu.memory_space<semaphore_mem>>)
    %dma_wait3A_111 = arith.constant 6 : i32
    %dma_wait3A_112 = arith.constant 0 : i32
    %dma_wait3A_113 = tpu.memref_slice %arg7[%dma_wait3A_111, %dma_wait3A_112] : memref<8x64xi32, #tpu.memory_space<vmem>> -> memref<1x64xi32, #tpu.memory_space<vmem>>
    %dma_wait3A_114 = tpu.memref_squeeze %dma_wait3A_113 : memref<1x64xi32, #tpu.memory_space<vmem>> -> memref<64xi32, #tpu.memory_space<vmem>>
    %dma_wait3A_115 = arith.constant 0 : i32
    %dma_wait3A_116 = arith.constant 0 : i32
    %dma_wait3A_117 = tpu.memref_slice %arg4[%dma_wait3A_115, %dma_wait3A_116] : memref<50000x256xf32, #tpu.memory_space<hbm>> -> memref<50000x256xf32, #tpu.memory_space<hbm>>
    tpu.wait_indirect_dma semaphore(%arg17 : memref<!tpu.dma_semaphore, #tpu.memory_space<semaphore_mem>>) src(%dma_wait3A_117 : memref<50000x256xf32, #tpu.memory_space<hbm>>) dst(%arg9 : memref<64x256xf32, #tpu.memory_space<vmem>>)
    %add3A_118 = arith.constant 384 : i32
    %add3A_119 = arith.addi %mul3A_2, %add3A_118 : i32
    "tpu.region"() ({
      %run_scoped3A = tpu.sem_alloc : memref<!tpu.dma_semaphore, #tpu.memory_space<semaphore_mem>>
      %dma_start3A_164 = arith.constant 0 : i32
      %dma_start3A_165 = tpu.memref_slice %arg5[%add3A_119, %dma_start3A_164] : memref<16384x256xf32, #tpu.memory_space<hbm>> -> memref<64x256xf32, #tpu.memory_space<hbm>>
      %dma_start3A_166 = arith.constant 0 : i32
      %dma_start3A_167 = tpu.memref_slice %arg5[%add3A_119, %dma_start3A_166] : memref<16384x256xf32, #tpu.memory_space<hbm>> -> memref<64x256xf32, #tpu.memory_space<hbm>>
      tpu.enqueue_dma source(%arg9 : memref<64x256xf32, #tpu.memory_space<vmem>>) target(%dma_start3A_167 : memref<64x256xf32, #tpu.memory_space<hbm>>) target_semaphore(%run_scoped3A : memref<!tpu.dma_semaphore, #tpu.memory_space<semaphore_mem>>)
      %dma_wait3A_168 = arith.constant 0 : i32
      %dma_wait3A_169 = tpu.memref_slice %arg5[%add3A_119, %dma_wait3A_168] : memref<16384x256xf32, #tpu.memory_space<hbm>> -> memref<64x256xf32, #tpu.memory_space<hbm>>
      %dma_wait3A_170 = arith.constant 0 : i32
      %dma_wait3A_171 = tpu.memref_slice %arg5[%add3A_119, %dma_wait3A_170] : memref<16384x256xf32, #tpu.memory_space<hbm>> -> memref<64x256xf32, #tpu.memory_space<hbm>>
      tpu.wait_dma2 semaphore(%run_scoped3A : memref<!tpu.dma_semaphore, #tpu.memory_space<semaphore_mem>>) src(%arg9 : memref<64x256xf32, #tpu.memory_space<vmem>>) dst(%dma_wait3A_171 : memref<64x256xf32, #tpu.memory_space<hbm>>)
      tpu.yield
    }) : () -> ()
    %dma_wait3A_120 = arith.constant 7 : i32
    %dma_wait3A_121 = arith.constant 0 : i32
    %dma_wait3A_122 = tpu.memref_slice %arg7[%dma_wait3A_120, %dma_wait3A_121] : memref<8x64xi32, #tpu.memory_space<vmem>> -> memref<1x64xi32, #tpu.memory_space<vmem>>
    %dma_wait3A_123 = tpu.memref_squeeze %dma_wait3A_122 : memref<1x64xi32, #tpu.memory_space<vmem>> -> memref<64xi32, #tpu.memory_space<vmem>>
    %dma_wait3A_124 = arith.constant 0 : i32
    %dma_wait3A_125 = arith.constant 0 : i32
    %dma_wait3A_126 = tpu.memref_slice %arg4[%dma_wait3A_124, %dma_wait3A_125] : memref<50000x256xf32, #tpu.memory_space<hbm>> -> memref<50000x256xf32, #tpu.memory_space<hbm>>
    tpu.wait_indirect_dma semaphore(%arg18 : memref<!tpu.dma_semaphore, #tpu.memory_space<semaphore_mem>>) src(%dma_wait3A_126 : memref<50000x256xf32, #tpu.memory_space<hbm>>) dst(%arg10 : memref<64x256xf32, #tpu.memory_space<vmem>>)
    %add3A_127 = arith.constant 448 : i32
    %add3A_128 = arith.addi %mul3A_2, %add3A_127 : i32
    "tpu.region"() ({
      %run_scoped3A = tpu.sem_alloc : memref<!tpu.dma_semaphore, #tpu.memory_space<semaphore_mem>>
      %dma_start3A_164 = arith.constant 0 : i32
      %dma_start3A_165 = tpu.memref_slice %arg5[%add3A_128, %dma_start3A_164] : memref<16384x256xf32, #tpu.memory_space<hbm>> -> memref<64x256xf32, #tpu.memory_space<hbm>>
      %dma_start3A_166 = arith.constant 0 : i32
      %dma_start3A_167 = tpu.memref_slice %arg5[%add3A_128, %dma_start3A_166] : memref<16384x256xf32, #tpu.memory_space<hbm>> -> memref<64x256xf32, #tpu.memory_space<hbm>>
      tpu.enqueue_dma source(%arg10 : memref<64x256xf32, #tpu.memory_space<vmem>>) target(%dma_start3A_167 : memref<64x256xf32, #tpu.memory_space<hbm>>) target_semaphore(%run_scoped3A : memref<!tpu.dma_semaphore, #tpu.memory_space<semaphore_mem>>)
      %dma_wait3A_168 = arith.constant 0 : i32
      %dma_wait3A_169 = tpu.memref_slice %arg5[%add3A_128, %dma_wait3A_168] : memref<16384x256xf32, #tpu.memory_space<hbm>> -> memref<64x256xf32, #tpu.memory_space<hbm>>
      %dma_wait3A_170 = arith.constant 0 : i32
      %dma_wait3A_171 = tpu.memref_slice %arg5[%add3A_128, %dma_wait3A_170] : memref<16384x256xf32, #tpu.memory_space<hbm>> -> memref<64x256xf32, #tpu.memory_space<hbm>>
      tpu.wait_dma2 semaphore(%run_scoped3A : memref<!tpu.dma_semaphore, #tpu.memory_space<semaphore_mem>>) src(%arg10 : memref<64x256xf32, #tpu.memory_space<vmem>>) dst(%dma_wait3A_171 : memref<64x256xf32, #tpu.memory_space<hbm>>)
      tpu.yield
    }) : () -> ()
    %dma_start3A_129 = arith.constant 0 : i32
    %dma_start3A_130 = arith.constant 0 : i32
    %dma_start3A_131 = tpu.memref_slice %arg8[%dma_start3A_129, %dma_start3A_130] : memref<64x80xi32, #tpu.memory_space<vmem>> -> memref<1x80xi32, #tpu.memory_space<vmem>>
    %dma_start3A_132 = tpu.memref_squeeze %dma_start3A_131 : memref<1x80xi32, #tpu.memory_space<vmem>> -> memref<80xi32, #tpu.memory_space<vmem>>
    %dma_start3A_133 = arith.constant 0 : i32
    %dma_start3A_134 = arith.constant 0 : i32
    %dma_start3A_135 = tpu.memref_slice %arg4[%dma_start3A_133, %dma_start3A_134] : memref<50000x256xf32, #tpu.memory_space<hbm>> -> memref<50000x256xf32, #tpu.memory_space<hbm>>
    tpu.enqueue_indirect_dma source(%dma_start3A_135 : memref<50000x256xf32, #tpu.memory_space<hbm>>) target(%arg11 : memref<80x256xf32, #tpu.memory_space<vmem>>) offsets(%dma_start3A_132 : memref<80xi32, #tpu.memory_space<vmem>>) semaphore(%arg17 : memref<!tpu.dma_semaphore, #tpu.memory_space<semaphore_mem>>)
    %dma_start3A_136 = arith.constant 1 : i32
    %dma_start3A_137 = arith.constant 0 : i32
    %dma_start3A_138 = tpu.memref_slice %arg8[%dma_start3A_136, %dma_start3A_137] : memref<64x80xi32, #tpu.memory_space<vmem>> -> memref<1x80xi32, #tpu.memory_space<vmem>>
    %dma_start3A_139 = tpu.memref_squeeze %dma_start3A_138 : memref<1x80xi32, #tpu.memory_space<vmem>> -> memref<80xi32, #tpu.memory_space<vmem>>
    %dma_start3A_140 = arith.constant 0 : i32
    %dma_start3A_141 = arith.constant 0 : i32
    %dma_start3A_142 = tpu.memref_slice %arg4[%dma_start3A_140, %dma_start3A_141] : memref<50000x256xf32, #tpu.memory_space<hbm>> -> memref<50000x256xf32, #tpu.memory_space<hbm>>
    tpu.enqueue_indirect_dma source(%dma_start3A_142 : memref<50000x256xf32, #tpu.memory_space<hbm>>) target(%arg12 : memref<80x256xf32, #tpu.memory_space<vmem>>) offsets(%dma_start3A_139 : memref<80xi32, #tpu.memory_space<vmem>>) semaphore(%arg18 : memref<!tpu.dma_semaphore, #tpu.memory_space<semaphore_mem>>)
    %dma_start3A_143 = arith.constant 2 : i32
    %dma_start3A_144 = arith.constant 0 : i32
    %dma_start3A_145 = tpu.memref_slice %arg8[%dma_start3A_143, %dma_start3A_144] : memref<64x80xi32, #tpu.memory_space<vmem>> -> memref<1x80xi32, #tpu.memory_space<vmem>>
    %dma_start3A_146 = tpu.memref_squeeze %dma_start3A_145 : memref<1x80xi32, #tpu.memory_space<vmem>> -> memref<80xi32, #tpu.memory_space<vmem>>
    %dma_start3A_147 = arith.constant 0 : i32
    %dma_start3A_148 = arith.constant 0 : i32
    %dma_start3A_149 = tpu.memref_slice %arg4[%dma_start3A_147, %dma_start3A_148] : memref<50000x256xf32, #tpu.memory_space<hbm>> -> memref<50000x256xf32, #tpu.memory_space<hbm>>
    tpu.enqueue_indirect_dma source(%dma_start3A_149 : memref<50000x256xf32, #tpu.memory_space<hbm>>) target(%arg13 : memref<80x256xf32, #tpu.memory_space<vmem>>) offsets(%dma_start3A_146 : memref<80xi32, #tpu.memory_space<vmem>>) semaphore(%arg19 : memref<!tpu.dma_semaphore, #tpu.memory_space<semaphore_mem>>)
    %scan3A = arith.constant 0 : i32
    %scan3A_150 = arith.constant 0 : i32
    %scan3A_151 = arith.constant 16 : i32
    %scan3A_152 = arith.addi %scan3A_150, %scan3A_151 : i32
    %scan3A_153 = arith.constant 1 : i32
    %scan3A_154 = scf.for %scan3A_164 = %scan3A_150 to %scan3A_152 step %scan3A_153 iter_args(%scan3A_165 = %scan3A) -> (i32)  : i32 {
      %mul3A_166 = arith.constant 4 : i32
      %mul3A_167 = arith.muli %scan3A_164, %mul3A_166 : i32
      %add3A_168 = arith.constant 0 : i32
      %add3A_169 = arith.addi %mul3A_167, %add3A_168 : i32
      %dma_wait3A_170 = arith.constant 0 : i32
      %dma_wait3A_171 = tpu.memref_slice %arg8[%add3A_169, %dma_wait3A_170] : memref<64x80xi32, #tpu.memory_space<vmem>> -> memref<1x80xi32, #tpu.memory_space<vmem>>
      %dma_wait3A_172 = tpu.memref_squeeze %dma_wait3A_171 : memref<1x80xi32, #tpu.memory_space<vmem>> -> memref<80xi32, #tpu.memory_space<vmem>>
      %dma_wait3A_173 = arith.constant 0 : i32
      %dma_wait3A_174 = arith.constant 0 : i32
      %dma_wait3A_175 = tpu.memref_slice %arg4[%dma_wait3A_173, %dma_wait3A_174] : memref<50000x256xf32, #tpu.memory_space<hbm>> -> memref<50000x256xf32, #tpu.memory_space<hbm>>
      tpu.wait_indirect_dma semaphore(%arg17 : memref<!tpu.dma_semaphore, #tpu.memory_space<semaphore_mem>>) src(%dma_wait3A_175 : memref<50000x256xf32, #tpu.memory_space<hbm>>) dst(%arg11 : memref<80x256xf32, #tpu.memory_space<vmem>>)
      %ge3A = arith.constant 1 : i32
      %ge3A_176 = arith.cmpi sge, %scan3A_164, %ge3A : i32
      %convert_element_type3A = arith.extui %ge3A_176 : i1 to i32
      %cond3A = arith.constant 0 : i32
      %cond3A_177 = arith.cmpi ne, %convert_element_type3A, %cond3A : i32
      scf.if %cond3A_177 {
        %dma_wait3A_312 = arith.constant 0 : i32
        %dma_wait3A_313 = tpu.memref_slice %arg6[%mul3A_2, %dma_wait3A_312] : memref<16384x256xf32, #tpu.memory_space<hbm>> -> memref<8x256xf32, #tpu.memory_space<hbm>>
        %dma_wait3A_314 = arith.constant 0 : i32
        %dma_wait3A_315 = tpu.memref_slice %arg6[%mul3A_2, %dma_wait3A_314] : memref<16384x256xf32, #tpu.memory_space<hbm>> -> memref<8x256xf32, #tpu.memory_space<hbm>>
        tpu.wait_dma2 semaphore(%arg21 : memref<!tpu.dma_semaphore, #tpu.memory_space<semaphore_mem>>) src(%arg15 : memref<8x256xf32, #tpu.memory_space<vmem>>) dst(%dma_wait3A_315 : memref<8x256xf32, #tpu.memory_space<hbm>>)
      } else {
      }
      %scan3A_178 = arith.constant 0 : i32
      %scan3A_179 = arith.constant 0 : i32
      %scan3A_180 = arith.constant 8 : i32
      %scan3A_181 = arith.addi %scan3A_179, %scan3A_180 : i32
      %scan3A_182 = arith.constant 1 : i32
      %scan3A_183 = scf.for %scan3A_312 = %scan3A_179 to %scan3A_181 step %scan3A_182 iter_args(%scan3A_313 = %scan3A_178) -> (i32)  : i32 {
        %mul3A_314 = arith.constant 10 : i32
        %mul3A_315 = arith.muli %scan3A_312, %mul3A_314 : i32
        %get3A = arith.index_cast %mul3A_315 : i32 to index
        %get3A_316 = arith.constant 0 : index
        %get3A_317 = tpu.vector_load %arg11[%get3A, %get3A_316] {strides = array<i32>} : memref<80x256xf32, #tpu.memory_space<vmem>>, vector<1x16xf32>,
        %get3A_318 = vector.shape_cast %get3A_317 : vector<1x16xf32> to vector<16xf32>
        %swap3A = arith.index_cast %scan3A_312 : i32 to index
        %swap3A_319 = arith.constant 0 : index
        %swap3A_320 = tpu.vector_load %arg15[%swap3A, %swap3A_319] {strides = array<i32>} : memref<8x256xf32, #tpu.memory_space<vmem>>, vector<1x16xf32>,
        %swap3A_321 = vector.shape_cast %swap3A_320 : vector<1x16xf32> to vector<16xf32>
        %swap3A_322 = vector.shape_cast %get3A_318 : vector<16xf32> to vector<1x16xf32>
        tpu.vector_store %arg15[%swap3A, %swap3A_319], %swap3A_322 {strides = array<i32>} : memref<8x256xf32, #tpu.memory_space<vmem>>, vector<1x16xf32>,
        %mul3A_323 = arith.constant 10 : i32
        %mul3A_324 = arith.muli %scan3A_312, %mul3A_323 : i32
        %get3A_325 = arith.index_cast %mul3A_324 : i32 to index
        %get3A_326 = arith.constant 16 : index
        %get3A_327 = tpu.vector_load %arg11[%get3A_325, %get3A_326] {strides = array<i32>} : memref<80x256xf32, #tpu.memory_space<vmem>>, vector<1x16xf32>,
        %get3A_328 = vector.shape_cast %get3A_327 : vector<1x16xf32> to vector<16xf32>
        %swap3A_329 = arith.index_cast %scan3A_312 : i32 to index
        %swap3A_330 = arith.constant 16 : index
        %swap3A_331 = tpu.vector_load %arg15[%swap3A_329, %swap3A_330] {strides = array<i32>} : memref<8x256xf32, #tpu.memory_space<vmem>>, vector<1x16xf32>,
        %swap3A_332 = vector.shape_cast %swap3A_331 : vector<1x16xf32> to vector<16xf32>
        %swap3A_333 = vector.shape_cast %get3A_328 : vector<16xf32> to vector<1x16xf32>
        tpu.vector_store %arg15[%swap3A_329, %swap3A_330], %swap3A_333 {strides = array<i32>} : memref<8x256xf32, #tpu.memory_space<vmem>>, vector<1x16xf32>,
        %mul3A_334 = arith.constant 10 : i32
        %mul3A_335 = arith.muli %scan3A_312, %mul3A_334 : i32
        %get3A_336 = arith.index_cast %mul3A_335 : i32 to index
        %get3A_337 = arith.constant 32 : index
        %get3A_338 = tpu.vector_load %arg11[%get3A_336, %get3A_337] {strides = array<i32>} : memref<80x256xf32, #tpu.memory_space<vmem>>, vector<1x16xf32>,
        %get3A_339 = vector.shape_cast %get3A_338 : vector<1x16xf32> to vector<16xf32>
        %swap3A_340 = arith.index_cast %scan3A_312 : i32 to index
        %swap3A_341 = arith.constant 32 : index
        %swap3A_342 = tpu.vector_load %arg15[%swap3A_340, %swap3A_341] {strides = array<i32>} : memref<8x256xf32, #tpu.memory_space<vmem>>, vector<1x16xf32>,
        %swap3A_343 = vector.shape_cast %swap3A_342 : vector<1x16xf32> to vector<16xf32>
        %swap3A_344 = vector.shape_cast %get3A_339 : vector<16xf32> to vector<1x16xf32>
        tpu.vector_store %arg15[%swap3A_340, %swap3A_341], %swap3A_344 {strides = array<i32>} : memref<8x256xf32, #tpu.memory_space<vmem>>, vector<1x16xf32>,
        %mul3A_345 = arith.constant 10 : i32
        %mul3A_346 = arith.muli %scan3A_312, %mul3A_345 : i32
        %get3A_347 = arith.index_cast %mul3A_346 : i32 to index
        %get3A_348 = arith.constant 48 : index
        %get3A_349 = tpu.vector_load %arg11[%get3A_347, %get3A_348] {strides = array<i32>} : memref<80x256xf32, #tpu.memory_space<vmem>>, vector<1x16xf32>,
        %get3A_350 = vector.shape_cast %get3A_349 : vector<1x16xf32> to vector<16xf32>
        %swap3A_351 = arith.index_cast %scan3A_312 : i32 to index
        %swap3A_352 = arith.constant 48 : index
        %swap3A_353 = tpu.vector_load %arg15[%swap3A_351, %swap3A_352] {strides = array<i32>} : memref<8x256xf32, #tpu.memory_space<vmem>>, vector<1x16xf32>,
        %swap3A_354 = vector.shape_cast %swap3A_353 : vector<1x16xf32> to vector<16xf32>
        %swap3A_355 = vector.shape_cast %get3A_350 : vector<16xf32> to vector<1x16xf32>
        tpu.vector_store %arg15[%swap3A_351, %swap3A_352], %swap3A_355 {strides = array<i32>} : memref<8x256xf32, #tpu.memory_space<vmem>>, vector<1x16xf32>,
        %mul3A_356 = arith.constant 10 : i32
        %mul3A_357 = arith.muli %scan3A_312, %mul3A_356 : i32
        %get3A_358 = arith.index_cast %mul3A_357 : i32 to index
        %get3A_359 = arith.constant 64 : index
        %get3A_360 = tpu.vector_load %arg11[%get3A_358, %get3A_359] {strides = array<i32>} : memref<80x256xf32, #tpu.memory_space<vmem>>, vector<1x16xf32>,
        %get3A_361 = vector.shape_cast %get3A_360 : vector<1x16xf32> to vector<16xf32>
        %swap3A_362 = arith.index_cast %scan3A_312 : i32 to index
        %swap3A_363 = arith.constant 64 : index
        %swap3A_364 = tpu.vector_load %arg15[%swap3A_362, %swap3A_363] {strides = array<i32>} : memref<8x256xf32, #tpu.memory_space<vmem>>, vector<1x16xf32>,
        %swap3A_365 = vector.shape_cast %swap3A_364 : vector<1x16xf32> to vector<16xf32>
        %swap3A_366 = vector.shape_cast %get3A_361 : vector<16xf32> to vector<1x16xf32>
        tpu.vector_store %arg15[%swap3A_362, %swap3A_363], %swap3A_366 {strides = array<i32>} : memref<8x256xf32, #tpu.memory_space<vmem>>, vector<1x16xf32>,
        %mul3A_367 = arith.constant 10 : i32
        %mul3A_368 = arith.muli %scan3A_312, %mul3A_367 : i32
        %get3A_369 = arith.index_cast %mul3A_368 : i32 to index
        %get3A_370 = arith.constant 80 : index
        %get3A_371 = tpu.vector_load %arg11[%get3A_369, %get3A_370] {strides = array<i32>} : memref<80x256xf32, #tpu.memory_space<vmem>>, vector<1x16xf32>,
        %get3A_372 = vector.shape_cast %get3A_371 : vector<1x16xf32> to vector<16xf32>
        %swap3A_373 = arith.index_cast %scan3A_312 : i32 to index
        %swap3A_374 = arith.constant 80 : index
        %swap3A_375 = tpu.vector_load %arg15[%swap3A_373, %swap3A_374] {strides = array<i32>} : memref<8x256xf32, #tpu.memory_space<vmem>>, vector<1x16xf32>,
        %swap3A_376 = vector.shape_cast %swap3A_375 : vector<1x16xf32> to vector<16xf32>
        %swap3A_377 = vector.shape_cast %get3A_372 : vector<16xf32> to vector<1x16xf32>
        tpu.vector_store %arg15[%swap3A_373, %swap3A_374], %swap3A_377 {strides = array<i32>} : memref<8x256xf32, #tpu.memory_space<vmem>>, vector<1x16xf32>,
        %mul3A_378 = arith.constant 10 : i32
        %mul3A_379 = arith.muli %scan3A_312, %mul3A_378 : i32
        %get3A_380 = arith.index_cast %mul3A_379 : i32 to index
        %get3A_381 = arith.constant 96 : index
        %get3A_382 = tpu.vector_load %arg11[%get3A_380, %get3A_381] {strides = array<i32>} : memref<80x256xf32, #tpu.memory_space<vmem>>, vector<1x16xf32>,
        %get3A_383 = vector.shape_cast %get3A_382 : vector<1x16xf32> to vector<16xf32>
        %swap3A_384 = arith.index_cast %scan3A_312 : i32 to index
        %swap3A_385 = arith.constant 96 : index
        %swap3A_386 = tpu.vector_load %arg15[%swap3A_384, %swap3A_385] {strides = array<i32>} : memref<8x256xf32, #tpu.memory_space<vmem>>, vector<1x16xf32>,
        %swap3A_387 = vector.shape_cast %swap3A_386 : vector<1x16xf32> to vector<16xf32>
        %swap3A_388 = vector.shape_cast %get3A_383 : vector<16xf32> to vector<1x16xf32>
        tpu.vector_store %arg15[%swap3A_384, %swap3A_385], %swap3A_388 {strides = array<i32>} : memref<8x256xf32, #tpu.memory_space<vmem>>, vector<1x16xf32>,
        %mul3A_389 = arith.constant 10 : i32
        %mul3A_390 = arith.muli %scan3A_312, %mul3A_389 : i32
        %get3A_391 = arith.index_cast %mul3A_390 : i32 to index
        %get3A_392 = arith.constant 112 : index
        %get3A_393 = tpu.vector_load %arg11[%get3A_391, %get3A_392] {strides = array<i32>} : memref<80x256xf32, #tpu.memory_space<vmem>>, vector<1x16xf32>,
        %get3A_394 = vector.shape_cast %get3A_393 : vector<1x16xf32> to vector<16xf32>
        %swap3A_395 = arith.index_cast %scan3A_312 : i32 to index
        %swap3A_396 = arith.constant 112 : index
        %swap3A_397 = tpu.vector_load %arg15[%swap3A_395, %swap3A_396] {strides = array<i32>} : memref<8x256xf32, #tpu.memory_space<vmem>>, vector<1x16xf32>,
        %swap3A_398 = vector.shape_cast %swap3A_397 : vector<1x16xf32> to vector<16xf32>
        %swap3A_399 = vector.shape_cast %get3A_394 : vector<16xf32> to vector<1x16xf32>
        tpu.vector_store %arg15[%swap3A_395, %swap3A_396], %swap3A_399 {strides = array<i32>} : memref<8x256xf32, #tpu.memory_space<vmem>>, vector<1x16xf32>,
        %mul3A_400 = arith.constant 10 : i32
        %mul3A_401 = arith.muli %scan3A_312, %mul3A_400 : i32
        %get3A_402 = arith.index_cast %mul3A_401 : i32 to index
        %get3A_403 = arith.constant 128 : index
        %get3A_404 = tpu.vector_load %arg11[%get3A_402, %get3A_403] {strides = array<i32>} : memref<80x256xf32, #tpu.memory_space<vmem>>, vector<1x16xf32>,
        %get3A_405 = vector.shape_cast %get3A_404 : vector<1x16xf32> to vector<16xf32>
        %swap3A_406 = arith.index_cast %scan3A_312 : i32 to index
        %swap3A_407 = arith.constant 128 : index
        %swap3A_408 = tpu.vector_load %arg15[%swap3A_406, %swap3A_407] {strides = array<i32>} : memref<8x256xf32, #tpu.memory_space<vmem>>, vector<1x16xf32>,
        %swap3A_409 = vector.shape_cast %swap3A_408 : vector<1x16xf32> to vector<16xf32>
        %swap3A_410 = vector.shape_cast %get3A_405 : vector<16xf32> to vector<1x16xf32>
        tpu.vector_store %arg15[%swap3A_406, %swap3A_407], %swap3A_410 {strides = array<i32>} : memref<8x256xf32, #tpu.memory_space<vmem>>, vector<1x16xf32>,
        %mul3A_411 = arith.constant 10 : i32
        %mul3A_412 = arith.muli %scan3A_312, %mul3A_411 : i32
        %get3A_413 = arith.index_cast %mul3A_412 : i32 to index
        %get3A_414 = arith.constant 144 : index
        %get3A_415 = tpu.vector_load %arg11[%get3A_413, %get3A_414] {strides = array<i32>} : memref<80x256xf32, #tpu.memory_space<vmem>>, vector<1x16xf32>,
        %get3A_416 = vector.shape_cast %get3A_415 : vector<1x16xf32> to vector<16xf32>
        %swap3A_417 = arith.index_cast %scan3A_312 : i32 to index
        %swap3A_418 = arith.constant 144 : index
        %swap3A_419 = tpu.vector_load %arg15[%swap3A_417, %swap3A_418] {strides = array<i32>} : memref<8x256xf32, #tpu.memory_space<vmem>>, vector<1x16xf32>,
        %swap3A_420 = vector.shape_cast %swap3A_419 : vector<1x16xf32> to vector<16xf32>
        %swap3A_421 = vector.shape_cast %get3A_416 : vector<16xf32> to vector<1x16xf32>
        tpu.vector_store %arg15[%swap3A_417, %swap3A_418], %swap3A_421 {strides = array<i32>} : memref<8x256xf32, #tpu.memory_space<vmem>>, vector<1x16xf32>,
        %mul3A_422 = arith.constant 10 : i32
        %mul3A_423 = arith.muli %scan3A_312, %mul3A_422 : i32
        %get3A_424 = arith.index_cast %mul3A_423 : i32 to index
        %get3A_425 = arith.constant 160 : index
        %get3A_426 = tpu.vector_load %arg11[%get3A_424, %get3A_425] {strides = array<i32>} : memref<80x256xf32, #tpu.memory_space<vmem>>, vector<1x16xf32>,
        %get3A_427 = vector.shape_cast %get3A_426 : vector<1x16xf32> to vector<16xf32>
        %swap3A_428 = arith.index_cast %scan3A_312 : i32 to index
        %swap3A_429 = arith.constant 160 : index
        %swap3A_430 = tpu.vector_load %arg15[%swap3A_428, %swap3A_429] {strides = array<i32>} : memref<8x256xf32, #tpu.memory_space<vmem>>, vector<1x16xf32>,
        %swap3A_431 = vector.shape_cast %swap3A_430 : vector<1x16xf32> to vector<16xf32>
        %swap3A_432 = vector.shape_cast %get3A_427 : vector<16xf32> to vector<1x16xf32>
        tpu.vector_store %arg15[%swap3A_428, %swap3A_429], %swap3A_432 {strides = array<i32>} : memref<8x256xf32, #tpu.memory_space<vmem>>, vector<1x16xf32>,
        %mul3A_433 = arith.constant 10 : i32
        %mul3A_434 = arith.muli %scan3A_312, %mul3A_433 : i32
        %get3A_435 = arith.index_cast %mul3A_434 : i32 to index
        %get3A_436 = arith.constant 176 : index
        %get3A_437 = tpu.vector_load %arg11[%get3A_435, %get3A_436] {strides = array<i32>} : memref<80x256xf32, #tpu.memory_space<vmem>>, vector<1x16xf32>,
        %get3A_438 = vector.shape_cast %get3A_437 : vector<1x16xf32> to vector<16xf32>
        %swap3A_439 = arith.index_cast %scan3A_312 : i32 to index
        %swap3A_440 = arith.constant 176 : index
        %swap3A_441 = tpu.vector_load %arg15[%swap3A_439, %swap3A_440] {strides = array<i32>} : memref<8x256xf32, #tpu.memory_space<vmem>>, vector<1x16xf32>,
        %swap3A_442 = vector.shape_cast %swap3A_441 : vector<1x16xf32> to vector<16xf32>
        %swap3A_443 = vector.shape_cast %get3A_438 : vector<16xf32> to vector<1x16xf32>
        tpu.vector_store %arg15[%swap3A_439, %swap3A_440], %swap3A_443 {strides = array<i32>} : memref<8x256xf32, #tpu.memory_space<vmem>>, vector<1x16xf32>,
        %mul3A_444 = arith.constant 10 : i32
        %mul3A_445 = arith.muli %scan3A_312, %mul3A_444 : i32
        %get3A_446 = arith.index_cast %mul3A_445 : i32 to index
        %get3A_447 = arith.constant 192 : index
        %get3A_448 = tpu.vector_load %arg11[%get3A_446, %get3A_447] {strides = array<i32>} : memref<80x256xf32, #tpu.memory_space<vmem>>, vector<1x16xf32>,
        %get3A_449 = vector.shape_cast %get3A_448 : vector<1x16xf32> to vector<16xf32>
        %swap3A_450 = arith.index_cast %scan3A_312 : i32 to index
        %swap3A_451 = arith.constant 192 : index
        %swap3A_452 = tpu.vector_load %arg15[%swap3A_450, %swap3A_451] {strides = array<i32>} : memref<8x256xf32, #tpu.memory_space<vmem>>, vector<1x16xf32>,
        %swap3A_453 = vector.shape_cast %swap3A_452 : vector<1x16xf32> to vector<16xf32>
        %swap3A_454 = vector.shape_cast %get3A_449 : vector<16xf32> to vector<1x16xf32>
        tpu.vector_store %arg15[%swap3A_450, %swap3A_451], %swap3A_454 {strides = array<i32>} : memref<8x256xf32, #tpu.memory_space<vmem>>, vector<1x16xf32>,
        %mul3A_455 = arith.constant 10 : i32
        %mul3A_456 = arith.muli %scan3A_312, %mul3A_455 : i32
        %get3A_457 = arith.index_cast %mul3A_456 : i32 to index
        %get3A_458 = arith.constant 208 : index
        %get3A_459 = tpu.vector_load %arg11[%get3A_457, %get3A_458] {strides = array<i32>} : memref<80x256xf32, #tpu.memory_space<vmem>>, vector<1x16xf32>,
        %get3A_460 = vector.shape_cast %get3A_459 : vector<1x16xf32> to vector<16xf32>
        %swap3A_461 = arith.index_cast %scan3A_312 : i32 to index
        %swap3A_462 = arith.constant 208 : index
        %swap3A_463 = tpu.vector_load %arg15[%swap3A_461, %swap3A_462] {strides = array<i32>} : memref<8x256xf32, #tpu.memory_space<vmem>>, vector<1x16xf32>,
        %swap3A_464 = vector.shape_cast %swap3A_463 : vector<1x16xf32> to vector<16xf32>
        %swap3A_465 = vector.shape_cast %get3A_460 : vector<16xf32> to vector<1x16xf32>
        tpu.vector_store %arg15[%swap3A_461, %swap3A_462], %swap3A_465 {strides = array<i32>} : memref<8x256xf32, #tpu.memory_space<vmem>>, vector<1x16xf32>,
        %mul3A_466 = arith.constant 10 : i32
        %mul3A_467 = arith.muli %scan3A_312, %mul3A_466 : i32
        %get3A_468 = arith.index_cast %mul3A_467 : i32 to index
        %get3A_469 = arith.constant 224 : index
        %get3A_470 = tpu.vector_load %arg11[%get3A_468, %get3A_469] {strides = array<i32>} : memref<80x256xf32, #tpu.memory_space<vmem>>, vector<1x16xf32>,
        %get3A_471 = vector.shape_cast %get3A_470 : vector<1x16xf32> to vector<16xf32>
        %swap3A_472 = arith.index_cast %scan3A_312 : i32 to index
        %swap3A_473 = arith.constant 224 : index
        %swap3A_474 = tpu.vector_load %arg15[%swap3A_472, %swap3A_473] {strides = array<i32>} : memref<8x256xf32, #tpu.memory_space<vmem>>, vector<1x16xf32>,
        %swap3A_475 = vector.shape_cast %swap3A_474 : vector<1x16xf32> to vector<16xf32>
        %swap3A_476 = vector.shape_cast %get3A_471 : vector<16xf32> to vector<1x16xf32>
        tpu.vector_store %arg15[%swap3A_472, %swap3A_473], %swap3A_476 {strides = array<i32>} : memref<8x256xf32, #tpu.memory_space<vmem>>, vector<1x16xf32>,
        %mul3A_477 = arith.constant 10 : i32
        %mul3A_478 = arith.muli %scan3A_312, %mul3A_477 : i32
        %get3A_479 = arith.index_cast %mul3A_478 : i32 to index
        %get3A_480 = arith.constant 240 : index
        %get3A_481 = tpu.vector_load %arg11[%get3A_479, %get3A_480] {strides = array<i32>} : memref<80x256xf32, #tpu.memory_space<vmem>>, vector<1x16xf32>,
        %get3A_482 = vector.shape_cast %get3A_481 : vector<1x16xf32> to vector<16xf32>
        %swap3A_483 = arith.index_cast %scan3A_312 : i32 to index
        %swap3A_484 = arith.constant 240 : index
        %swap3A_485 = tpu.vector_load %arg15[%swap3A_483, %swap3A_484] {strides = array<i32>} : memref<8x256xf32, #tpu.memory_space<vmem>>, vector<1x16xf32>,
        %swap3A_486 = vector.shape_cast %swap3A_485 : vector<1x16xf32> to vector<16xf32>
        %swap3A_487 = vector.shape_cast %get3A_482 : vector<16xf32> to vector<1x16xf32>
        tpu.vector_store %arg15[%swap3A_483, %swap3A_484], %swap3A_487 {strides = array<i32>} : memref<8x256xf32, #tpu.memory_space<vmem>>, vector<1x16xf32>,
        %scan3A_488 = arith.constant 0 : i32
        scf.yield %scan3A_488 : i32
      }
      %scan3A_184 = arith.constant 8 : i32
      %add3A_185 = arith.constant 4 : i32
      %add3A_186 = arith.addi %add3A_169, %add3A_185 : i32
      %sub3A = arith.constant 1 : i32
      %sub3A_187 = arith.subi %add3A_186, %sub3A : i32
      %lt3A = arith.constant 64 : i32
      %lt3A_188 = arith.cmpi slt, %sub3A_187, %lt3A : i32
      %convert_element_type3A_189 = arith.extui %lt3A_188 : i1 to i32
      %cond3A_190 = arith.constant 0 : i32
      %cond3A_191 = arith.cmpi ne, %convert_element_type3A_189, %cond3A_190 : i32
      scf.if %cond3A_191 {
        %add3A_312 = arith.constant 4 : i32
        %add3A_313 = arith.addi %add3A_169, %add3A_312 : i32
        %sub3A_314 = arith.constant 1 : i32
        %sub3A_315 = arith.subi %add3A_313, %sub3A_314 : i32
        %dma_start3A_316 = arith.constant 0 : i32
        %dma_start3A_317 = tpu.memref_slice %arg8[%sub3A_315, %dma_start3A_316] : memref<64x80xi32, #tpu.memory_space<vmem>> -> memref<1x80xi32, #tpu.memory_space<vmem>>
        %dma_start3A_318 = tpu.memref_squeeze %dma_start3A_317 : memref<1x80xi32, #tpu.memory_space<vmem>> -> memref<80xi32, #tpu.memory_space<vmem>>
        %dma_start3A_319 = arith.constant 0 : i32
        %dma_start3A_320 = arith.constant 0 : i32
        %dma_start3A_321 = tpu.memref_slice %arg4[%dma_start3A_319, %dma_start3A_320] : memref<50000x256xf32, #tpu.memory_space<hbm>> -> memref<50000x256xf32, #tpu.memory_space<hbm>>
        tpu.enqueue_indirect_dma source(%dma_start3A_321 : memref<50000x256xf32, #tpu.memory_space<hbm>>) target(%arg14 : memref<80x256xf32, #tpu.memory_space<vmem>>) offsets(%dma_start3A_318 : memref<80xi32, #tpu.memory_space<vmem>>) semaphore(%arg20 : memref<!tpu.dma_semaphore, #tpu.memory_space<semaphore_mem>>)
      } else {
      }
      %mul3A_192 = arith.constant 8 : i32
      %mul3A_193 = arith.muli %add3A_169, %mul3A_192 : i32
      %add3A_194 = arith.addi %mul3A_2, %mul3A_193 : i32
      %dma_start3A_195 = arith.constant 0 : i32
      %dma_start3A_196 = tpu.memref_slice %arg6[%add3A_194, %dma_start3A_195] : memref<16384x256xf32, #tpu.memory_space<hbm>> -> memref<8x256xf32, #tpu.memory_space<hbm>>
      %dma_start3A_197 = arith.constant 0 : i32
      %dma_start3A_198 = tpu.memref_slice %arg6[%add3A_194, %dma_start3A_197] : memref<16384x256xf32, #tpu.memory_space<hbm>> -> memref<8x256xf32, #tpu.memory_space<hbm>>
      tpu.enqueue_dma source(%arg15 : memref<8x256xf32, #tpu.memory_space<vmem>>) target(%dma_start3A_198 : memref<8x256xf32, #tpu.memory_space<hbm>>) target_semaphore(%arg21 : memref<!tpu.dma_semaphore, #tpu.memory_space<semaphore_mem>>)
      %mul3A_199 = arith.constant 4 : i32
      %mul3A_200 = arith.muli %scan3A_164, %mul3A_199 : i32
      %add3A_201 = arith.constant 1 : i32
      %add3A_202 = arith.addi %mul3A_200, %add3A_201 : i32
      %dma_wait3A_203 = arith.constant 0 : i32
      %dma_wait3A_204 = tpu.memref_slice %arg8[%add3A_202, %dma_wait3A_203] : memref<64x80xi32, #tpu.memory_space<vmem>> -> memref<1x80xi32, #tpu.memory_space<vmem>>
      %dma_wait3A_205 = tpu.memref_squeeze %dma_wait3A_204 : memref<1x80xi32, #tpu.memory_space<vmem>> -> memref<80xi32, #tpu.memory_space<vmem>>
      %dma_wait3A_206 = arith.constant 0 : i32
      %dma_wait3A_207 = arith.constant 0 : i32
      %dma_wait3A_208 = tpu.memref_slice %arg4[%dma_wait3A_206, %dma_wait3A_207] : memref<50000x256xf32, #tpu.memory_space<hbm>> -> memref<50000x256xf32, #tpu.memory_space<hbm>>
      tpu.wait_indirect_dma semaphore(%arg18 : memref<!tpu.dma_semaphore, #tpu.memory_space<semaphore_mem>>) src(%dma_wait3A_208 : memref<50000x256xf32, #tpu.memory_space<hbm>>) dst(%arg12 : memref<80x256xf32, #tpu.memory_space<vmem>>)
      %ge3A_209 = arith.constant 1 : i32
      %ge3A_210 = arith.cmpi sge, %scan3A_164, %ge3A_209 : i32
      %convert_element_type3A_211 = arith.extui %ge3A_210 : i1 to i32
      %cond3A_212 = arith.constant 0 : i32
      %cond3A_213 = arith.cmpi ne, %convert_element_type3A_211, %cond3A_212 : i32
      scf.if %cond3A_213 {
        %dma_wait3A_312 = arith.constant 0 : i32
        %dma_wait3A_313 = tpu.memref_slice %arg6[%mul3A_2, %dma_wait3A_312] : memref<16384x256xf32, #tpu.memory_space<hbm>> -> memref<8x256xf32, #tpu.memory_space<hbm>>
        %dma_wait3A_314 = arith.constant 0 : i32
        %dma_wait3A_315 = tpu.memref_slice %arg6[%mul3A_2, %dma_wait3A_314] : memref<16384x256xf32, #tpu.memory_space<hbm>> -> memref<8x256xf32, #tpu.memory_space<hbm>>
        tpu.wait_dma2 semaphore(%arg22 : memref<!tpu.dma_semaphore, #tpu.memory_space<semaphore_mem>>) src(%arg16 : memref<8x256xf32, #tpu.memory_space<vmem>>) dst(%dma_wait3A_315 : memref<8x256xf32, #tpu.memory_space<hbm>>)
      } else {
      }
      %scan3A_214 = arith.constant 0 : i32
      %scan3A_215 = arith.constant 0 : i32
      %scan3A_216 = arith.constant 8 : i32
      %scan3A_217 = arith.addi %scan3A_215, %scan3A_216 : i32
      %scan3A_218 = arith.constant 1 : i32
      %scan3A_219 = scf.for %scan3A_312 = %scan3A_215 to %scan3A_217 step %scan3A_218 iter_args(%scan3A_313 = %scan3A_214) -> (i32)  : i32 {
        %mul3A_314 = arith.constant 10 : i32
        %mul3A_315 = arith.muli %scan3A_312, %mul3A_314 : i32
        %get3A = arith.index_cast %mul3A_315 : i32 to index
        %get3A_316 = arith.constant 0 : index
        %get3A_317 = tpu.vector_load %arg12[%get3A, %get3A_316] {strides = array<i32>} : memref<80x256xf32, #tpu.memory_space<vmem>>, vector<1x16xf32>,
        %get3A_318 = vector.shape_cast %get3A_317 : vector<1x16xf32> to vector<16xf32>
        %swap3A = arith.index_cast %scan3A_312 : i32 to index
        %swap3A_319 = arith.constant 0 : index
        %swap3A_320 = tpu.vector_load %arg16[%swap3A, %swap3A_319] {strides = array<i32>} : memref<8x256xf32, #tpu.memory_space<vmem>>, vector<1x16xf32>,
        %swap3A_321 = vector.shape_cast %swap3A_320 : vector<1x16xf32> to vector<16xf32>
        %swap3A_322 = vector.shape_cast %get3A_318 : vector<16xf32> to vector<1x16xf32>
        tpu.vector_store %arg16[%swap3A, %swap3A_319], %swap3A_322 {strides = array<i32>} : memref<8x256xf32, #tpu.memory_space<vmem>>, vector<1x16xf32>,
        %mul3A_323 = arith.constant 10 : i32
        %mul3A_324 = arith.muli %scan3A_312, %mul3A_323 : i32
        %get3A_325 = arith.index_cast %mul3A_324 : i32 to index
        %get3A_326 = arith.constant 16 : index
        %get3A_327 = tpu.vector_load %arg12[%get3A_325, %get3A_326] {strides = array<i32>} : memref<80x256xf32, #tpu.memory_space<vmem>>, vector<1x16xf32>,
        %get3A_328 = vector.shape_cast %get3A_327 : vector<1x16xf32> to vector<16xf32>
        %swap3A_329 = arith.index_cast %scan3A_312 : i32 to index
        %swap3A_330 = arith.constant 16 : index
        %swap3A_331 = tpu.vector_load %arg16[%swap3A_329, %swap3A_330] {strides = array<i32>} : memref<8x256xf32, #tpu.memory_space<vmem>>, vector<1x16xf32>,
        %swap3A_332 = vector.shape_cast %swap3A_331 : vector<1x16xf32> to vector<16xf32>
        %swap3A_333 = vector.shape_cast %get3A_328 : vector<16xf32> to vector<1x16xf32>
        tpu.vector_store %arg16[%swap3A_329, %swap3A_330], %swap3A_333 {strides = array<i32>} : memref<8x256xf32, #tpu.memory_space<vmem>>, vector<1x16xf32>,
        %mul3A_334 = arith.constant 10 : i32
        %mul3A_335 = arith.muli %scan3A_312, %mul3A_334 : i32
        %get3A_336 = arith.index_cast %mul3A_335 : i32 to index
        %get3A_337 = arith.constant 32 : index
        %get3A_338 = tpu.vector_load %arg12[%get3A_336, %get3A_337] {strides = array<i32>} : memref<80x256xf32, #tpu.memory_space<vmem>>, vector<1x16xf32>,
        %get3A_339 = vector.shape_cast %get3A_338 : vector<1x16xf32> to vector<16xf32>
        %swap3A_340 = arith.index_cast %scan3A_312 : i32 to index
        %swap3A_341 = arith.constant 32 : index
        %swap3A_342 = tpu.vector_load %arg16[%swap3A_340, %swap3A_341] {strides = array<i32>} : memref<8x256xf32, #tpu.memory_space<vmem>>, vector<1x16xf32>,
        %swap3A_343 = vector.shape_cast %swap3A_342 : vector<1x16xf32> to vector<16xf32>
        %swap3A_344 = vector.shape_cast %get3A_339 : vector<16xf32> to vector<1x16xf32>
        tpu.vector_store %arg16[%swap3A_340, %swap3A_341], %swap3A_344 {strides = array<i32>} : memref<8x256xf32, #tpu.memory_space<vmem>>, vector<1x16xf32>,
        %mul3A_345 = arith.constant 10 : i32
        %mul3A_346 = arith.muli %scan3A_312, %mul3A_345 : i32
        %get3A_347 = arith.index_cast %mul3A_346 : i32 to index
        %get3A_348 = arith.constant 48 : index
        %get3A_349 = tpu.vector_load %arg12[%get3A_347, %get3A_348] {strides = array<i32>} : memref<80x256xf32, #tpu.memory_space<vmem>>, vector<1x16xf32>,
        %get3A_350 = vector.shape_cast %get3A_349 : vector<1x16xf32> to vector<16xf32>
        %swap3A_351 = arith.index_cast %scan3A_312 : i32 to index
        %swap3A_352 = arith.constant 48 : index
        %swap3A_353 = tpu.vector_load %arg16[%swap3A_351, %swap3A_352] {strides = array<i32>} : memref<8x256xf32, #tpu.memory_space<vmem>>, vector<1x16xf32>,
        %swap3A_354 = vector.shape_cast %swap3A_353 : vector<1x16xf32> to vector<16xf32>
        %swap3A_355 = vector.shape_cast %get3A_350 : vector<16xf32> to vector<1x16xf32>
        tpu.vector_store %arg16[%swap3A_351, %swap3A_352], %swap3A_355 {strides = array<i32>} : memref<8x256xf32, #tpu.memory_space<vmem>>, vector<1x16xf32>,
        %mul3A_356 = arith.constant 10 : i32
        %mul3A_357 = arith.muli %scan3A_312, %mul3A_356 : i32
        %get3A_358 = arith.index_cast %mul3A_357 : i32 to index
        %get3A_359 = arith.constant 64 : index
        %get3A_360 = tpu.vector_load %arg12[%get3A_358, %get3A_359] {strides = array<i32>} : memref<80x256xf32, #tpu.memory_space<vmem>>, vector<1x16xf32>,
        %get3A_361 = vector.shape_cast %get3A_360 : vector<1x16xf32> to vector<16xf32>
        %swap3A_362 = arith.index_cast %scan3A_312 : i32 to index
        %swap3A_363 = arith.constant 64 : index
        %swap3A_364 = tpu.vector_load %arg16[%swap3A_362, %swap3A_363] {strides = array<i32>} : memref<8x256xf32, #tpu.memory_space<vmem>>, vector<1x16xf32>,
        %swap3A_365 = vector.shape_cast %swap3A_364 : vector<1x16xf32> to vector<16xf32>
        %swap3A_366 = vector.shape_cast %get3A_361 : vector<16xf32> to vector<1x16xf32>
        tpu.vector_store %arg16[%swap3A_362, %swap3A_363], %swap3A_366 {strides = array<i32>} : memref<8x256xf32, #tpu.memory_space<vmem>>, vector<1x16xf32>,
        %mul3A_367 = arith.constant 10 : i32
        %mul3A_368 = arith.muli %scan3A_312, %mul3A_367 : i32
        %get3A_369 = arith.index_cast %mul3A_368 : i32 to index
        %get3A_370 = arith.constant 80 : index
        %get3A_371 = tpu.vector_load %arg12[%get3A_369, %get3A_370] {strides = array<i32>} : memref<80x256xf32, #tpu.memory_space<vmem>>, vector<1x16xf32>,
        %get3A_372 = vector.shape_cast %get3A_371 : vector<1x16xf32> to vector<16xf32>
        %swap3A_373 = arith.index_cast %scan3A_312 : i32 to index
        %swap3A_374 = arith.constant 80 : index
        %swap3A_375 = tpu.vector_load %arg16[%swap3A_373, %swap3A_374] {strides = array<i32>} : memref<8x256xf32, #tpu.memory_space<vmem>>, vector<1x16xf32>,
        %swap3A_376 = vector.shape_cast %swap3A_375 : vector<1x16xf32> to vector<16xf32>
        %swap3A_377 = vector.shape_cast %get3A_372 : vector<16xf32> to vector<1x16xf32>
        tpu.vector_store %arg16[%swap3A_373, %swap3A_374], %swap3A_377 {strides = array<i32>} : memref<8x256xf32, #tpu.memory_space<vmem>>, vector<1x16xf32>,
        %mul3A_378 = arith.constant 10 : i32
        %mul3A_379 = arith.muli %scan3A_312, %mul3A_378 : i32
        %get3A_380 = arith.index_cast %mul3A_379 : i32 to index
        %get3A_381 = arith.constant 96 : index
        %get3A_382 = tpu.vector_load %arg12[%get3A_380, %get3A_381] {strides = array<i32>} : memref<80x256xf32, #tpu.memory_space<vmem>>, vector<1x16xf32>,
        %get3A_383 = vector.shape_cast %get3A_382 : vector<1x16xf32> to vector<16xf32>
        %swap3A_384 = arith.index_cast %scan3A_312 : i32 to index
        %swap3A_385 = arith.constant 96 : index
        %swap3A_386 = tpu.vector_load %arg16[%swap3A_384, %swap3A_385] {strides = array<i32>} : memref<8x256xf32, #tpu.memory_space<vmem>>, vector<1x16xf32>,
        %swap3A_387 = vector.shape_cast %swap3A_386 : vector<1x16xf32> to vector<16xf32>
        %swap3A_388 = vector.shape_cast %get3A_383 : vector<16xf32> to vector<1x16xf32>
        tpu.vector_store %arg16[%swap3A_384, %swap3A_385], %swap3A_388 {strides = array<i32>} : memref<8x256xf32, #tpu.memory_space<vmem>>, vector<1x16xf32>,
        %mul3A_389 = arith.constant 10 : i32
        %mul3A_390 = arith.muli %scan3A_312, %mul3A_389 : i32
        %get3A_391 = arith.index_cast %mul3A_390 : i32 to index
        %get3A_392 = arith.constant 112 : index
        %get3A_393 = tpu.vector_load %arg12[%get3A_391, %get3A_392] {strides = array<i32>} : memref<80x256xf32, #tpu.memory_space<vmem>>, vector<1x16xf32>,
        %get3A_394 = vector.shape_cast %get3A_393 : vector<1x16xf32> to vector<16xf32>
        %swap3A_395 = arith.index_cast %scan3A_312 : i32 to index
        %swap3A_396 = arith.constant 112 : index
        %swap3A_397 = tpu.vector_load %arg16[%swap3A_395, %swap3A_396] {strides = array<i32>} : memref<8x256xf32, #tpu.memory_space<vmem>>, vector<1x16xf32>,
        %swap3A_398 = vector.shape_cast %swap3A_397 : vector<1x16xf32> to vector<16xf32>
        %swap3A_399 = vector.shape_cast %get3A_394 : vector<16xf32> to vector<1x16xf32>
        tpu.vector_store %arg16[%swap3A_395, %swap3A_396], %swap3A_399 {strides = array<i32>} : memref<8x256xf32, #tpu.memory_space<vmem>>, vector<1x16xf32>,
        %mul3A_400 = arith.constant 10 : i32
        %mul3A_401 = arith.muli %scan3A_312, %mul3A_400 : i32
        %get3A_402 = arith.index_cast %mul3A_401 : i32 to index
        %get3A_403 = arith.constant 128 : index
        %get3A_404 = tpu.vector_load %arg12[%get3A_402, %get3A_403] {strides = array<i32>} : memref<80x256xf32, #tpu.memory_space<vmem>>, vector<1x16xf32>,
        %get3A_405 = vector.shape_cast %get3A_404 : vector<1x16xf32> to vector<16xf32>
        %swap3A_406 = arith.index_cast %scan3A_312 : i32 to index
        %swap3A_407 = arith.constant 128 : index
        %swap3A_408 = tpu.vector_load %arg16[%swap3A_406, %swap3A_407] {strides = array<i32>} : memref<8x256xf32, #tpu.memory_space<vmem>>, vector<1x16xf32>,
        %swap3A_409 = vector.shape_cast %swap3A_408 : vector<1x16xf32> to vector<16xf32>
        %swap3A_410 = vector.shape_cast %get3A_405 : vector<16xf32> to vector<1x16xf32>
        tpu.vector_store %arg16[%swap3A_406, %swap3A_407], %swap3A_410 {strides = array<i32>} : memref<8x256xf32, #tpu.memory_space<vmem>>, vector<1x16xf32>,
        %mul3A_411 = arith.constant 10 : i32
        %mul3A_412 = arith.muli %scan3A_312, %mul3A_411 : i32
        %get3A_413 = arith.index_cast %mul3A_412 : i32 to index
        %get3A_414 = arith.constant 144 : index
        %get3A_415 = tpu.vector_load %arg12[%get3A_413, %get3A_414] {strides = array<i32>} : memref<80x256xf32, #tpu.memory_space<vmem>>, vector<1x16xf32>,
        %get3A_416 = vector.shape_cast %get3A_415 : vector<1x16xf32> to vector<16xf32>
        %swap3A_417 = arith.index_cast %scan3A_312 : i32 to index
        %swap3A_418 = arith.constant 144 : index
        %swap3A_419 = tpu.vector_load %arg16[%swap3A_417, %swap3A_418] {strides = array<i32>} : memref<8x256xf32, #tpu.memory_space<vmem>>, vector<1x16xf32>,
        %swap3A_420 = vector.shape_cast %swap3A_419 : vector<1x16xf32> to vector<16xf32>
        %swap3A_421 = vector.shape_cast %get3A_416 : vector<16xf32> to vector<1x16xf32>
        tpu.vector_store %arg16[%swap3A_417, %swap3A_418], %swap3A_421 {strides = array<i32>} : memref<8x256xf32, #tpu.memory_space<vmem>>, vector<1x16xf32>,
        %mul3A_422 = arith.constant 10 : i32
        %mul3A_423 = arith.muli %scan3A_312, %mul3A_422 : i32
        %get3A_424 = arith.index_cast %mul3A_423 : i32 to index
        %get3A_425 = arith.constant 160 : index
        %get3A_426 = tpu.vector_load %arg12[%get3A_424, %get3A_425] {strides = array<i32>} : memref<80x256xf32, #tpu.memory_space<vmem>>, vector<1x16xf32>,
        %get3A_427 = vector.shape_cast %get3A_426 : vector<1x16xf32> to vector<16xf32>
        %swap3A_428 = arith.index_cast %scan3A_312 : i32 to index
        %swap3A_429 = arith.constant 160 : index
        %swap3A_430 = tpu.vector_load %arg16[%swap3A_428, %swap3A_429] {strides = array<i32>} : memref<8x256xf32, #tpu.memory_space<vmem>>, vector<1x16xf32>,
        %swap3A_431 = vector.shape_cast %swap3A_430 : vector<1x16xf32> to vector<16xf32>
        %swap3A_432 = vector.shape_cast %get3A_427 : vector<16xf32> to vector<1x16xf32>
        tpu.vector_store %arg16[%swap3A_428, %swap3A_429], %swap3A_432 {strides = array<i32>} : memref<8x256xf32, #tpu.memory_space<vmem>>, vector<1x16xf32>,
        %mul3A_433 = arith.constant 10 : i32
        %mul3A_434 = arith.muli %scan3A_312, %mul3A_433 : i32
        %get3A_435 = arith.index_cast %mul3A_434 : i32 to index
        %get3A_436 = arith.constant 176 : index
        %get3A_437 = tpu.vector_load %arg12[%get3A_435, %get3A_436] {strides = array<i32>} : memref<80x256xf32, #tpu.memory_space<vmem>>, vector<1x16xf32>,
        %get3A_438 = vector.shape_cast %get3A_437 : vector<1x16xf32> to vector<16xf32>
        %swap3A_439 = arith.index_cast %scan3A_312 : i32 to index
        %swap3A_440 = arith.constant 176 : index
        %swap3A_441 = tpu.vector_load %arg16[%swap3A_439, %swap3A_440] {strides = array<i32>} : memref<8x256xf32, #tpu.memory_space<vmem>>, vector<1x16xf32>,
        %swap3A_442 = vector.shape_cast %swap3A_441 : vector<1x16xf32> to vector<16xf32>
        %swap3A_443 = vector.shape_cast %get3A_438 : vector<16xf32> to vector<1x16xf32>
        tpu.vector_store %arg16[%swap3A_439, %swap3A_440], %swap3A_443 {strides = array<i32>} : memref<8x256xf32, #tpu.memory_space<vmem>>, vector<1x16xf32>,
        %mul3A_444 = arith.constant 10 : i32
        %mul3A_445 = arith.muli %scan3A_312, %mul3A_444 : i32
        %get3A_446 = arith.index_cast %mul3A_445 : i32 to index
        %get3A_447 = arith.constant 192 : index
        %get3A_448 = tpu.vector_load %arg12[%get3A_446, %get3A_447] {strides = array<i32>} : memref<80x256xf32, #tpu.memory_space<vmem>>, vector<1x16xf32>,
        %get3A_449 = vector.shape_cast %get3A_448 : vector<1x16xf32> to vector<16xf32>
        %swap3A_450 = arith.index_cast %scan3A_312 : i32 to index
        %swap3A_451 = arith.constant 192 : index
        %swap3A_452 = tpu.vector_load %arg16[%swap3A_450, %swap3A_451] {strides = array<i32>} : memref<8x256xf32, #tpu.memory_space<vmem>>, vector<1x16xf32>,
        %swap3A_453 = vector.shape_cast %swap3A_452 : vector<1x16xf32> to vector<16xf32>
        %swap3A_454 = vector.shape_cast %get3A_449 : vector<16xf32> to vector<1x16xf32>
        tpu.vector_store %arg16[%swap3A_450, %swap3A_451], %swap3A_454 {strides = array<i32>} : memref<8x256xf32, #tpu.memory_space<vmem>>, vector<1x16xf32>,
        %mul3A_455 = arith.constant 10 : i32
        %mul3A_456 = arith.muli %scan3A_312, %mul3A_455 : i32
        %get3A_457 = arith.index_cast %mul3A_456 : i32 to index
        %get3A_458 = arith.constant 208 : index
        %get3A_459 = tpu.vector_load %arg12[%get3A_457, %get3A_458] {strides = array<i32>} : memref<80x256xf32, #tpu.memory_space<vmem>>, vector<1x16xf32>,
        %get3A_460 = vector.shape_cast %get3A_459 : vector<1x16xf32> to vector<16xf32>
        %swap3A_461 = arith.index_cast %scan3A_312 : i32 to index
        %swap3A_462 = arith.constant 208 : index
        %swap3A_463 = tpu.vector_load %arg16[%swap3A_461, %swap3A_462] {strides = array<i32>} : memref<8x256xf32, #tpu.memory_space<vmem>>, vector<1x16xf32>,
        %swap3A_464 = vector.shape_cast %swap3A_463 : vector<1x16xf32> to vector<16xf32>
        %swap3A_465 = vector.shape_cast %get3A_460 : vector<16xf32> to vector<1x16xf32>
        tpu.vector_store %arg16[%swap3A_461, %swap3A_462], %swap3A_465 {strides = array<i32>} : memref<8x256xf32, #tpu.memory_space<vmem>>, vector<1x16xf32>,
        %mul3A_466 = arith.constant 10 : i32
        %mul3A_467 = arith.muli %scan3A_312, %mul3A_466 : i32
        %get3A_468 = arith.index_cast %mul3A_467 : i32 to index
        %get3A_469 = arith.constant 224 : index
        %get3A_470 = tpu.vector_load %arg12[%get3A_468, %get3A_469] {strides = array<i32>} : memref<80x256xf32, #tpu.memory_space<vmem>>, vector<1x16xf32>,
        %get3A_471 = vector.shape_cast %get3A_470 : vector<1x16xf32> to vector<16xf32>
        %swap3A_472 = arith.index_cast %scan3A_312 : i32 to index
        %swap3A_473 = arith.constant 224 : index
        %swap3A_474 = tpu.vector_load %arg16[%swap3A_472, %swap3A_473] {strides = array<i32>} : memref<8x256xf32, #tpu.memory_space<vmem>>, vector<1x16xf32>,
        %swap3A_475 = vector.shape_cast %swap3A_474 : vector<1x16xf32> to vector<16xf32>
        %swap3A_476 = vector.shape_cast %get3A_471 : vector<16xf32> to vector<1x16xf32>
        tpu.vector_store %arg16[%swap3A_472, %swap3A_473], %swap3A_476 {strides = array<i32>} : memref<8x256xf32, #tpu.memory_space<vmem>>, vector<1x16xf32>,
        %mul3A_477 = arith.constant 10 : i32
        %mul3A_478 = arith.muli %scan3A_312, %mul3A_477 : i32
        %get3A_479 = arith.index_cast %mul3A_478 : i32 to index
        %get3A_480 = arith.constant 240 : index
        %get3A_481 = tpu.vector_load %arg12[%get3A_479, %get3A_480] {strides = array<i32>} : memref<80x256xf32, #tpu.memory_space<vmem>>, vector<1x16xf32>,
        %get3A_482 = vector.shape_cast %get3A_481 : vector<1x16xf32> to vector<16xf32>
        %swap3A_483 = arith.index_cast %scan3A_312 : i32 to index
        %swap3A_484 = arith.constant 240 : index
        %swap3A_485 = tpu.vector_load %arg16[%swap3A_483, %swap3A_484] {strides = array<i32>} : memref<8x256xf32, #tpu.memory_space<vmem>>, vector<1x16xf32>,
        %swap3A_486 = vector.shape_cast %swap3A_485 : vector<1x16xf32> to vector<16xf32>
        %swap3A_487 = vector.shape_cast %get3A_482 : vector<16xf32> to vector<1x16xf32>
        tpu.vector_store %arg16[%swap3A_483, %swap3A_484], %swap3A_487 {strides = array<i32>} : memref<8x256xf32, #tpu.memory_space<vmem>>, vector<1x16xf32>,
        %scan3A_488 = arith.constant 0 : i32
        scf.yield %scan3A_488 : i32
      }
      %scan3A_220 = arith.constant 8 : i32
      %add3A_221 = arith.constant 4 : i32
      %add3A_222 = arith.addi %add3A_202, %add3A_221 : i32
      %sub3A_223 = arith.constant 1 : i32
      %sub3A_224 = arith.subi %add3A_222, %sub3A_223 : i32
      %lt3A_225 = arith.constant 64 : i32
      %lt3A_226 = arith.cmpi slt, %sub3A_224, %lt3A_225 : i32
      %convert_element_type3A_227 = arith.extui %lt3A_226 : i1 to i32
      %cond3A_228 = arith.constant 0 : i32
      %cond3A_229 = arith.cmpi ne, %convert_element_type3A_227, %cond3A_228 : i32
      scf.if %cond3A_229 {
        %add3A_312 = arith.constant 4 : i32
        %add3A_313 = arith.addi %add3A_202, %add3A_312 : i32
        %sub3A_314 = arith.constant 1 : i32
        %sub3A_315 = arith.subi %add3A_313, %sub3A_314 : i32
        %dma_start3A_316 = arith.constant 0 : i32
        %dma_start3A_317 = tpu.memref_slice %arg8[%sub3A_315, %dma_start3A_316] : memref<64x80xi32, #tpu.memory_space<vmem>> -> memref<1x80xi32, #tpu.memory_space<vmem>>
        %dma_start3A_318 = tpu.memref_squeeze %dma_start3A_317 : memref<1x80xi32, #tpu.memory_space<vmem>> -> memref<80xi32, #tpu.memory_space<vmem>>
        %dma_start3A_319 = arith.constant 0 : i32
        %dma_start3A_320 = arith.constant 0 : i32
        %dma_start3A_321 = tpu.memref_slice %arg4[%dma_start3A_319, %dma_start3A_320] : memref<50000x256xf32, #tpu.memory_space<hbm>> -> memref<50000x256xf32, #tpu.memory_space<hbm>>
        tpu.enqueue_indirect_dma source(%dma_start3A_321 : memref<50000x256xf32, #tpu.memory_space<hbm>>) target(%arg11 : memref<80x256xf32, #tpu.memory_space<vmem>>) offsets(%dma_start3A_318 : memref<80xi32, #tpu.memory_space<vmem>>) semaphore(%arg17 : memref<!tpu.dma_semaphore, #tpu.memory_space<semaphore_mem>>)
      } else {
      }
      %mul3A_230 = arith.constant 8 : i32
      %mul3A_231 = arith.muli %add3A_202, %mul3A_230 : i32
      %add3A_232 = arith.addi %mul3A_2, %mul3A_231 : i32
      %dma_start3A_233 = arith.constant 0 : i32
      %dma_start3A_234 = tpu.memref_slice %arg6[%add3A_232, %dma_start3A_233] : memref<16384x256xf32, #tpu.memory_space<hbm>> -> memref<8x256xf32, #tpu.memory_space<hbm>>
      %dma_start3A_235 = arith.constant 0 : i32
      %dma_start3A_236 = tpu.memref_slice %arg6[%add3A_232, %dma_start3A_235] : memref<16384x256xf32, #tpu.memory_space<hbm>> -> memref<8x256xf32, #tpu.memory_space<hbm>>
      tpu.enqueue_dma source(%arg16 : memref<8x256xf32, #tpu.memory_space<vmem>>) target(%dma_start3A_236 : memref<8x256xf32, #tpu.memory_space<hbm>>) target_semaphore(%arg22 : memref<!tpu.dma_semaphore, #tpu.memory_space<semaphore_mem>>)
      %mul3A_237 = arith.constant 4 : i32
      %mul3A_238 = arith.muli %scan3A_164, %mul3A_237 : i32
      %add3A_239 = arith.constant 2 : i32
      %add3A_240 = arith.addi %mul3A_238, %add3A_239 : i32
      %dma_wait3A_241 = arith.constant 0 : i32
      %dma_wait3A_242 = tpu.memref_slice %arg8[%add3A_240, %dma_wait3A_241] : memref<64x80xi32, #tpu.memory_space<vmem>> -> memref<1x80xi32, #tpu.memory_space<vmem>>
      %dma_wait3A_243 = tpu.memref_squeeze %dma_wait3A_242 : memref<1x80xi32, #tpu.memory_space<vmem>> -> memref<80xi32, #tpu.memory_space<vmem>>
      %dma_wait3A_244 = arith.constant 0 : i32
      %dma_wait3A_245 = arith.constant 0 : i32
      %dma_wait3A_246 = tpu.memref_slice %arg4[%dma_wait3A_244, %dma_wait3A_245] : memref<50000x256xf32, #tpu.memory_space<hbm>> -> memref<50000x256xf32, #tpu.memory_space<hbm>>
      tpu.wait_indirect_dma semaphore(%arg19 : memref<!tpu.dma_semaphore, #tpu.memory_space<semaphore_mem>>) src(%dma_wait3A_246 : memref<50000x256xf32, #tpu.memory_space<hbm>>) dst(%arg13 : memref<80x256xf32, #tpu.memory_space<vmem>>)
      %dma_wait3A_247 = arith.constant 0 : i32
      %dma_wait3A_248 = tpu.memref_slice %arg6[%mul3A_2, %dma_wait3A_247] : memref<16384x256xf32, #tpu.memory_space<hbm>> -> memref<8x256xf32, #tpu.memory_space<hbm>>
      %dma_wait3A_249 = arith.constant 0 : i32
      %dma_wait3A_250 = tpu.memref_slice %arg6[%mul3A_2, %dma_wait3A_249] : memref<16384x256xf32, #tpu.memory_space<hbm>> -> memref<8x256xf32, #tpu.memory_space<hbm>>
      tpu.wait_dma2 semaphore(%arg21 : memref<!tpu.dma_semaphore, #tpu.memory_space<semaphore_mem>>) src(%arg15 : memref<8x256xf32, #tpu.memory_space<vmem>>) dst(%dma_wait3A_250 : memref<8x256xf32, #tpu.memory_space<hbm>>)
      %scan3A_251 = arith.constant 0 : i32
      %scan3A_252 = arith.constant 0 : i32
      %scan3A_253 = arith.constant 8 : i32
      %scan3A_254 = arith.addi %scan3A_252, %scan3A_253 : i32
      %scan3A_255 = arith.constant 1 : i32
      %scan3A_256 = scf.for %scan3A_312 = %scan3A_252 to %scan3A_254 step %scan3A_255 iter_args(%scan3A_313 = %scan3A_251) -> (i32)  : i32 {
        %mul3A_314 = arith.constant 10 : i32
        %mul3A_315 = arith.muli %scan3A_312, %mul3A_314 : i32
        %get3A = arith.index_cast %mul3A_315 : i32 to index
        %get3A_316 = arith.constant 0 : index
        %get3A_317 = tpu.vector_load %arg13[%get3A, %get3A_316] {strides = array<i32>} : memref<80x256xf32, #tpu.memory_space<vmem>>, vector<1x16xf32>,
        %get3A_318 = vector.shape_cast %get3A_317 : vector<1x16xf32> to vector<16xf32>
        %swap3A = arith.index_cast %scan3A_312 : i32 to index
        %swap3A_319 = arith.constant 0 : index
        %swap3A_320 = tpu.vector_load %arg15[%swap3A, %swap3A_319] {strides = array<i32>} : memref<8x256xf32, #tpu.memory_space<vmem>>, vector<1x16xf32>,
        %swap3A_321 = vector.shape_cast %swap3A_320 : vector<1x16xf32> to vector<16xf32>
        %swap3A_322 = vector.shape_cast %get3A_318 : vector<16xf32> to vector<1x16xf32>
        tpu.vector_store %arg15[%swap3A, %swap3A_319], %swap3A_322 {strides = array<i32>} : memref<8x256xf32, #tpu.memory_space<vmem>>, vector<1x16xf32>,
        %mul3A_323 = arith.constant 10 : i32
        %mul3A_324 = arith.muli %scan3A_312, %mul3A_323 : i32
        %get3A_325 = arith.index_cast %mul3A_324 : i32 to index
        %get3A_326 = arith.constant 16 : index
        %get3A_327 = tpu.vector_load %arg13[%get3A_325, %get3A_326] {strides = array<i32>} : memref<80x256xf32, #tpu.memory_space<vmem>>, vector<1x16xf32>,
        %get3A_328 = vector.shape_cast %get3A_327 : vector<1x16xf32> to vector<16xf32>
        %swap3A_329 = arith.index_cast %scan3A_312 : i32 to index
        %swap3A_330 = arith.constant 16 : index
        %swap3A_331 = tpu.vector_load %arg15[%swap3A_329, %swap3A_330] {strides = array<i32>} : memref<8x256xf32, #tpu.memory_space<vmem>>, vector<1x16xf32>,
        %swap3A_332 = vector.shape_cast %swap3A_331 : vector<1x16xf32> to vector<16xf32>
        %swap3A_333 = vector.shape_cast %get3A_328 : vector<16xf32> to vector<1x16xf32>
        tpu.vector_store %arg15[%swap3A_329, %swap3A_330], %swap3A_333 {strides = array<i32>} : memref<8x256xf32, #tpu.memory_space<vmem>>, vector<1x16xf32>,
        %mul3A_334 = arith.constant 10 : i32
        %mul3A_335 = arith.muli %scan3A_312, %mul3A_334 : i32
        %get3A_336 = arith.index_cast %mul3A_335 : i32 to index
        %get3A_337 = arith.constant 32 : index
        %get3A_338 = tpu.vector_load %arg13[%get3A_336, %get3A_337] {strides = array<i32>} : memref<80x256xf32, #tpu.memory_space<vmem>>, vector<1x16xf32>,
        %get3A_339 = vector.shape_cast %get3A_338 : vector<1x16xf32> to vector<16xf32>
        %swap3A_340 = arith.index_cast %scan3A_312 : i32 to index
        %swap3A_341 = arith.constant 32 : index
        %swap3A_342 = tpu.vector_load %arg15[%swap3A_340, %swap3A_341] {strides = array<i32>} : memref<8x256xf32, #tpu.memory_space<vmem>>, vector<1x16xf32>,
        %swap3A_343 = vector.shape_cast %swap3A_342 : vector<1x16xf32> to vector<16xf32>
        %swap3A_344 = vector.shape_cast %get3A_339 : vector<16xf32> to vector<1x16xf32>
        tpu.vector_store %arg15[%swap3A_340, %swap3A_341], %swap3A_344 {strides = array<i32>} : memref<8x256xf32, #tpu.memory_space<vmem>>, vector<1x16xf32>,
        %mul3A_345 = arith.constant 10 : i32
        %mul3A_346 = arith.muli %scan3A_312, %mul3A_345 : i32
        %get3A_347 = arith.index_cast %mul3A_346 : i32 to index
        %get3A_348 = arith.constant 48 : index
        %get3A_349 = tpu.vector_load %arg13[%get3A_347, %get3A_348] {strides = array<i32>} : memref<80x256xf32, #tpu.memory_space<vmem>>, vector<1x16xf32>,
        %get3A_350 = vector.shape_cast %get3A_349 : vector<1x16xf32> to vector<16xf32>
        %swap3A_351 = arith.index_cast %scan3A_312 : i32 to index
        %swap3A_352 = arith.constant 48 : index
        %swap3A_353 = tpu.vector_load %arg15[%swap3A_351, %swap3A_352] {strides = array<i32>} : memref<8x256xf32, #tpu.memory_space<vmem>>, vector<1x16xf32>,
        %swap3A_354 = vector.shape_cast %swap3A_353 : vector<1x16xf32> to vector<16xf32>
        %swap3A_355 = vector.shape_cast %get3A_350 : vector<16xf32> to vector<1x16xf32>
        tpu.vector_store %arg15[%swap3A_351, %swap3A_352], %swap3A_355 {strides = array<i32>} : memref<8x256xf32, #tpu.memory_space<vmem>>, vector<1x16xf32>,
        %mul3A_356 = arith.constant 10 : i32
        %mul3A_357 = arith.muli %scan3A_312, %mul3A_356 : i32
        %get3A_358 = arith.index_cast %mul3A_357 : i32 to index
        %get3A_359 = arith.constant 64 : index
        %get3A_360 = tpu.vector_load %arg13[%get3A_358, %get3A_359] {strides = array<i32>} : memref<80x256xf32, #tpu.memory_space<vmem>>, vector<1x16xf32>,
        %get3A_361 = vector.shape_cast %get3A_360 : vector<1x16xf32> to vector<16xf32>
        %swap3A_362 = arith.index_cast %scan3A_312 : i32 to index
        %swap3A_363 = arith.constant 64 : index
        %swap3A_364 = tpu.vector_load %arg15[%swap3A_362, %swap3A_363] {strides = array<i32>} : memref<8x256xf32, #tpu.memory_space<vmem>>, vector<1x16xf32>,
        %swap3A_365 = vector.shape_cast %swap3A_364 : vector<1x16xf32> to vector<16xf32>
        %swap3A_366 = vector.shape_cast %get3A_361 : vector<16xf32> to vector<1x16xf32>
        tpu.vector_store %arg15[%swap3A_362, %swap3A_363], %swap3A_366 {strides = array<i32>} : memref<8x256xf32, #tpu.memory_space<vmem>>, vector<1x16xf32>,
        %mul3A_367 = arith.constant 10 : i32
        %mul3A_368 = arith.muli %scan3A_312, %mul3A_367 : i32
        %get3A_369 = arith.index_cast %mul3A_368 : i32 to index
        %get3A_370 = arith.constant 80 : index
        %get3A_371 = tpu.vector_load %arg13[%get3A_369, %get3A_370] {strides = array<i32>} : memref<80x256xf32, #tpu.memory_space<vmem>>, vector<1x16xf32>,
        %get3A_372 = vector.shape_cast %get3A_371 : vector<1x16xf32> to vector<16xf32>
        %swap3A_373 = arith.index_cast %scan3A_312 : i32 to index
        %swap3A_374 = arith.constant 80 : index
        %swap3A_375 = tpu.vector_load %arg15[%swap3A_373, %swap3A_374] {strides = array<i32>} : memref<8x256xf32, #tpu.memory_space<vmem>>, vector<1x16xf32>,
        %swap3A_376 = vector.shape_cast %swap3A_375 : vector<1x16xf32> to vector<16xf32>
        %swap3A_377 = vector.shape_cast %get3A_372 : vector<16xf32> to vector<1x16xf32>
        tpu.vector_store %arg15[%swap3A_373, %swap3A_374], %swap3A_377 {strides = array<i32>} : memref<8x256xf32, #tpu.memory_space<vmem>>, vector<1x16xf32>,
        %mul3A_378 = arith.constant 10 : i32
        %mul3A_379 = arith.muli %scan3A_312, %mul3A_378 : i32
        %get3A_380 = arith.index_cast %mul3A_379 : i32 to index
        %get3A_381 = arith.constant 96 : index
        %get3A_382 = tpu.vector_load %arg13[%get3A_380, %get3A_381] {strides = array<i32>} : memref<80x256xf32, #tpu.memory_space<vmem>>, vector<1x16xf32>,
        %get3A_383 = vector.shape_cast %get3A_382 : vector<1x16xf32> to vector<16xf32>
        %swap3A_384 = arith.index_cast %scan3A_312 : i32 to index
        %swap3A_385 = arith.constant 96 : index
        %swap3A_386 = tpu.vector_load %arg15[%swap3A_384, %swap3A_385] {strides = array<i32>} : memref<8x256xf32, #tpu.memory_space<vmem>>, vector<1x16xf32>,
        %swap3A_387 = vector.shape_cast %swap3A_386 : vector<1x16xf32> to vector<16xf32>
        %swap3A_388 = vector.shape_cast %get3A_383 : vector<16xf32> to vector<1x16xf32>
        tpu.vector_store %arg15[%swap3A_384, %swap3A_385], %swap3A_388 {strides = array<i32>} : memref<8x256xf32, #tpu.memory_space<vmem>>, vector<1x16xf32>,
        %mul3A_389 = arith.constant 10 : i32
        %mul3A_390 = arith.muli %scan3A_312, %mul3A_389 : i32
        %get3A_391 = arith.index_cast %mul3A_390 : i32 to index
        %get3A_392 = arith.constant 112 : index
        %get3A_393 = tpu.vector_load %arg13[%get3A_391, %get3A_392] {strides = array<i32>} : memref<80x256xf32, #tpu.memory_space<vmem>>, vector<1x16xf32>,
        %get3A_394 = vector.shape_cast %get3A_393 : vector<1x16xf32> to vector<16xf32>
        %swap3A_395 = arith.index_cast %scan3A_312 : i32 to index
        %swap3A_396 = arith.constant 112 : index
        %swap3A_397 = tpu.vector_load %arg15[%swap3A_395, %swap3A_396] {strides = array<i32>} : memref<8x256xf32, #tpu.memory_space<vmem>>, vector<1x16xf32>,
        %swap3A_398 = vector.shape_cast %swap3A_397 : vector<1x16xf32> to vector<16xf32>
        %swap3A_399 = vector.shape_cast %get3A_394 : vector<16xf32> to vector<1x16xf32>
        tpu.vector_store %arg15[%swap3A_395, %swap3A_396], %swap3A_399 {strides = array<i32>} : memref<8x256xf32, #tpu.memory_space<vmem>>, vector<1x16xf32>,
        %mul3A_400 = arith.constant 10 : i32
        %mul3A_401 = arith.muli %scan3A_312, %mul3A_400 : i32
        %get3A_402 = arith.index_cast %mul3A_401 : i32 to index
        %get3A_403 = arith.constant 128 : index
        %get3A_404 = tpu.vector_load %arg13[%get3A_402, %get3A_403] {strides = array<i32>} : memref<80x256xf32, #tpu.memory_space<vmem>>, vector<1x16xf32>,
        %get3A_405 = vector.shape_cast %get3A_404 : vector<1x16xf32> to vector<16xf32>
        %swap3A_406 = arith.index_cast %scan3A_312 : i32 to index
        %swap3A_407 = arith.constant 128 : index
        %swap3A_408 = tpu.vector_load %arg15[%swap3A_406, %swap3A_407] {strides = array<i32>} : memref<8x256xf32, #tpu.memory_space<vmem>>, vector<1x16xf32>,
        %swap3A_409 = vector.shape_cast %swap3A_408 : vector<1x16xf32> to vector<16xf32>
        %swap3A_410 = vector.shape_cast %get3A_405 : vector<16xf32> to vector<1x16xf32>
        tpu.vector_store %arg15[%swap3A_406, %swap3A_407], %swap3A_410 {strides = array<i32>} : memref<8x256xf32, #tpu.memory_space<vmem>>, vector<1x16xf32>,
        %mul3A_411 = arith.constant 10 : i32
        %mul3A_412 = arith.muli %scan3A_312, %mul3A_411 : i32
        %get3A_413 = arith.index_cast %mul3A_412 : i32 to index
        %get3A_414 = arith.constant 144 : index
        %get3A_415 = tpu.vector_load %arg13[%get3A_413, %get3A_414] {strides = array<i32>} : memref<80x256xf32, #tpu.memory_space<vmem>>, vector<1x16xf32>,
        %get3A_416 = vector.shape_cast %get3A_415 : vector<1x16xf32> to vector<16xf32>
        %swap3A_417 = arith.index_cast %scan3A_312 : i32 to index
        %swap3A_418 = arith.constant 144 : index
        %swap3A_419 = tpu.vector_load %arg15[%swap3A_417, %swap3A_418] {strides = array<i32>} : memref<8x256xf32, #tpu.memory_space<vmem>>, vector<1x16xf32>,
        %swap3A_420 = vector.shape_cast %swap3A_419 : vector<1x16xf32> to vector<16xf32>
        %swap3A_421 = vector.shape_cast %get3A_416 : vector<16xf32> to vector<1x16xf32>
        tpu.vector_store %arg15[%swap3A_417, %swap3A_418], %swap3A_421 {strides = array<i32>} : memref<8x256xf32, #tpu.memory_space<vmem>>, vector<1x16xf32>,
        %mul3A_422 = arith.constant 10 : i32
        %mul3A_423 = arith.muli %scan3A_312, %mul3A_422 : i32
        %get3A_424 = arith.index_cast %mul3A_423 : i32 to index
        %get3A_425 = arith.constant 160 : index
        %get3A_426 = tpu.vector_load %arg13[%get3A_424, %get3A_425] {strides = array<i32>} : memref<80x256xf32, #tpu.memory_space<vmem>>, vector<1x16xf32>,
        %get3A_427 = vector.shape_cast %get3A_426 : vector<1x16xf32> to vector<16xf32>
        %swap3A_428 = arith.index_cast %scan3A_312 : i32 to index
        %swap3A_429 = arith.constant 160 : index
        %swap3A_430 = tpu.vector_load %arg15[%swap3A_428, %swap3A_429] {strides = array<i32>} : memref<8x256xf32, #tpu.memory_space<vmem>>, vector<1x16xf32>,
        %swap3A_431 = vector.shape_cast %swap3A_430 : vector<1x16xf32> to vector<16xf32>
        %swap3A_432 = vector.shape_cast %get3A_427 : vector<16xf32> to vector<1x16xf32>
        tpu.vector_store %arg15[%swap3A_428, %swap3A_429], %swap3A_432 {strides = array<i32>} : memref<8x256xf32, #tpu.memory_space<vmem>>, vector<1x16xf32>,
        %mul3A_433 = arith.constant 10 : i32
        %mul3A_434 = arith.muli %scan3A_312, %mul3A_433 : i32
        %get3A_435 = arith.index_cast %mul3A_434 : i32 to index
        %get3A_436 = arith.constant 176 : index
        %get3A_437 = tpu.vector_load %arg13[%get3A_435, %get3A_436] {strides = array<i32>} : memref<80x256xf32, #tpu.memory_space<vmem>>, vector<1x16xf32>,
        %get3A_438 = vector.shape_cast %get3A_437 : vector<1x16xf32> to vector<16xf32>
        %swap3A_439 = arith.index_cast %scan3A_312 : i32 to index
        %swap3A_440 = arith.constant 176 : index
        %swap3A_441 = tpu.vector_load %arg15[%swap3A_439, %swap3A_440] {strides = array<i32>} : memref<8x256xf32, #tpu.memory_space<vmem>>, vector<1x16xf32>,
        %swap3A_442 = vector.shape_cast %swap3A_441 : vector<1x16xf32> to vector<16xf32>
        %swap3A_443 = vector.shape_cast %get3A_438 : vector<16xf32> to vector<1x16xf32>
        tpu.vector_store %arg15[%swap3A_439, %swap3A_440], %swap3A_443 {strides = array<i32>} : memref<8x256xf32, #tpu.memory_space<vmem>>, vector<1x16xf32>,
        %mul3A_444 = arith.constant 10 : i32
        %mul3A_445 = arith.muli %scan3A_312, %mul3A_444 : i32
        %get3A_446 = arith.index_cast %mul3A_445 : i32 to index
        %get3A_447 = arith.constant 192 : index
        %get3A_448 = tpu.vector_load %arg13[%get3A_446, %get3A_447] {strides = array<i32>} : memref<80x256xf32, #tpu.memory_space<vmem>>, vector<1x16xf32>,
        %get3A_449 = vector.shape_cast %get3A_448 : vector<1x16xf32> to vector<16xf32>
        %swap3A_450 = arith.index_cast %scan3A_312 : i32 to index
        %swap3A_451 = arith.constant 192 : index
        %swap3A_452 = tpu.vector_load %arg15[%swap3A_450, %swap3A_451] {strides = array<i32>} : memref<8x256xf32, #tpu.memory_space<vmem>>, vector<1x16xf32>,
        %swap3A_453 = vector.shape_cast %swap3A_452 : vector<1x16xf32> to vector<16xf32>
        %swap3A_454 = vector.shape_cast %get3A_449 : vector<16xf32> to vector<1x16xf32>
        tpu.vector_store %arg15[%swap3A_450, %swap3A_451], %swap3A_454 {strides = array<i32>} : memref<8x256xf32, #tpu.memory_space<vmem>>, vector<1x16xf32>,
        %mul3A_455 = arith.constant 10 : i32
        %mul3A_456 = arith.muli %scan3A_312, %mul3A_455 : i32
        %get3A_457 = arith.index_cast %mul3A_456 : i32 to index
        %get3A_458 = arith.constant 208 : index
        %get3A_459 = tpu.vector_load %arg13[%get3A_457, %get3A_458] {strides = array<i32>} : memref<80x256xf32, #tpu.memory_space<vmem>>, vector<1x16xf32>,
        %get3A_460 = vector.shape_cast %get3A_459 : vector<1x16xf32> to vector<16xf32>
        %swap3A_461 = arith.index_cast %scan3A_312 : i32 to index
        %swap3A_462 = arith.constant 208 : index
        %swap3A_463 = tpu.vector_load %arg15[%swap3A_461, %swap3A_462] {strides = array<i32>} : memref<8x256xf32, #tpu.memory_space<vmem>>, vector<1x16xf32>,
        %swap3A_464 = vector.shape_cast %swap3A_463 : vector<1x16xf32> to vector<16xf32>
        %swap3A_465 = vector.shape_cast %get3A_460 : vector<16xf32> to vector<1x16xf32>
        tpu.vector_store %arg15[%swap3A_461, %swap3A_462], %swap3A_465 {strides = array<i32>} : memref<8x256xf32, #tpu.memory_space<vmem>>, vector<1x16xf32>,
        %mul3A_466 = arith.constant 10 : i32
        %mul3A_467 = arith.muli %scan3A_312, %mul3A_466 : i32
        %get3A_468 = arith.index_cast %mul3A_467 : i32 to index
        %get3A_469 = arith.constant 224 : index
        %get3A_470 = tpu.vector_load %arg13[%get3A_468, %get3A_469] {strides = array<i32>} : memref<80x256xf32, #tpu.memory_space<vmem>>, vector<1x16xf32>,
        %get3A_471 = vector.shape_cast %get3A_470 : vector<1x16xf32> to vector<16xf32>
        %swap3A_472 = arith.index_cast %scan3A_312 : i32 to index
        %swap3A_473 = arith.constant 224 : index
        %swap3A_474 = tpu.vector_load %arg15[%swap3A_472, %swap3A_473] {strides = array<i32>} : memref<8x256xf32, #tpu.memory_space<vmem>>, vector<1x16xf32>,
        %swap3A_475 = vector.shape_cast %swap3A_474 : vector<1x16xf32> to vector<16xf32>
        %swap3A_476 = vector.shape_cast %get3A_471 : vector<16xf32> to vector<1x16xf32>
        tpu.vector_store %arg15[%swap3A_472, %swap3A_473], %swap3A_476 {strides = array<i32>} : memref<8x256xf32, #tpu.memory_space<vmem>>, vector<1x16xf32>,
        %mul3A_477 = arith.constant 10 : i32
        %mul3A_478 = arith.muli %scan3A_312, %mul3A_477 : i32
        %get3A_479 = arith.index_cast %mul3A_478 : i32 to index
        %get3A_480 = arith.constant 240 : index
        %get3A_481 = tpu.vector_load %arg13[%get3A_479, %get3A_480] {strides = array<i32>} : memref<80x256xf32, #tpu.memory_space<vmem>>, vector<1x16xf32>,
        %get3A_482 = vector.shape_cast %get3A_481 : vector<1x16xf32> to vector<16xf32>
        %swap3A_483 = arith.index_cast %scan3A_312 : i32 to index
        %swap3A_484 = arith.constant 240 : index
        %swap3A_485 = tpu.vector_load %arg15[%swap3A_483, %swap3A_484] {strides = array<i32>} : memref<8x256xf32, #tpu.memory_space<vmem>>, vector<1x16xf32>,
        %swap3A_486 = vector.shape_cast %swap3A_485 : vector<1x16xf32> to vector<16xf32>
        %swap3A_487 = vector.shape_cast %get3A_482 : vector<16xf32> to vector<1x16xf32>
        tpu.vector_store %arg15[%swap3A_483, %swap3A_484], %swap3A_487 {strides = array<i32>} : memref<8x256xf32, #tpu.memory_space<vmem>>, vector<1x16xf32>,
        %scan3A_488 = arith.constant 0 : i32
        scf.yield %scan3A_488 : i32
      }
      %scan3A_257 = arith.constant 8 : i32
      %add3A_258 = arith.constant 4 : i32
      %add3A_259 = arith.addi %add3A_240, %add3A_258 : i32
      %sub3A_260 = arith.constant 1 : i32
      %sub3A_261 = arith.subi %add3A_259, %sub3A_260 : i32
      %lt3A_262 = arith.constant 64 : i32
      %lt3A_263 = arith.cmpi slt, %sub3A_261, %lt3A_262 : i32
      %convert_element_type3A_264 = arith.extui %lt3A_263 : i1 to i32
      %cond3A_265 = arith.constant 0 : i32
      %cond3A_266 = arith.cmpi ne, %convert_element_type3A_264, %cond3A_265 : i32
      scf.if %cond3A_266 {
        %add3A_312 = arith.constant 4 : i32
        %add3A_313 = arith.addi %add3A_240, %add3A_312 : i32
        %sub3A_314 = arith.constant 1 : i32
        %sub3A_315 = arith.subi %add3A_313, %sub3A_314 : i32
        %dma_start3A_316 = arith.constant 0 : i32
        %dma_start3A_317 = tpu.memref_slice %arg8[%sub3A_315, %dma_start3A_316] : memref<64x80xi32, #tpu.memory_space<vmem>> -> memref<1x80xi32, #tpu.memory_space<vmem>>
        %dma_start3A_318 = tpu.memref_squeeze %dma_start3A_317 : memref<1x80xi32, #tpu.memory_space<vmem>> -> memref<80xi32, #tpu.memory_space<vmem>>
        %dma_start3A_319 = arith.constant 0 : i32
        %dma_start3A_320 = arith.constant 0 : i32
        %dma_start3A_321 = tpu.memref_slice %arg4[%dma_start3A_319, %dma_start3A_320] : memref<50000x256xf32, #tpu.memory_space<hbm>> -> memref<50000x256xf32, #tpu.memory_space<hbm>>
        tpu.enqueue_indirect_dma source(%dma_start3A_321 : memref<50000x256xf32, #tpu.memory_space<hbm>>) target(%arg12 : memref<80x256xf32, #tpu.memory_space<vmem>>) offsets(%dma_start3A_318 : memref<80xi32, #tpu.memory_space<vmem>>) semaphore(%arg18 : memref<!tpu.dma_semaphore, #tpu.memory_space<semaphore_mem>>)
      } else {
      }
      %mul3A_267 = arith.constant 8 : i32
      %mul3A_268 = arith.muli %add3A_240, %mul3A_267 : i32
      %add3A_269 = arith.addi %mul3A_2, %mul3A_268 : i32
      %dma_start3A_270 = arith.constant 0 : i32
      %dma_start3A_271 = tpu.memref_slice %arg6[%add3A_269, %dma_start3A_270] : memref<16384x256xf32, #tpu.memory_space<hbm>> -> memref<8x256xf32, #tpu.memory_space<hbm>>
      %dma_start3A_272 = arith.constant 0 : i32
      %dma_start3A_273 = tpu.memref_slice %arg6[%add3A_269, %dma_start3A_272] : memref<16384x256xf32, #tpu.memory_space<hbm>> -> memref<8x256xf32, #tpu.memory_space<hbm>>
      tpu.enqueue_dma source(%arg15 : memref<8x256xf32, #tpu.memory_space<vmem>>) target(%dma_start3A_273 : memref<8x256xf32, #tpu.memory_space<hbm>>) target_semaphore(%arg21 : memref<!tpu.dma_semaphore, #tpu.memory_space<semaphore_mem>>)
      %mul3A_274 = arith.constant 4 : i32
      %mul3A_275 = arith.muli %scan3A_164, %mul3A_274 : i32
      %add3A_276 = arith.constant 3 : i32
      %add3A_277 = arith.addi %mul3A_275, %add3A_276 : i32
      %dma_wait3A_278 = arith.constant 0 : i32
      %dma_wait3A_279 = tpu.memref_slice %arg8[%add3A_277, %dma_wait3A_278] : memref<64x80xi32, #tpu.memory_space<vmem>> -> memref<1x80xi32, #tpu.memory_space<vmem>>
      %dma_wait3A_280 = tpu.memref_squeeze %dma_wait3A_279 : memref<1x80xi32, #tpu.memory_space<vmem>> -> memref<80xi32, #tpu.memory_space<vmem>>
      %dma_wait3A_281 = arith.constant 0 : i32
      %dma_wait3A_282 = arith.constant 0 : i32
      %dma_wait3A_283 = tpu.memref_slice %arg4[%dma_wait3A_281, %dma_wait3A_282] : memref<50000x256xf32, #tpu.memory_space<hbm>> -> memref<50000x256xf32, #tpu.memory_space<hbm>>
      tpu.wait_indirect_dma semaphore(%arg20 : memref<!tpu.dma_semaphore, #tpu.memory_space<semaphore_mem>>) src(%dma_wait3A_283 : memref<50000x256xf32, #tpu.memory_space<hbm>>) dst(%arg14 : memref<80x256xf32, #tpu.memory_space<vmem>>)
      %dma_wait3A_284 = arith.constant 0 : i32
      %dma_wait3A_285 = tpu.memref_slice %arg6[%mul3A_2, %dma_wait3A_284] : memref<16384x256xf32, #tpu.memory_space<hbm>> -> memref<8x256xf32, #tpu.memory_space<hbm>>
      %dma_wait3A_286 = arith.constant 0 : i32
      %dma_wait3A_287 = tpu.memref_slice %arg6[%mul3A_2, %dma_wait3A_286] : memref<16384x256xf32, #tpu.memory_space<hbm>> -> memref<8x256xf32, #tpu.memory_space<hbm>>
      tpu.wait_dma2 semaphore(%arg22 : memref<!tpu.dma_semaphore, #tpu.memory_space<semaphore_mem>>) src(%arg16 : memref<8x256xf32, #tpu.memory_space<vmem>>) dst(%dma_wait3A_287 : memref<8x256xf32, #tpu.memory_space<hbm>>)
      %scan3A_288 = arith.constant 0 : i32
      %scan3A_289 = arith.constant 0 : i32
      %scan3A_290 = arith.constant 8 : i32
      %scan3A_291 = arith.addi %scan3A_289, %scan3A_290 : i32
      %scan3A_292 = arith.constant 1 : i32
      %scan3A_293 = scf.for %scan3A_312 = %scan3A_289 to %scan3A_291 step %scan3A_292 iter_args(%scan3A_313 = %scan3A_288) -> (i32)  : i32 {
        %mul3A_314 = arith.constant 10 : i32
        %mul3A_315 = arith.muli %scan3A_312, %mul3A_314 : i32
        %get3A = arith.index_cast %mul3A_315 : i32 to index
        %get3A_316 = arith.constant 0 : index
        %get3A_317 = tpu.vector_load %arg14[%get3A, %get3A_316] {strides = array<i32>} : memref<80x256xf32, #tpu.memory_space<vmem>>, vector<1x16xf32>,
        %get3A_318 = vector.shape_cast %get3A_317 : vector<1x16xf32> to vector<16xf32>
        %swap3A = arith.index_cast %scan3A_312 : i32 to index
        %swap3A_319 = arith.constant 0 : index
        %swap3A_320 = tpu.vector_load %arg16[%swap3A, %swap3A_319] {strides = array<i32>} : memref<8x256xf32, #tpu.memory_space<vmem>>, vector<1x16xf32>,
        %swap3A_321 = vector.shape_cast %swap3A_320 : vector<1x16xf32> to vector<16xf32>
        %swap3A_322 = vector.shape_cast %get3A_318 : vector<16xf32> to vector<1x16xf32>
        tpu.vector_store %arg16[%swap3A, %swap3A_319], %swap3A_322 {strides = array<i32>} : memref<8x256xf32, #tpu.memory_space<vmem>>, vector<1x16xf32>,
        %mul3A_323 = arith.constant 10 : i32
        %mul3A_324 = arith.muli %scan3A_312, %mul3A_323 : i32
        %get3A_325 = arith.index_cast %mul3A_324 : i32 to index
        %get3A_326 = arith.constant 16 : index
        %get3A_327 = tpu.vector_load %arg14[%get3A_325, %get3A_326] {strides = array<i32>} : memref<80x256xf32, #tpu.memory_space<vmem>>, vector<1x16xf32>,
        %get3A_328 = vector.shape_cast %get3A_327 : vector<1x16xf32> to vector<16xf32>
        %swap3A_329 = arith.index_cast %scan3A_312 : i32 to index
        %swap3A_330 = arith.constant 16 : index
        %swap3A_331 = tpu.vector_load %arg16[%swap3A_329, %swap3A_330] {strides = array<i32>} : memref<8x256xf32, #tpu.memory_space<vmem>>, vector<1x16xf32>,
        %swap3A_332 = vector.shape_cast %swap3A_331 : vector<1x16xf32> to vector<16xf32>
        %swap3A_333 = vector.shape_cast %get3A_328 : vector<16xf32> to vector<1x16xf32>
        tpu.vector_store %arg16[%swap3A_329, %swap3A_330], %swap3A_333 {strides = array<i32>} : memref<8x256xf32, #tpu.memory_space<vmem>>, vector<1x16xf32>,
        %mul3A_334 = arith.constant 10 : i32
        %mul3A_335 = arith.muli %scan3A_312, %mul3A_334 : i32
        %get3A_336 = arith.index_cast %mul3A_335 : i32 to index
        %get3A_337 = arith.constant 32 : index
        %get3A_338 = tpu.vector_load %arg14[%get3A_336, %get3A_337] {strides = array<i32>} : memref<80x256xf32, #tpu.memory_space<vmem>>, vector<1x16xf32>,
        %get3A_339 = vector.shape_cast %get3A_338 : vector<1x16xf32> to vector<16xf32>
        %swap3A_340 = arith.index_cast %scan3A_312 : i32 to index
        %swap3A_341 = arith.constant 32 : index
        %swap3A_342 = tpu.vector_load %arg16[%swap3A_340, %swap3A_341] {strides = array<i32>} : memref<8x256xf32, #tpu.memory_space<vmem>>, vector<1x16xf32>,
        %swap3A_343 = vector.shape_cast %swap3A_342 : vector<1x16xf32> to vector<16xf32>
        %swap3A_344 = vector.shape_cast %get3A_339 : vector<16xf32> to vector<1x16xf32>
        tpu.vector_store %arg16[%swap3A_340, %swap3A_341], %swap3A_344 {strides = array<i32>} : memref<8x256xf32, #tpu.memory_space<vmem>>, vector<1x16xf32>,
        %mul3A_345 = arith.constant 10 : i32
        %mul3A_346 = arith.muli %scan3A_312, %mul3A_345 : i32
        %get3A_347 = arith.index_cast %mul3A_346 : i32 to index
        %get3A_348 = arith.constant 48 : index
        %get3A_349 = tpu.vector_load %arg14[%get3A_347, %get3A_348] {strides = array<i32>} : memref<80x256xf32, #tpu.memory_space<vmem>>, vector<1x16xf32>,
        %get3A_350 = vector.shape_cast %get3A_349 : vector<1x16xf32> to vector<16xf32>
        %swap3A_351 = arith.index_cast %scan3A_312 : i32 to index
        %swap3A_352 = arith.constant 48 : index
        %swap3A_353 = tpu.vector_load %arg16[%swap3A_351, %swap3A_352] {strides = array<i32>} : memref<8x256xf32, #tpu.memory_space<vmem>>, vector<1x16xf32>,
        %swap3A_354 = vector.shape_cast %swap3A_353 : vector<1x16xf32> to vector<16xf32>
        %swap3A_355 = vector.shape_cast %get3A_350 : vector<16xf32> to vector<1x16xf32>
        tpu.vector_store %arg16[%swap3A_351, %swap3A_352], %swap3A_355 {strides = array<i32>} : memref<8x256xf32, #tpu.memory_space<vmem>>, vector<1x16xf32>,
        %mul3A_356 = arith.constant 10 : i32
        %mul3A_357 = arith.muli %scan3A_312, %mul3A_356 : i32
        %get3A_358 = arith.index_cast %mul3A_357 : i32 to index
        %get3A_359 = arith.constant 64 : index
        %get3A_360 = tpu.vector_load %arg14[%get3A_358, %get3A_359] {strides = array<i32>} : memref<80x256xf32, #tpu.memory_space<vmem>>, vector<1x16xf32>,
        %get3A_361 = vector.shape_cast %get3A_360 : vector<1x16xf32> to vector<16xf32>
        %swap3A_362 = arith.index_cast %scan3A_312 : i32 to index
        %swap3A_363 = arith.constant 64 : index
        %swap3A_364 = tpu.vector_load %arg16[%swap3A_362, %swap3A_363] {strides = array<i32>} : memref<8x256xf32, #tpu.memory_space<vmem>>, vector<1x16xf32>,
        %swap3A_365 = vector.shape_cast %swap3A_364 : vector<1x16xf32> to vector<16xf32>
        %swap3A_366 = vector.shape_cast %get3A_361 : vector<16xf32> to vector<1x16xf32>
        tpu.vector_store %arg16[%swap3A_362, %swap3A_363], %swap3A_366 {strides = array<i32>} : memref<8x256xf32, #tpu.memory_space<vmem>>, vector<1x16xf32>,
        %mul3A_367 = arith.constant 10 : i32
        %mul3A_368 = arith.muli %scan3A_312, %mul3A_367 : i32
        %get3A_369 = arith.index_cast %mul3A_368 : i32 to index
        %get3A_370 = arith.constant 80 : index
        %get3A_371 = tpu.vector_load %arg14[%get3A_369, %get3A_370] {strides = array<i32>} : memref<80x256xf32, #tpu.memory_space<vmem>>, vector<1x16xf32>,
        %get3A_372 = vector.shape_cast %get3A_371 : vector<1x16xf32> to vector<16xf32>
        %swap3A_373 = arith.index_cast %scan3A_312 : i32 to index
        %swap3A_374 = arith.constant 80 : index
        %swap3A_375 = tpu.vector_load %arg16[%swap3A_373, %swap3A_374] {strides = array<i32>} : memref<8x256xf32, #tpu.memory_space<vmem>>, vector<1x16xf32>,
        %swap3A_376 = vector.shape_cast %swap3A_375 : vector<1x16xf32> to vector<16xf32>
        %swap3A_377 = vector.shape_cast %get3A_372 : vector<16xf32> to vector<1x16xf32>
        tpu.vector_store %arg16[%swap3A_373, %swap3A_374], %swap3A_377 {strides = array<i32>} : memref<8x256xf32, #tpu.memory_space<vmem>>, vector<1x16xf32>,
        %mul3A_378 = arith.constant 10 : i32
        %mul3A_379 = arith.muli %scan3A_312, %mul3A_378 : i32
        %get3A_380 = arith.index_cast %mul3A_379 : i32 to index
        %get3A_381 = arith.constant 96 : index
        %get3A_382 = tpu.vector_load %arg14[%get3A_380, %get3A_381] {strides = array<i32>} : memref<80x256xf32, #tpu.memory_space<vmem>>, vector<1x16xf32>,
        %get3A_383 = vector.shape_cast %get3A_382 : vector<1x16xf32> to vector<16xf32>
        %swap3A_384 = arith.index_cast %scan3A_312 : i32 to index
        %swap3A_385 = arith.constant 96 : index
        %swap3A_386 = tpu.vector_load %arg16[%swap3A_384, %swap3A_385] {strides = array<i32>} : memref<8x256xf32, #tpu.memory_space<vmem>>, vector<1x16xf32>,
        %swap3A_387 = vector.shape_cast %swap3A_386 : vector<1x16xf32> to vector<16xf32>
        %swap3A_388 = vector.shape_cast %get3A_383 : vector<16xf32> to vector<1x16xf32>
        tpu.vector_store %arg16[%swap3A_384, %swap3A_385], %swap3A_388 {strides = array<i32>} : memref<8x256xf32, #tpu.memory_space<vmem>>, vector<1x16xf32>,
        %mul3A_389 = arith.constant 10 : i32
        %mul3A_390 = arith.muli %scan3A_312, %mul3A_389 : i32
        %get3A_391 = arith.index_cast %mul3A_390 : i32 to index
        %get3A_392 = arith.constant 112 : index
        %get3A_393 = tpu.vector_load %arg14[%get3A_391, %get3A_392] {strides = array<i32>} : memref<80x256xf32, #tpu.memory_space<vmem>>, vector<1x16xf32>,
        %get3A_394 = vector.shape_cast %get3A_393 : vector<1x16xf32> to vector<16xf32>
        %swap3A_395 = arith.index_cast %scan3A_312 : i32 to index
        %swap3A_396 = arith.constant 112 : index
        %swap3A_397 = tpu.vector_load %arg16[%swap3A_395, %swap3A_396] {strides = array<i32>} : memref<8x256xf32, #tpu.memory_space<vmem>>, vector<1x16xf32>,
        %swap3A_398 = vector.shape_cast %swap3A_397 : vector<1x16xf32> to vector<16xf32>
        %swap3A_399 = vector.shape_cast %get3A_394 : vector<16xf32> to vector<1x16xf32>
        tpu.vector_store %arg16[%swap3A_395, %swap3A_396], %swap3A_399 {strides = array<i32>} : memref<8x256xf32, #tpu.memory_space<vmem>>, vector<1x16xf32>,
        %mul3A_400 = arith.constant 10 : i32
        %mul3A_401 = arith.muli %scan3A_312, %mul3A_400 : i32
        %get3A_402 = arith.index_cast %mul3A_401 : i32 to index
        %get3A_403 = arith.constant 128 : index
        %get3A_404 = tpu.vector_load %arg14[%get3A_402, %get3A_403] {strides = array<i32>} : memref<80x256xf32, #tpu.memory_space<vmem>>, vector<1x16xf32>,
        %get3A_405 = vector.shape_cast %get3A_404 : vector<1x16xf32> to vector<16xf32>
        %swap3A_406 = arith.index_cast %scan3A_312 : i32 to index
        %swap3A_407 = arith.constant 128 : index
        %swap3A_408 = tpu.vector_load %arg16[%swap3A_406, %swap3A_407] {strides = array<i32>} : memref<8x256xf32, #tpu.memory_space<vmem>>, vector<1x16xf32>,
        %swap3A_409 = vector.shape_cast %swap3A_408 : vector<1x16xf32> to vector<16xf32>
        %swap3A_410 = vector.shape_cast %get3A_405 : vector<16xf32> to vector<1x16xf32>
        tpu.vector_store %arg16[%swap3A_406, %swap3A_407], %swap3A_410 {strides = array<i32>} : memref<8x256xf32, #tpu.memory_space<vmem>>, vector<1x16xf32>,
        %mul3A_411 = arith.constant 10 : i32
        %mul3A_412 = arith.muli %scan3A_312, %mul3A_411 : i32
        %get3A_413 = arith.index_cast %mul3A_412 : i32 to index
        %get3A_414 = arith.constant 144 : index
        %get3A_415 = tpu.vector_load %arg14[%get3A_413, %get3A_414] {strides = array<i32>} : memref<80x256xf32, #tpu.memory_space<vmem>>, vector<1x16xf32>,
        %get3A_416 = vector.shape_cast %get3A_415 : vector<1x16xf32> to vector<16xf32>
        %swap3A_417 = arith.index_cast %scan3A_312 : i32 to index
        %swap3A_418 = arith.constant 144 : index
        %swap3A_419 = tpu.vector_load %arg16[%swap3A_417, %swap3A_418] {strides = array<i32>} : memref<8x256xf32, #tpu.memory_space<vmem>>, vector<1x16xf32>,
        %swap3A_420 = vector.shape_cast %swap3A_419 : vector<1x16xf32> to vector<16xf32>
        %swap3A_421 = vector.shape_cast %get3A_416 : vector<16xf32> to vector<1x16xf32>
        tpu.vector_store %arg16[%swap3A_417, %swap3A_418], %swap3A_421 {strides = array<i32>} : memref<8x256xf32, #tpu.memory_space<vmem>>, vector<1x16xf32>,
        %mul3A_422 = arith.constant 10 : i32
        %mul3A_423 = arith.muli %scan3A_312, %mul3A_422 : i32
        %get3A_424 = arith.index_cast %mul3A_423 : i32 to index
        %get3A_425 = arith.constant 160 : index
        %get3A_426 = tpu.vector_load %arg14[%get3A_424, %get3A_425] {strides = array<i32>} : memref<80x256xf32, #tpu.memory_space<vmem>>, vector<1x16xf32>,
        %get3A_427 = vector.shape_cast %get3A_426 : vector<1x16xf32> to vector<16xf32>
        %swap3A_428 = arith.index_cast %scan3A_312 : i32 to index
        %swap3A_429 = arith.constant 160 : index
        %swap3A_430 = tpu.vector_load %arg16[%swap3A_428, %swap3A_429] {strides = array<i32>} : memref<8x256xf32, #tpu.memory_space<vmem>>, vector<1x16xf32>,
        %swap3A_431 = vector.shape_cast %swap3A_430 : vector<1x16xf32> to vector<16xf32>
        %swap3A_432 = vector.shape_cast %get3A_427 : vector<16xf32> to vector<1x16xf32>
        tpu.vector_store %arg16[%swap3A_428, %swap3A_429], %swap3A_432 {strides = array<i32>} : memref<8x256xf32, #tpu.memory_space<vmem>>, vector<1x16xf32>,
        %mul3A_433 = arith.constant 10 : i32
        %mul3A_434 = arith.muli %scan3A_312, %mul3A_433 : i32
        %get3A_435 = arith.index_cast %mul3A_434 : i32 to index
        %get3A_436 = arith.constant 176 : index
        %get3A_437 = tpu.vector_load %arg14[%get3A_435, %get3A_436] {strides = array<i32>} : memref<80x256xf32, #tpu.memory_space<vmem>>, vector<1x16xf32>,
        %get3A_438 = vector.shape_cast %get3A_437 : vector<1x16xf32> to vector<16xf32>
        %swap3A_439 = arith.index_cast %scan3A_312 : i32 to index
        %swap3A_440 = arith.constant 176 : index
        %swap3A_441 = tpu.vector_load %arg16[%swap3A_439, %swap3A_440] {strides = array<i32>} : memref<8x256xf32, #tpu.memory_space<vmem>>, vector<1x16xf32>,
        %swap3A_442 = vector.shape_cast %swap3A_441 : vector<1x16xf32> to vector<16xf32>
        %swap3A_443 = vector.shape_cast %get3A_438 : vector<16xf32> to vector<1x16xf32>
        tpu.vector_store %arg16[%swap3A_439, %swap3A_440], %swap3A_443 {strides = array<i32>} : memref<8x256xf32, #tpu.memory_space<vmem>>, vector<1x16xf32>,
        %mul3A_444 = arith.constant 10 : i32
        %mul3A_445 = arith.muli %scan3A_312, %mul3A_444 : i32
        %get3A_446 = arith.index_cast %mul3A_445 : i32 to index
        %get3A_447 = arith.constant 192 : index
        %get3A_448 = tpu.vector_load %arg14[%get3A_446, %get3A_447] {strides = array<i32>} : memref<80x256xf32, #tpu.memory_space<vmem>>, vector<1x16xf32>,
        %get3A_449 = vector.shape_cast %get3A_448 : vector<1x16xf32> to vector<16xf32>
        %swap3A_450 = arith.index_cast %scan3A_312 : i32 to index
        %swap3A_451 = arith.constant 192 : index
        %swap3A_452 = tpu.vector_load %arg16[%swap3A_450, %swap3A_451] {strides = array<i32>} : memref<8x256xf32, #tpu.memory_space<vmem>>, vector<1x16xf32>,
        %swap3A_453 = vector.shape_cast %swap3A_452 : vector<1x16xf32> to vector<16xf32>
        %swap3A_454 = vector.shape_cast %get3A_449 : vector<16xf32> to vector<1x16xf32>
        tpu.vector_store %arg16[%swap3A_450, %swap3A_451], %swap3A_454 {strides = array<i32>} : memref<8x256xf32, #tpu.memory_space<vmem>>, vector<1x16xf32>,
        %mul3A_455 = arith.constant 10 : i32
        %mul3A_456 = arith.muli %scan3A_312, %mul3A_455 : i32
        %get3A_457 = arith.index_cast %mul3A_456 : i32 to index
        %get3A_458 = arith.constant 208 : index
        %get3A_459 = tpu.vector_load %arg14[%get3A_457, %get3A_458] {strides = array<i32>} : memref<80x256xf32, #tpu.memory_space<vmem>>, vector<1x16xf32>,
        %get3A_460 = vector.shape_cast %get3A_459 : vector<1x16xf32> to vector<16xf32>
        %swap3A_461 = arith.index_cast %scan3A_312 : i32 to index
        %swap3A_462 = arith.constant 208 : index
        %swap3A_463 = tpu.vector_load %arg16[%swap3A_461, %swap3A_462] {strides = array<i32>} : memref<8x256xf32, #tpu.memory_space<vmem>>, vector<1x16xf32>,
        %swap3A_464 = vector.shape_cast %swap3A_463 : vector<1x16xf32> to vector<16xf32>
        %swap3A_465 = vector.shape_cast %get3A_460 : vector<16xf32> to vector<1x16xf32>
        tpu.vector_store %arg16[%swap3A_461, %swap3A_462], %swap3A_465 {strides = array<i32>} : memref<8x256xf32, #tpu.memory_space<vmem>>, vector<1x16xf32>,
        %mul3A_466 = arith.constant 10 : i32
        %mul3A_467 = arith.muli %scan3A_312, %mul3A_466 : i32
        %get3A_468 = arith.index_cast %mul3A_467 : i32 to index
        %get3A_469 = arith.constant 224 : index
        %get3A_470 = tpu.vector_load %arg14[%get3A_468, %get3A_469] {strides = array<i32>} : memref<80x256xf32, #tpu.memory_space<vmem>>, vector<1x16xf32>,
        %get3A_471 = vector.shape_cast %get3A_470 : vector<1x16xf32> to vector<16xf32>
        %swap3A_472 = arith.index_cast %scan3A_312 : i32 to index
        %swap3A_473 = arith.constant 224 : index
        %swap3A_474 = tpu.vector_load %arg16[%swap3A_472, %swap3A_473] {strides = array<i32>} : memref<8x256xf32, #tpu.memory_space<vmem>>, vector<1x16xf32>,
        %swap3A_475 = vector.shape_cast %swap3A_474 : vector<1x16xf32> to vector<16xf32>
        %swap3A_476 = vector.shape_cast %get3A_471 : vector<16xf32> to vector<1x16xf32>
        tpu.vector_store %arg16[%swap3A_472, %swap3A_473], %swap3A_476 {strides = array<i32>} : memref<8x256xf32, #tpu.memory_space<vmem>>, vector<1x16xf32>,
        %mul3A_477 = arith.constant 10 : i32
        %mul3A_478 = arith.muli %scan3A_312, %mul3A_477 : i32
        %get3A_479 = arith.index_cast %mul3A_478 : i32 to index
        %get3A_480 = arith.constant 240 : index
        %get3A_481 = tpu.vector_load %arg14[%get3A_479, %get3A_480] {strides = array<i32>} : memref<80x256xf32, #tpu.memory_space<vmem>>, vector<1x16xf32>,
        %get3A_482 = vector.shape_cast %get3A_481 : vector<1x16xf32> to vector<16xf32>
        %swap3A_483 = arith.index_cast %scan3A_312 : i32 to index
        %swap3A_484 = arith.constant 240 : index
        %swap3A_485 = tpu.vector_load %arg16[%swap3A_483, %swap3A_484] {strides = array<i32>} : memref<8x256xf32, #tpu.memory_space<vmem>>, vector<1x16xf32>,
        %swap3A_486 = vector.shape_cast %swap3A_485 : vector<1x16xf32> to vector<16xf32>
        %swap3A_487 = vector.shape_cast %get3A_482 : vector<16xf32> to vector<1x16xf32>
        tpu.vector_store %arg16[%swap3A_483, %swap3A_484], %swap3A_487 {strides = array<i32>} : memref<8x256xf32, #tpu.memory_space<vmem>>, vector<1x16xf32>,
        %scan3A_488 = arith.constant 0 : i32
        scf.yield %scan3A_488 : i32
      }
      %scan3A_294 = arith.constant 8 : i32
      %add3A_295 = arith.constant 4 : i32
      %add3A_296 = arith.addi %add3A_277, %add3A_295 : i32
      %sub3A_297 = arith.constant 1 : i32
      %sub3A_298 = arith.subi %add3A_296, %sub3A_297 : i32
      %lt3A_299 = arith.constant 64 : i32
      %lt3A_300 = arith.cmpi slt, %sub3A_298, %lt3A_299 : i32
      %convert_element_type3A_301 = arith.extui %lt3A_300 : i1 to i32
      %cond3A_302 = arith.constant 0 : i32
      %cond3A_303 = arith.cmpi ne, %convert_element_type3A_301, %cond3A_302 : i32
      scf.if %cond3A_303 {
        %add3A_312 = arith.constant 4 : i32
        %add3A_313 = arith.addi %add3A_277, %add3A_312 : i32
        %sub3A_314 = arith.constant 1 : i32
        %sub3A_315 = arith.subi %add3A_313, %sub3A_314 : i32
        %dma_start3A_316 = arith.constant 0 : i32
        %dma_start3A_317 = tpu.memref_slice %arg8[%sub3A_315, %dma_start3A_316] : memref<64x80xi32, #tpu.memory_space<vmem>> -> memref<1x80xi32, #tpu.memory_space<vmem>>
        %dma_start3A_318 = tpu.memref_squeeze %dma_start3A_317 : memref<1x80xi32, #tpu.memory_space<vmem>> -> memref<80xi32, #tpu.memory_space<vmem>>
        %dma_start3A_319 = arith.constant 0 : i32
        %dma_start3A_320 = arith.constant 0 : i32
        %dma_start3A_321 = tpu.memref_slice %arg4[%dma_start3A_319, %dma_start3A_320] : memref<50000x256xf32, #tpu.memory_space<hbm>> -> memref<50000x256xf32, #tpu.memory_space<hbm>>
        tpu.enqueue_indirect_dma source(%dma_start3A_321 : memref<50000x256xf32, #tpu.memory_space<hbm>>) target(%arg13 : memref<80x256xf32, #tpu.memory_space<vmem>>) offsets(%dma_start3A_318 : memref<80xi32, #tpu.memory_space<vmem>>) semaphore(%arg19 : memref<!tpu.dma_semaphore, #tpu.memory_space<semaphore_mem>>)
      } else {
      }
      %mul3A_304 = arith.constant 8 : i32
      %mul3A_305 = arith.muli %add3A_277, %mul3A_304 : i32
      %add3A_306 = arith.addi %mul3A_2, %mul3A_305 : i32
      %dma_start3A_307 = arith.constant 0 : i32
      %dma_start3A_308 = tpu.memref_slice %arg6[%add3A_306, %dma_start3A_307] : memref<16384x256xf32, #tpu.memory_space<hbm>> -> memref<8x256xf32, #tpu.memory_space<hbm>>
      %dma_start3A_309 = arith.constant 0 : i32
      %dma_start3A_310 = tpu.memref_slice %arg6[%add3A_306, %dma_start3A_309] : memref<16384x256xf32, #tpu.memory_space<hbm>> -> memref<8x256xf32, #tpu.memory_space<hbm>>
      tpu.enqueue_dma source(%arg16 : memref<8x256xf32, #tpu.memory_space<vmem>>) target(%dma_start3A_310 : memref<8x256xf32, #tpu.memory_space<hbm>>) target_semaphore(%arg22 : memref<!tpu.dma_semaphore, #tpu.memory_space<semaphore_mem>>)
      %scan3A_311 = arith.constant 0 : i32
      scf.yield %scan3A_311 : i32
    }
    %scan3A_155 = arith.constant 16 : i32
    %dma_wait3A_156 = arith.constant 0 : i32
    %dma_wait3A_157 = tpu.memref_slice %arg6[%mul3A_2, %dma_wait3A_156] : memref<16384x256xf32, #tpu.memory_space<hbm>> -> memref<8x256xf32, #tpu.memory_space<hbm>>
    %dma_wait3A_158 = arith.constant 0 : i32
    %dma_wait3A_159 = tpu.memref_slice %arg6[%mul3A_2, %dma_wait3A_158] : memref<16384x256xf32, #tpu.memory_space<hbm>> -> memref<8x256xf32, #tpu.memory_space<hbm>>
    tpu.wait_dma2 semaphore(%arg21 : memref<!tpu.dma_semaphore, #tpu.memory_space<semaphore_mem>>) src(%arg15 : memref<8x256xf32, #tpu.memory_space<vmem>>) dst(%dma_wait3A_159 : memref<8x256xf32, #tpu.memory_space<hbm>>)
    %dma_wait3A_160 = arith.constant 0 : i32
    %dma_wait3A_161 = tpu.memref_slice %arg6[%mul3A_2, %dma_wait3A_160] : memref<16384x256xf32, #tpu.memory_space<hbm>> -> memref<8x256xf32, #tpu.memory_space<hbm>>
    %dma_wait3A_162 = arith.constant 0 : i32
    %dma_wait3A_163 = tpu.memref_slice %arg6[%mul3A_2, %dma_wait3A_162] : memref<16384x256xf32, #tpu.memory_space<hbm>> -> memref<8x256xf32, #tpu.memory_space<hbm>>
    tpu.wait_dma2 semaphore(%arg22 : memref<!tpu.dma_semaphore, #tpu.memory_space<semaphore_mem>>) src(%arg16 : memref<8x256xf32, #tpu.memory_space<vmem>>) dst(%dma_wait3A_163 : memref<8x256xf32, #tpu.memory_space<hbm>>)
    return
  }
}

module attributes {stable_mosaic.version = 14 : i64} {
  func.func @_mm_body(%arg0: i32, %arg1: memref<1024x256xf32, #tpu.memory_space<vmem>>, %arg2: memref<1024x256xf32, #tpu.memory_space<vmem>>, %arg3: memref<256x256xf32, #tpu.memory_space<vmem>>, %arg4: memref<256x256xf32, #tpu.memory_space<vmem>>, %arg5: memref<1024x256xf32, #tpu.memory_space<vmem>>) attributes {dimension_semantics = [#tpu.dimension_semantics<arbitrary>], iteration_bounds = array<i64: 16>, scalar_prefetch = 0 : i64, scratch_operands = 0 : i64, tpu.core_type = #tpu.core_type<tc>, window_params = [{transform_indices = @transform_0, window_bounds = array<i64: 1024, 256>}, {transform_indices = @transform_1, window_bounds = array<i64: 1024, 256>}, {pipeline_mode = #tpu.pipeline_mode<synchronous>, transform_indices = @transform_2, window_bounds = array<i64: 256, 256>}, {pipeline_mode = #tpu.pipeline_mode<synchronous>, transform_indices = @transform_3, window_bounds = array<i64: 256, 256>}, {transform_indices = @transform_4, window_bounds = array<i64: 1024, 256>}]} {
    %get3A = arith.constant 0 : index
    %get3A_0 = arith.constant 0 : index
    %get3A_1 = vector.load %arg1[%get3A, %get3A_0] : memref<1024x256xf32, #tpu.memory_space<vmem>>, vector<1024x256xf32>
    %get3A_2 = arith.constant 0 : index
    %get3A_3 = arith.constant 0 : index
    %get3A_4 = vector.load %arg3[%get3A_2, %get3A_3] : memref<256x256xf32, #tpu.memory_space<vmem>>, vector<256x256xf32>
    %dot_general3A = arith.constant dense<0.000000e+00> : vector<1024x256xf32>
    %dot_general3A_5 = tpu.matmul %get3A_1, %get3A_4, %dot_general3A {dimension_numbers = #tpu.dot_dimension_numbers<[1], [0], [0], [1], [0, 0, 1, 1], [], []>, transpose_lhs_hint = false} : vector<1024x256xf32>, vector<256x256xf32>, vector<1024x256xf32> -> vector<1024x256xf32>
    %get3A_6 = arith.constant 0 : index
    %get3A_7 = arith.constant 0 : index
    %get3A_8 = vector.load %arg2[%get3A_6, %get3A_7] : memref<1024x256xf32, #tpu.memory_space<vmem>>, vector<1024x256xf32>
    %get3A_9 = arith.constant 0 : index
    %get3A_10 = arith.constant 0 : index
    %get3A_11 = vector.load %arg4[%get3A_9, %get3A_10] : memref<256x256xf32, #tpu.memory_space<vmem>>, vector<256x256xf32>
    %dot_general3A_12 = arith.constant dense<0.000000e+00> : vector<1024x256xf32>
    %dot_general3A_13 = tpu.matmul %get3A_8, %get3A_11, %dot_general3A_12 {dimension_numbers = #tpu.dot_dimension_numbers<[1], [0], [0], [1], [0, 0, 1, 1], [], []>, transpose_lhs_hint = false} : vector<1024x256xf32>, vector<256x256xf32>, vector<1024x256xf32> -> vector<1024x256xf32>
    %add3A = arith.addf %dot_general3A_5, %dot_general3A_13 : vector<1024x256xf32>
    %max3A = arith.constant 0.000000e+00 : f32
    %max3A_14 = vector.broadcast %max3A : f32 to vector<1024x256xf32>
    %max3A_15 = arith.maximumf %add3A, %max3A_14 : vector<1024x256xf32>
    %swap3A = arith.constant 0 : index
    %swap3A_16 = arith.constant 0 : index
    %swap3A_17 = vector.load %arg5[%swap3A, %swap3A_16] : memref<1024x256xf32, #tpu.memory_space<vmem>>, vector<1024x256xf32>
    tpu.vector_store %arg5[%swap3A, %swap3A_16], %max3A_15 {strides = array<i32>} : memref<1024x256xf32, #tpu.memory_space<vmem>>, vector<1024x256xf32>,
    return
  }
  func.func @transform_0(%arg0: i32) -> (i32, i32) {
    %c0_i32 = arith.constant 0 : i32
    %c0_i32_0 = arith.constant 0 : i32
    return %arg0, %c0_i32 : i32, i32
  }
  func.func @transform_1(%arg0: i32) -> (i32, i32) {
    %c0_i32 = arith.constant 0 : i32
    %c0_i32_0 = arith.constant 0 : i32
    return %arg0, %c0_i32 : i32, i32
  }
  func.func @transform_2(%arg0: i32) -> (i32, i32) {
    %c0_i32 = arith.constant 0 : i32
    %c0_i32_0 = arith.constant 0 : i32
    %c0_i32_1 = arith.constant 0 : i32
    return %c0_i32, %c0_i32_0 : i32, i32
  }
  func.func @transform_3(%arg0: i32) -> (i32, i32) {
    %c0_i32 = arith.constant 0 : i32
    %c0_i32_0 = arith.constant 0 : i32
    %c0_i32_1 = arith.constant 0 : i32
    return %c0_i32, %c0_i32_0 : i32, i32
  }
  func.func @transform_4(%arg0: i32) -> (i32, i32) {
    %c0_i32 = arith.constant 0 : i32
    %c0_i32_0 = arith.constant 0 : i32
    return %arg0, %c0_i32 : i32, i32
  }
}

</mosaic_0001>

<sc_bundles>
// kernel: kernel.4.cloned.1.call-start
scs
__scs_entry_jumppad:
0x0: {  	(pc) =	sbr.rel $0x88, $3  }
0x1: {  	(tag) =	ssettag $0x0;
	lr =	simm.s32 $0x1  }
0x2: {  	[smem:$0x3F9D] =	sst lr;
	_ =	strace $0xD0000000  }
0x3: {  	_ = 	snop  }
0x4: {  	_ = 	snop  }
0x5: {  	_ = 	snop  }
0x6: {  	_ = 	snop  }
0x7: {  	_ = 	snop  }
__scs_overlays_trampoline_lowered:
0x8: {  	[smem:$0x3FAC] =	sst s0  }
0x9: {  	[smem:$0x3FAD] =	sst s1  }
0xa: {  	[smem:$0x3FAE] =	sst s2  }
0xb: {  	[smem:$0x3FAF] =	sst s3  }
0xc: {  	[smem:$0x3FB0] =	sst s4  }
0xd: {  	[smem:$0x3FB1] =	sst s5  }
0xe: {  	[smem:$0x3FB2] =	sst s6  }
0xf: {  	[smem:$0x3FB3] =	sst s7  }
0x10: {  	[smem:$0x3FB4] =	sst s8  }
0x11: {  	[smem:$0x3FB5] =	sst s9;
	s0 =	simm.s32 @!p0 $0x0  }
0x12: {  	s1 =	sld [smem:$0x3F9B];
	s0 =	simm.s32 @p0 $0x1  }
0x13: {  	[smem:$0x3FB6] =	sst s0;
	s0 =	simm.s32 @!p1 $0x0  }
0x14: {  	s2 =	sld [smem:$0x3F9A];
	s0 =	simm.s32 @p1 $0x1  }
0x15: {  	[smem:$0x3FB7] =	sst s0;
	s0 =	simm.s32 @!p2 $0x0  }
0x16: {  	s3 =	sld [smem:$0x3FDB];
	s0 =	simm.s32 @p2 $0x1  }
0x17: {  	s4 =	simm.s32 $0x1BF5;
	[smem:$0x3FB9] =	sst s0  }
0x18: {  	s0 =	sld [smem:$0x3F9C];
	_ =	swait.ge [sflag:s4], $0x0  }
0x19: {  	s7 =	sld [smem:$0x3F9D]  }
0x1a: {  	s8 =	sadd.s32 $0xFFFFE003, lr  }
0x1b: {  	s9 =	sadd.s32 $0xFFFFFEF7, lr;
	s5 =	simm.s32 $0xFFFFFFFF;
	p2 =	slt.u32 s8, $0xFFFFF086  }
0x1c: {  	p1 =	slt.u32 s9, $0xF7A;
	s5 =	simm.s32 @!p2 $0x0  }
0x1d: {  	s5 =	simm.s32 @p1 $0x1;
	p0 =	seq.s32 s7, s2  }
0x1e: {  	s7 =	smul.u32 @!p0 $0xF7A, s2;
	p2 =	seq.s32 @!p0 s5, $0x0  }
0x1f: {  	s9 =	smul.u32 $0xF7A, s1;
	s8 =	simm.s32 @!p0 $0x1BF5;
	p2 =	por !p2, p0  }
0x20: {  	[sflag:s8] =	ssyncset.s32 @!p0 $0xFFFFF086;
	s6 =	sadd.s32 @!p0 s3, s7;
	s7 =	simm.s32 @!p0 $0x108  }
0x21: {  	s3 =	sadd.s32 s3, s9;
	s6 =	sadd.s32 @!p0 $0x88, s6;
	s7 =	simm.s32 @p2 $0x1082  }
0x22: {  	[simem:s7], [sflag:s8] =	dma.local @!p0 [hbm:s6], $0xF7A  }
0x23: {  	s9 =	sor.u32 $0xD0000000, s2;
	s6 =	simm.s32 $0x108;
	_ =	swait.ge @!p0 [sflag:s8], $0x0  }
0x24: {  	s3 =	sadd.s32 $0x88, s3;
	s6 =	simm.s32 @!p1 $0x1082;
	[sflag:s4] =	ssyncset.s32 $0xFFFFF086  }
0x25: {  	[simem:s6], [sflag:s4] =	dma.local [hbm:s3], $0xF7A  }
0x26: {  	[smem:$0x3F9D] =	sst s1;
	(tag) =	ssettag s2;
	_ =	strace s9  }
0x27: {  	s1 =	sld [smem:$0x3FAD]  }
0x28: {  	s2 =	sld [smem:$0x3FAE]  }
0x29: {  	s4 =	sld [smem:$0x3FB0]  }
0x2a: {  	p0 =	seq.s32 s5, $0x0;
	s5 =	sld [smem:$0x3FB1]  }
0x2b: {  	s6 =	sld [smem:$0x3FB2]  }
0x2c: {  	s7 =	sld [smem:$0x3FB3]  }
0x2d: {  	s3 =	simm.s32 $0x108;
	s8 =	sld [smem:$0x3FB4]  }
0x2e: {  	s3 =	simm.s32 @!p0 $0x1082;
	s9 =	sld [smem:$0x3FB5]  }
0x2f: {  	lr =	sadd.s32 s0, s3;
	s0 =	sld [smem:$0x3FAC]  }
0x30: {  	s3 =	sld [smem:$0x3FAF]  }
0x31: {  	[smem:$0x3FB8] =	sst s10  }
0x32: {  	s10 =	sld [smem:$0x3FB6];
	_ =	sdelay $0x3  }
0x33: {  	p0 =	seq.s32 s10, $0x1;
	s10 =	sld [smem:$0x3FB8];
	_ =	sdelay $0x3  }
0x34: {  	[smem:$0x3FB8] =	sst s10  }
0x35: {  	s10 =	sld [smem:$0x3FB7];
	_ =	sdelay $0x3  }
0x36: {  	p1 =	seq.s32 s10, $0x1;
	s10 =	sld [smem:$0x3FB8];
	_ =	sdelay $0x3  }
0x37: {  	[smem:$0x3FB8] =	sst s10  }
0x38: {  	s10 =	sld [smem:$0x3FB9]  }
0x39: {  	_ = 	snop;
	(pc) =	sbr.ind lr, $3  }
0x3a: {  	_ = 	snop  }
0x3b: {  	_ = 	snop  }
0x3c: {  	p2 =	seq.s32 s10, $0x1;
	s10 =	sld [smem:$0x3FB8]  }
0x3d: {  	_ =	shalt  }
0x3e: {  	_ =	shalt  }
0x3f: {  	_ =	shalt  }
0x40: {  	_ =	shalt  }
0x41: {  	_ =	shalt  }
0x42: {  	_ =	shalt  }
0x43: {  	_ =	shalt  }
0x44: {  	_ =	shalt  }
0x45: {  	_ =	shalt  }
0x46: {  	_ =	shalt  }
0x47: {  	_ =	shalt  }
0x48: {  	_ =	shalt  }
0x49: {  	_ =	shalt  }
0x4a: {  	_ =	shalt  }
0x4b: {  	_ =	shalt  }
0x4c: {  	_ =	shalt  }
0x4d: {  	_ =	shalt  }
0x4e: {  	_ =	shalt  }
0x4f: {  	_ =	shalt  }
0x50: {  	_ =	shalt  }
0x51: {  	_ =	shalt  }
0x52: {  	_ =	shalt  }
0x53: {  	_ =	shalt  }
0x54: {  	_ =	shalt  }
0x55: {  	_ =	shalt  }
0x56: {  	_ =	shalt  }
0x57: {  	_ =	shalt  }
0x58: {  	_ =	shalt  }
0x59: {  	_ =	shalt  }
0x5a: {  	_ =	shalt  }
0x5b: {  	_ =	shalt  }
0x5c: {  	_ =	shalt  }
0x5d: {  	_ =	shalt  }
0x5e: {  	_ =	shalt  }
0x5f: {  	_ =	shalt  }
0x60: {  	_ =	shalt  }
0x61: {  	_ =	shalt  }
0x62: {  	_ =	shalt  }
0x63: {  	_ =	shalt  }
0x64: {  	_ =	shalt  }
0x65: {  	_ =	shalt  }
0x66: {  	_ =	shalt  }
0x67: {  	_ =	shalt  }
0x68: {  	_ =	shalt  }
0x69: {  	_ =	shalt  }
0x6a: {  	_ =	shalt  }
0x6b: {  	_ =	shalt  }
0x6c: {  	_ =	shalt  }
0x6d: {  	_ =	shalt  }
0x6e: {  	_ =	shalt  }
0x6f: {  	_ =	shalt  }
0x70: {  	_ =	shalt  }
0x71: {  	_ =	shalt  }
0x72: {  	_ =	shalt  }
0x73: {  	_ =	shalt  }
0x74: {  	_ =	shalt  }
0x75: {  	_ =	shalt  }
0x76: {  	_ =	shalt  }
0x77: {  	_ =	shalt  }
0x78: {  	_ =	shalt  }
0x79: {  	_ =	shalt  }
0x7a: {  	_ =	shalt  }
0x7b: {  	_ =	shalt  }
0x7c: {  	_ =	shalt  }
0x7d: {  	_ =	shalt  }
0x7e: {  	_ =	shalt  }
0x7f: {  	_ =	shalt  }
0x80: {  	_ =	shalt  }
0x81: {  	_ =	shalt  }
0x82: {  	_ =	shalt  }
0x83: {  	_ =	shalt  }
0x84: {  	_ =	shalt  }
0x85: {  	_ =	shalt  }
0x86: {  	_ =	shalt  }
0x87: {  	_ =	shalt  }
.Lfunc_end0:
.L_simem_size_0:
called_computation_lowered:
.L_overlay_start_0:
0x88: {  	s2 =	sld [smem:$0x3FD9]  }
0x89: {  	s3 =	sld [smem:$0x3FFE];
	_ =	sdelay $0x1  }
0x8a: {  	s1 =	srdreg.scid  }
0x8b: {  	s0 =	sand.u32 $0x1, s1  }
0x8c: {  	s17 =	sshll.u32 s0, $0xA;
	s2 =	sadd.s32 s3, s2  }
0x8d: {  	s2 =	sadd.s32 s2, s17  }
0x8e: {  	[smem:$0x3FC4] =	sst s2  }
0x8f: {  	_ = 	snop  }
0x90: {  	s2 =	sld [smem:$0x3FC9]  }
0x91: {  	s18 =	sld [smem:$0x3FD0];
	(tm) =	ssettm $0x1  }
0x92: {  	s4 =	sld [smem:$0x3FFB];
	_ =	sdelay $0x3  }
0x93: {  	_ =	strace s4  }
0x94: {  	s4 =	sld [smem:$0x3FFC];
	_ =	sdelay $0x3  }
0x95: {  	_ =	strace s4  }
0x96: {  	s4 =	sld [smem:$0x3FFD];
	_ =	sdelay $0x3  }
0x97: {  	_ =	strace s4  }
0x98: {  	_ =	strace $0x8FFFFFFF  }
0x99: {  	s19 =	sld [smem:$0x3FDB];
	_ =	sdelay $0x1  }
0x9a: {  	s5 =	simm.s32 $_scs_section_size  }
0x9b: {  	s6 =	simm.s32 $_size__tile_overlayer_lowered;
	s7 =	simm.s32 $_tile_overlayer_lowered  }
0x9c: {  	s22 =	simm.s32 $0x1BFF;
	s21 =	sshll.u32 s7, $0x1;
	s4 =	sadd.s32 s5, s19  }
0x9d: {  	s8 =	simm.s32 $0x0;
	s20 =	sshll.u32 s6, $0x1;
	s6 =	sadd.s32 s21, s4  }
0x9e: {  	[timem:s8], [sflag:s22] =	dma.local [hbm:s6], s20  }
0x9f: {  	_ =	swait.ge [sflag:s22], s20  }
0xa0: {  	s5 =	ssub.s32 $0x0, s20;
	[sflag:s22] =	ssyncset.done $0x0  }
0xa1: {  	[sflag:s22] =	ssyncadd.s32 s5;
	_ =	sdelay $0x1  }
0xa2: {  	s23 =	simm.s32 $0x1B8B  }
0xa3: {  	_ =	swait.ge [sflag:s23], $0x1  }
0xa4: {  	[sflag:s23] =	ssyncset.done $0x0  }
0xa5: {  	s25 =	simm.s32 $0x1B8E;
	s24 =	sld [smem:$0x3FFE];
	[sflag:s23] =	ssyncadd.s32 $0xFFFFFFFF  }
0xa6: {  	s26 =	simm.s32 $execute0_lowered;
	[smem:$0x3FD2] =	sst s25  }
0xa7: {  	s6 =	sshll.u32 s26, $0x1;
	_ =	strace $0x80000046;
	[dreg:$0x1] =	wrdreg $0xFFFFFFFF  }
0xa8: {  	s28 =	simm.s32 $_size_execute0_lowered;
	s4 =	sadd.s32 s4, s6;
	[dreg:$0x0] =	wrdreg $0x0  }
0xa9: {  	s6 =	sshll.u32 s28, $0x1;
	[dreg:$0x2] =	wrdreg s4  }
0xaa: {  	[dreg:$0x3] =	wrdreg s6  }
0xab: {  	[dreg:$0x4] =	wrdreg $0xC0  }
0xac: {  	_ =	task [dreg:s8], $0x5FFFF  }
0xad: {  	[dreg:$0x1] =	wrdreg $0xFFFFFFFF  }
0xae: {  	[dreg:$0x0] =	wrdreg $0x60  }
0xaf: {  	[dreg:$0x2] =	wrdreg s24  }
0xb0: {  	[dreg:$0x3] =	wrdreg s2  }
0xb1: {  	[dreg:$0x4] =	wrdreg s18  }
0xb2: {  	[dreg:$0x5] =	wrdreg $0x9  }
0xb3: {  	_ =	task.clear_ibuf [dreg:s8], $0x6FFFF;
	_ =	strace $0x90000046  }
0xb4: {  	s29 =	simm.s32 $0x9;
	_ =	strace $0x80000048  }
0xb5: {  	_ =	swait.ge [sflag:s29], $0x1  }
0xb6: {  	[sflag:s29] =	ssyncadd.s32 $0xFFFFFFFF  }
0xb7: {  	_ =	strace $0x90000048  }
0xb8: {  	_ =	sfence  }
0xb9: {  	s30 =	sld [smem:$0x0];
	_ =	sdelay $0x2  }
0xba: {  	s31 =	sshll.u32 s1, $0xD;
	s1 =	sshrl.u32 s1, $0x2  }
0xbb: {  	s3 =	sand.u32 $0x4000, s31;
	s1 =	sadd.s32 s1, s30  }
0xbc: {  	s0 =	sor.u32 s3, s0;
	s1 =	sshll.u32 s1, $0x11  }
0xbd: {  	s0 =	sor.u32 s1, s0  }
0xbe: {  	s0 =	sadd.s32 $0x8F2B, s0  }
0xbf: {  	[sflag:s0] =	ssyncadd.remote.s32 $0x1  }
0xc0: {  	_ =	sfence.sel $0xFFFF  }
0xc1: {  	[dreg:$0x0] =	wrdreg $0xFFFFFFFF;
	(pc) =	sbr.abs _section_cstart, $3  }
0xc2: {  	[dreg:$0x1] =	wrdreg $0xFFFFFFFF  }
0xc3: {  	_ =	task.clear_ibuf [dreg:s8], $0x2FFFF;
	_ =	strace $0x9FFFFFFF  }
0xc4: {  	(tm) =	ssettm $0x7FFFFFFF  }
0xc5: {  	_ =	shalt  }
tec
execute0_lowered:
.L_overlay_start_1:
0x0: {  	(tag) =	ssettag $0x1  }
0x1: {  	s0 =	rddreg [dreg:$0x0]  }
0x2: {  	s2 =	rddreg [dreg:$0x1]  }
0x3: {  	s1 =	rddreg [dreg:$0x2]  }
0x4: {  	s4 =	srdreg.scid;
	s5 =	stileid.u32;
	s3 =	simm.s32 $0x0  }
0x5: {  	s10 =	simm.s32 $0x2;
	s28 =	simm.s32 $0x1C400;
	s30 =	simm.s32 $0x1CC00  }
0x6: {  	s31 =	simm.s32 $0x1D400;
	s29 =	simm.s32 $0x6;
	s11 =	simm.s32 $0x0  }
0x7: {  	s4 =	sand.u32 $0x1, s4;
	s5 =	sshll.u32 s5, $0x1;
	[smem:$0x7FF] =	sst s3  }
0x8: {  	s5 =	sor.u32 s4, s5;
	_ =	strace $0x80000047;
	s8 =	ssub.s32 $0x2, s4  }
0x9: {  	s4 =	sadd.s32 $0x9E00, s0;
	s6 =	sshll.u32 s5, $0x7;
	s9 =	sshll.u32 s5, $0xE  }
0xa: {  	s7 =	sshll.u32 s5, $0xA;
	s6 =	sadd.s32 s6, s0;
	s1 =	sadd.s32 s1, s9  }
0xb: {  	s7 =	sadd.s32 s7, s0;
	s6 =	sadd.s32 $0xE00, s6;
	[dreg:$0x4] =	wrdreg s1  }
0xc: {  	s19 =	sshrl.u32 s8, $0x1;
	s20 =	sadd.s32 $0x1E00, s7;
	[dreg:$0x5] =	wrdreg s6  }
0xd: {  	s5 =	sshll.u32 s5, $0x9;
	s21 =	sadd.s32 $0x800, s1;
	[dreg:$0x6] =	wrdreg s20  }
0xe: {  	s0 =	ssub.s32 s8, s19;
	s22 =	sadd.s32 $0x1000, s1;
	[dreg:$0x7] =	wrdreg s21  }
0xf: {  	s16 =	sadd.s32 s4, s9;
	s23 =	sadd.s32 $0x1800, s1;
	[dreg:$0x8] =	wrdreg s22  }
0x10: {  	s9 =	simm.s32 $0x1;
	s24 =	sadd.s32 $0x2000, s1;
	[dreg:$0x9] =	wrdreg s23  }
0x11: {  	s19 =	simm.s32 $0x1EC00;
	s25 =	sadd.s32 $0x2800, s1;
	[dreg:$0xa] =	wrdreg s24  }
0x12: {  	s8 =	simm.s32 $0x5;
	s26 =	sadd.s32 $0x3000, s1;
	[dreg:$0xb] =	wrdreg s25  }
.Ltmp0:
0x13: {  	s1 =	sadd.s32 $0x3800, s1;
	[dreg:$0xc] =	wrdreg s26;
	(pc) =	sbr.rel .LBB2_1-.Ltmp0, $4  }
0x14: {  	s0 =	smax.u32 s0, $0x1;
	s7 =	simm.s32 $0x3;
	[dreg:$0xd] =	wrdreg s1  }
0x15: {  	v2 =	vlaneseq.u32;
	[dreg:$0xe] =	wrdreg s0;
	s22 =	simm.s32 $0x19C00;
	s23 =	simm.s32 $0x1A400  }
0x16: {  	vm0 =	vmmov $0xffff;
	v1 =	vshrl.u32 v2, $0x3;
	s24 =	simm.s32 $0x1AC00;
	s25 =	simm.s32 $0x1B400;
	s26 =	simm.s32 $0x1BC00  }
0x17: {  	v0 =	vand.u32 $0x7, v2;
	v2 =	vor.u32 $0x8, v2;
	v1 =	vmul.u32 $0x8, v1;
	s0 =	simm.s32 $0x1DC00;
	s1 =	simm.s32 $0x1E400;
	s20 =	simm.s32 $0x4  }
.LBB2_17:
0x18: {  	_ =	swait.ge [sflag:s8], $0x800  }
0x19: {  	[sflag:s8] =	ssyncset.done $0x0  }
0x1a: {  	[sflag:s8] =	ssyncadd.s32 $0xFFFFF800  }
0x1b: {  	_ =	swait.ge [sflag:s29], $0x800  }
0x1c: {  	s11 =	rddreg [dreg:$0xf]  }
0x1d: {  	s6 =	rddreg [dreg:$0xe];
	s11 =	sadd.s32 $0x1, s11  }
0x1e: {  	p0 =	sne.s32 s11, s6  }
.Ltmp1:
0x1f: {  	_ = 	snop;
	(pc) =	sbr.rel @!p0 .LBB2_18-.Ltmp1, $3  }
0x20: {  	_ =	sdelay $0x1  }
0x21: {  	[sflag:s29] =	ssyncset.done $0x0  }
0x22: {  	[sflag:s29] =	ssyncadd.s32 $0xFFFFF800  }
.LBB2_1:
0x23: {  	[dreg:$0xf] =	wrdreg s11  }
0x24: {  	s6 =	rddreg [dreg:$0x5];
	s11 =	simm.s32 $0x7  }
0x25: {  	[tilespmem:s3], [sflag:$0x7] =	stream.linear.gather [hbm4b:s6+s3], $0x400, $0x38;
	[tilespmem:$0x1F400] =	vst v63  }
0x26: {  	_ =	swait.ge [sflag:s11], $0x400  }
0x27: {  	[sflag:s11] =	ssyncset.done $0x0  }
0x28: {  	s12 =	simm.s32 $0x400;
	s14 =	rddreg [dreg:$0x6];
	[sflag:s11] =	ssyncadd.s32 $0xFFFFFC00  }
0x29: {  	[tilespmem:s12], [sflag:$0x7] =	stream.linear.gather [hbm4b:s14+s3], $0x2000, $0x38;
	[tilespmem:$0x1F400] =	vst v63  }
0x2a: {  	_ =	swait.ge [sflag:s11], $0x2000  }
0x2b: {  	[sflag:s11] =	ssyncset.done $0x0  }
0x2c: {  	[sflag:s11] =	ssyncadd.s32 $0xFFFFE000  }
0x2d: {  	v3 =	vld [tilespmem:$0x0];
	_ =	sdelay $0x4  }
0x2e: {  	v4 =	vshll.u32 v3, $0x1  }
0x2f: {  	v3 =	vand.u32 $0x7, v3;
	v4 =	vand.u32 $0xFFFFFFF0, v4  }
0x30: {  	v3 =	vor.u32 v3, v4  }
0x31: {  	v4 =	vperm.xlane v3, v0;
	_ =	sdelay $0x1  }
0x32: {  	v3 =	vperm.xlane v3, v2;
	v4 =	vadd.s32 v1, v4;
	_ =	sdelay $0x1  }
0x33: {  	v3 =	vadd.s32 v1, v3;
	_ =	sdelay $0x1  }
0x34: {  	s12 =	simm.s32 $0x2400  }
0x35: {  	[tilespmem:s12], [sflag:$0x1] =	stream.indirect_vreg.gather [hbm4b:s2+s3], $0x80, v4, vm0, $0xb8;
	[tilespmem:$0x1F400] =	vst v63  }
0x36: {  	s15 =	simm.s32 $0x2C00  }
0x37: {  	[tilespmem:s15], [sflag:$0x1] =	stream.indirect_vreg.gather [hbm4b:s2+s3], $0x80, v3, vm0, $0xb8;
	[tilespmem:$0x1F400] =	vst v63  }
0x38: {  	v3 =	vld [tilespmem:$0x10];
	_ =	sdelay $0x4  }
0x39: {  	v18 =	vshll.u32 v3, $0x1  }
0x3a: {  	v3 =	vand.u32 $0x7, v3;
	v4 =	vand.u32 $0xFFFFFFF0, v18  }
0x3b: {  	v3 =	vor.u32 v3, v4  }
0x3c: {  	v4 =	vperm.xlane v3, v0;
	_ =	sdelay $0x1  }
0x3d: {  	v3 =	vperm.xlane v3, v2;
	v4 =	vadd.s32 v1, v4;
	_ =	sdelay $0x1  }
0x3e: {  	v3 =	vadd.s32 v1, v3;
	_ =	sdelay $0x1  }
0x3f: {  	s17 =	simm.s32 $0x3400  }
0x40: {  	[tilespmem:s17], [sflag:$0x1] =	stream.indirect_vreg.gather [hbm4b:s2+s3], $0x80, v4, vm0, $0xb8;
	[tilespmem:$0x1F400] =	vst v63  }
0x41: {  	s18 =	simm.s32 $0x3C00  }
0x42: {  	[tilespmem:s18], [sflag:$0x1] =	stream.indirect_vreg.gather [hbm4b:s2+s3], $0x80, v3, vm0, $0xb8;
	[tilespmem:$0x1F400] =	vst v63  }
0x43: {  	v3 =	vld [tilespmem:$0x20];
	_ =	sdelay $0x4  }
0x44: {  	v19 =	vshll.u32 v3, $0x1  }
0x45: {  	v3 =	vand.u32 $0x7, v3;
	v4 =	vand.u32 $0xFFFFFFF0, v19  }
0x46: {  	v3 =	vor.u32 v3, v4  }
0x47: {  	v4 =	vperm.xlane v3, v0;
	_ =	sdelay $0x1  }
0x48: {  	v3 =	vperm.xlane v3, v2;
	v4 =	vadd.s32 v1, v4;
	_ =	sdelay $0x1  }
0x49: {  	v3 =	vadd.s32 v1, v3;
	_ =	sdelay $0x1  }
0x4a: {  	s21 =	simm.s32 $0x4400  }
0x4b: {  	[tilespmem:s21], [sflag:$0x1] =	stream.indirect_vreg.gather [hbm4b:s2+s3], $0x80, v4, vm0, $0xb8;
	[tilespmem:$0x1F400] =	vst v63  }
0x4c: {  	s15 =	simm.s32 $0x4C00  }
0x4d: {  	[tilespmem:s15], [sflag:$0x1] =	stream.indirect_vreg.gather [hbm4b:s2+s3], $0x80, v3, vm0, $0xb8;
	[tilespmem:$0x1F400] =	vst v63  }
0x4e: {  	v3 =	vld [tilespmem:$0x30];
	_ =	sdelay $0x4  }
0x4f: {  	v20 =	vshll.u32 v3, $0x1  }
0x50: {  	v3 =	vand.u32 $0x7, v3;
	v4 =	vand.u32 $0xFFFFFFF0, v20  }
0x51: {  	v3 =	vor.u32 v3, v4  }
0x52: {  	v4 =	vperm.xlane v3, v0;
	_ =	sdelay $0x1  }
0x53: {  	v3 =	vperm.xlane v3, v2;
	v4 =	vadd.s32 v1, v4;
	_ =	sdelay $0x1  }
0x54: {  	v3 =	vadd.s32 v1, v3;
	_ =	sdelay $0x1  }
0x55: {  	s17 =	simm.s32 $0x5400  }
0x56: {  	[tilespmem:s17], [sflag:$0x1] =	stream.indirect_vreg.gather [hbm4b:s2+s3], $0x80, v4, vm0, $0xb8;
	[tilespmem:$0x1F400] =	vst v63  }
0x57: {  	s21 =	simm.s32 $0x5C00  }
0x58: {  	[tilespmem:s21], [sflag:$0x1] =	stream.indirect_vreg.gather [hbm4b:s2+s3], $0x80, v3, vm0, $0xb8;
	[tilespmem:$0x1F400] =	vst v63  }
0x59: {  	v3 =	vld [tilespmem:$0x80];
	_ =	sdelay $0x4  }
0x5a: {  	v21 =	vshll.u32 v3, $0x1  }
0x5b: {  	v3 =	vand.u32 $0x7, v3;
	v4 =	vand.u32 $0xFFFFFFF0, v21  }
0x5c: {  	v3 =	vor.u32 v3, v4  }
0x5d: {  	v4 =	vperm.xlane v3, v0;
	_ =	sdelay $0x1  }
0x5e: {  	v3 =	vperm.xlane v3, v2;
	v4 =	vadd.s32 v1, v4;
	_ =	sdelay $0x1  }
0x5f: {  	v3 =	vadd.s32 v1, v3;
	_ =	sdelay $0x1  }
0x60: {  	s21 =	simm.s32 $0x6400  }
0x61: {  	[tilespmem:s21], [sflag:$0x2] =	stream.indirect_vreg.gather [hbm4b:s2+s3], $0x80, v4, vm0, $0xb8;
	[tilespmem:$0x1F400] =	vst v63  }
0x62: {  	s6 =	simm.s32 $0x6C00  }
0x63: {  	[tilespmem:s6], [sflag:$0x2] =	stream.indirect_vreg.gather [hbm4b:s2+s3], $0x80, v3, vm0, $0xb8;
	[tilespmem:$0x1F400] =	vst v63  }
0x64: {  	v3 =	vld [tilespmem:$0x90];
	_ =	sdelay $0x4  }
0x65: {  	v22 =	vshll.u32 v3, $0x1  }
0x66: {  	v3 =	vand.u32 $0x7, v3;
	v4 =	vand.u32 $0xFFFFFFF0, v22  }
0x67: {  	v3 =	vor.u32 v3, v4  }
0x68: {  	v4 =	vperm.xlane v3, v0;
	_ =	sdelay $0x1  }
0x69: {  	v3 =	vperm.xlane v3, v2;
	v4 =	vadd.s32 v1, v4;
	_ =	sdelay $0x1  }
0x6a: {  	v3 =	vadd.s32 v1, v3;
	_ =	sdelay $0x1  }
0x6b: {  	s6 =	simm.s32 $0x7400  }
0x6c: {  	[tilespmem:s6], [sflag:$0x2] =	stream.indirect_vreg.gather [hbm4b:s2+s3], $0x80, v4, vm0, $0xb8;
	[tilespmem:$0x1F400] =	vst v63  }
0x6d: {  	s6 =	simm.s32 $0x7C00  }
0x6e: {  	[tilespmem:s6], [sflag:$0x2] =	stream.indirect_vreg.gather [hbm4b:s2+s3], $0x80, v3, vm0, $0xb8;
	[tilespmem:$0x1F400] =	vst v63  }
0x6f: {  	v3 =	vld [tilespmem:$0xA0];
	_ =	sdelay $0x4  }
0x70: {  	v23 =	vshll.u32 v3, $0x1  }
0x71: {  	v3 =	vand.u32 $0x7, v3;
	v4 =	vand.u32 $0xFFFFFFF0, v23  }
0x72: {  	v3 =	vor.u32 v3, v4  }
0x73: {  	v4 =	vperm.xlane v3, v0;
	_ =	sdelay $0x1  }
0x74: {  	v3 =	vperm.xlane v3, v2;
	v4 =	vadd.s32 v1, v4;
	_ =	sdelay $0x1  }
0x75: {  	v3 =	vadd.s32 v1, v3;
	_ =	sdelay $0x1  }
0x76: {  	s6 =	simm.s32 $0x8400  }
0x77: {  	[tilespmem:s6], [sflag:$0x2] =	stream.indirect_vreg.gather [hbm4b:s2+s3], $0x80, v4, vm0, $0xb8;
	[tilespmem:$0x1F400] =	vst v63  }
0x78: {  	s6 =	simm.s32 $0x8C00  }
0x79: {  	[tilespmem:s6], [sflag:$0x2] =	stream.indirect_vreg.gather [hbm4b:s2+s3], $0x80, v3, vm0, $0xb8;
	[tilespmem:$0x1F400] =	vst v63  }
0x7a: {  	v3 =	vld [tilespmem:$0xB0];
	_ =	sdelay $0x4  }
0x7b: {  	v24 =	vshll.u32 v3, $0x1  }
0x7c: {  	v3 =	vand.u32 $0x7, v3;
	v4 =	vand.u32 $0xFFFFFFF0, v24  }
0x7d: {  	v3 =	vor.u32 v3, v4  }
0x7e: {  	v4 =	vperm.xlane v3, v0;
	_ =	sdelay $0x1  }
0x7f: {  	v3 =	vperm.xlane v3, v2;
	v4 =	vadd.s32 v1, v4;
	_ =	sdelay $0x1  }
0x80: {  	v3 =	vadd.s32 v1, v3;
	_ =	sdelay $0x1  }
0x81: {  	s6 =	simm.s32 $0x9400  }
0x82: {  	[tilespmem:s6], [sflag:$0x2] =	stream.indirect_vreg.gather [hbm4b:s2+s3], $0x80, v4, vm0, $0xb8;
	[tilespmem:$0x1F400] =	vst v63  }
0x83: {  	s6 =	simm.s32 $0x9C00  }
0x84: {  	[tilespmem:s6], [sflag:$0x2] =	stream.indirect_vreg.gather [hbm4b:s2+s3], $0x80, v3, vm0, $0xb8;
	[tilespmem:$0x1F400] =	vst v63  }
0x85: {  	_ =	swait.ge [sflag:s9], $0x4000  }
0x86: {  	[sflag:s9] =	ssyncset.done $0x0  }
0x87: {  	s6 =	rddreg [dreg:$0x4];
	[sflag:s9] =	ssyncadd.s32 $0xFFFFC000  }
0x88: {  	[hbm4b:s6+s3] =	stream.linear.scatter [tilespmem:s12], [sflag:$0x7], $0x4000, $0x38;
	[tilespmem:$0x1F400] =	vst v63  }
0x89: {  	_ =	swait.ge [sflag:s11], $0x4000  }
0x8a: {  	[sflag:s11] =	ssyncset.done $0x0  }
0x8b: {  	[sflag:s11] =	ssyncadd.s32 $0xFFFFC000  }
0x8c: {  	v3 =	vld [tilespmem:$0x100];
	_ =	sdelay $0x4  }
0x8d: {  	v25 =	vshll.u32 v3, $0x1  }
0x8e: {  	v3 =	vand.u32 $0x7, v3;
	v4 =	vand.u32 $0xFFFFFFF0, v25  }
0x8f: {  	v3 =	vor.u32 v3, v4  }
0x90: {  	v4 =	vperm.xlane v3, v0;
	_ =	sdelay $0x1  }
0x91: {  	v3 =	vperm.xlane v3, v2;
	v4 =	vadd.s32 v1, v4;
	_ =	sdelay $0x1  }
0x92: {  	v3 =	vadd.s32 v1, v3;
	_ =	sdelay $0x2  }
0x93: {  	[tilespmem:s12], [sflag:$0x1] =	stream.indirect_vreg.gather [hbm4b:s2+s3], $0x80, v4, vm0, $0xb8;
	[tilespmem:$0x1F400] =	vst v63  }
0x94: {  	s13 =	simm.s32 $0x2C00  }
0x95: {  	[tilespmem:s13], [sflag:$0x1] =	stream.indirect_vreg.gather [hbm4b:s2+s3], $0x80, v3, vm0, $0xb8;
	[tilespmem:$0x1F400] =	vst v63  }
0x96: {  	v3 =	vld [tilespmem:$0x110];
	_ =	sdelay $0x4  }
0x97: {  	v26 =	vshll.u32 v3, $0x1  }
0x98: {  	v3 =	vand.u32 $0x7, v3;
	v4 =	vand.u32 $0xFFFFFFF0, v26  }
0x99: {  	v3 =	vor.u32 v3, v4  }
0x9a: {  	v4 =	vperm.xlane v3, v0;
	_ =	sdelay $0x1  }
0x9b: {  	v3 =	vperm.xlane v3, v2;
	v4 =	vadd.s32 v1, v4;
	_ =	sdelay $0x1  }
0x9c: {  	v3 =	vadd.s32 v1, v3;
	_ =	sdelay $0x1  }
0x9d: {  	s13 =	simm.s32 $0x3400  }
0x9e: {  	[tilespmem:s13], [sflag:$0x1] =	stream.indirect_vreg.gather [hbm4b:s2+s3], $0x80, v4, vm0, $0xb8;
	[tilespmem:$0x1F400] =	vst v63  }
0x9f: {  	s14 =	simm.s32 $0x3C00  }
0xa0: {  	[tilespmem:s14], [sflag:$0x1] =	stream.indirect_vreg.gather [hbm4b:s2+s3], $0x80, v3, vm0, $0xb8;
	[tilespmem:$0x1F400] =	vst v63  }
0xa1: {  	v3 =	vld [tilespmem:$0x120];
	_ =	sdelay $0x4  }
0xa2: {  	v27 =	vshll.u32 v3, $0x1  }
0xa3: {  	v3 =	vand.u32 $0x7, v3;
	v4 =	vand.u32 $0xFFFFFFF0, v27  }
0xa4: {  	v3 =	vor.u32 v3, v4  }
0xa5: {  	v4 =	vperm.xlane v3, v0;
	_ =	sdelay $0x1  }
0xa6: {  	v3 =	vperm.xlane v3, v2;
	v4 =	vadd.s32 v1, v4;
	_ =	sdelay $0x1  }
0xa7: {  	v3 =	vadd.s32 v1, v3;
	_ =	sdelay $0x1  }
0xa8: {  	s18 =	simm.s32 $0x4400  }
0xa9: {  	[tilespmem:s18], [sflag:$0x1] =	stream.indirect_vreg.gather [hbm4b:s2+s3], $0x80, v4, vm0, $0xb8;
	[tilespmem:$0x1F400] =	vst v63  }
0xaa: {  	s15 =	simm.s32 $0x4C00  }
0xab: {  	[tilespmem:s15], [sflag:$0x1] =	stream.indirect_vreg.gather [hbm4b:s2+s3], $0x80, v3, vm0, $0xb8;
	[tilespmem:$0x1F400] =	vst v63  }
0xac: {  	v3 =	vld [tilespmem:$0x130];
	_ =	sdelay $0x4  }
0xad: {  	v28 =	vshll.u32 v3, $0x1  }
0xae: {  	v3 =	vand.u32 $0x7, v3;
	v4 =	vand.u32 $0xFFFFFFF0, v28  }
0xaf: {  	v3 =	vor.u32 v3, v4  }
0xb0: {  	v4 =	vperm.xlane v3, v0;
	_ =	sdelay $0x1  }
0xb1: {  	v3 =	vperm.xlane v3, v2;
	v4 =	vadd.s32 v1, v4;
	_ =	sdelay $0x1  }
0xb2: {  	v3 =	vadd.s32 v1, v3;
	_ =	sdelay $0x1  }
0xb3: {  	s18 =	simm.s32 $0x5400  }
0xb4: {  	[tilespmem:s18], [sflag:$0x1] =	stream.indirect_vreg.gather [hbm4b:s2+s3], $0x80, v4, vm0, $0xb8;
	[tilespmem:$0x1F400] =	vst v63  }
0xb5: {  	s17 =	simm.s32 $0x5C00  }
0xb6: {  	[tilespmem:s17], [sflag:$0x1] =	stream.indirect_vreg.gather [hbm4b:s2+s3], $0x80, v3, vm0, $0xb8;
	[tilespmem:$0x1F400] =	vst v63  }
0xb7: {  	_ =	swait.ge [sflag:s10], $0x4000  }
0xb8: {  	[sflag:s10] =	ssyncset.done $0x0  }
0xb9: {  	s13 =	rddreg [dreg:$0x7];
	[sflag:s10] =	ssyncadd.s32 $0xFFFFC000  }
0xba: {  	[hbm4b:s13+s3] =	stream.linear.scatter [tilespmem:s21], [sflag:$0x7], $0x4000, $0x38;
	[tilespmem:$0x1F400] =	vst v63  }
0xbb: {  	_ =	swait.ge [sflag:s11], $0x4000  }
0xbc: {  	[sflag:s11] =	ssyncset.done $0x0  }
0xbd: {  	[sflag:s11] =	ssyncadd.s32 $0xFFFFC000  }
0xbe: {  	v3 =	vld [tilespmem:$0x180];
	_ =	sdelay $0x4  }
0xbf: {  	v29 =	vshll.u32 v3, $0x1  }
0xc0: {  	v3 =	vand.u32 $0x7, v3;
	v4 =	vand.u32 $0xFFFFFFF0, v29  }
0xc1: {  	v3 =	vor.u32 v3, v4  }
0xc2: {  	v4 =	vperm.xlane v3, v0;
	_ =	sdelay $0x1  }
0xc3: {  	v3 =	vperm.xlane v3, v2;
	v4 =	vadd.s32 v1, v4;
	_ =	sdelay $0x1  }
0xc4: {  	v3 =	vadd.s32 v1, v3;
	_ =	sdelay $0x2  }
0xc5: {  	[tilespmem:s21], [sflag:$0x2] =	stream.indirect_vreg.gather [hbm4b:s2+s3], $0x80, v4, vm0, $0xb8;
	[tilespmem:$0x1F400] =	vst v63  }
0xc6: {  	s14 =	simm.s32 $0x6C00  }
0xc7: {  	[tilespmem:s14], [sflag:$0x2] =	stream.indirect_vreg.gather [hbm4b:s2+s3], $0x80, v3, vm0, $0xb8;
	[tilespmem:$0x1F400] =	vst v63  }
0xc8: {  	v3 =	vld [tilespmem:$0x190];
	_ =	sdelay $0x4  }
0xc9: {  	v30 =	vshll.u32 v3, $0x1  }
0xca: {  	v3 =	vand.u32 $0x7, v3;
	v4 =	vand.u32 $0xFFFFFFF0, v30  }
0xcb: {  	v3 =	vor.u32 v3, v4  }
0xcc: {  	v4 =	vperm.xlane v3, v0;
	_ =	sdelay $0x1  }
0xcd: {  	v3 =	vperm.xlane v3, v2;
	v4 =	vadd.s32 v1, v4;
	_ =	sdelay $0x1  }
0xce: {  	v3 =	vadd.s32 v1, v3;
	_ =	sdelay $0x1  }
0xcf: {  	s15 =	simm.s32 $0x7400  }
0xd0: {  	[tilespmem:s15], [sflag:$0x2] =	stream.indirect_vreg.gather [hbm4b:s2+s3], $0x80, v4, vm0, $0xb8;
	[tilespmem:$0x1F400] =	vst v63  }
0xd1: {  	s17 =	simm.s32 $0x7C00  }
0xd2: {  	[tilespmem:s17], [sflag:$0x2] =	stream.indirect_vreg.gather [hbm4b:s2+s3], $0x80, v3, vm0, $0xb8;
	[tilespmem:$0x1F400] =	vst v63  }
0xd3: {  	v3 =	vld [tilespmem:$0x1A0];
	_ =	sdelay $0x4  }
0xd4: {  	v31 =	vshll.u32 v3, $0x1  }
0xd5: {  	v3 =	vand.u32 $0x7, v3;
	v4 =	vand.u32 $0xFFFFFFF0, v31  }
0xd6: {  	v3 =	vor.u32 v3, v4  }
0xd7: {  	v4 =	vperm.xlane v3, v0;
	_ =	sdelay $0x1  }
0xd8: {  	v3 =	vperm.xlane v3, v2;
	v4 =	vadd.s32 v1, v4;
	_ =	sdelay $0x1  }
0xd9: {  	v3 =	vadd.s32 v1, v3;
	_ =	sdelay $0x1  }
0xda: {  	s14 =	simm.s32 $0x8400  }
0xdb: {  	[tilespmem:s14], [sflag:$0x2] =	stream.indirect_vreg.gather [hbm4b:s2+s3], $0x80, v4, vm0, $0xb8;
	[tilespmem:$0x1F400] =	vst v63  }
0xdc: {  	s15 =	simm.s32 $0x8C00  }
0xdd: {  	[tilespmem:s15], [sflag:$0x2] =	stream.indirect_vreg.gather [hbm4b:s2+s3], $0x80, v3, vm0, $0xb8;
	[tilespmem:$0x1F400] =	vst v63  }
0xde: {  	v3 =	vld [tilespmem:$0x1B0];
	_ =	sdelay $0x4  }
0xdf: {  	v32 =	vshll.u32 v3, $0x1  }
0xe0: {  	v3 =	vand.u32 $0x7, v3;
	v4 =	vand.u32 $0xFFFFFFF0, v32  }
0xe1: {  	v3 =	vor.u32 v3, v4  }
0xe2: {  	v4 =	vperm.xlane v3, v0;
	_ =	sdelay $0x1  }
0xe3: {  	v3 =	vperm.xlane v3, v2;
	v4 =	vadd.s32 v1, v4;
	_ =	sdelay $0x1  }
0xe4: {  	v3 =	vadd.s32 v1, v3;
	_ =	sdelay $0x1  }
0xe5: {  	s15 =	simm.s32 $0x9400  }
0xe6: {  	[tilespmem:s15], [sflag:$0x2] =	stream.indirect_vreg.gather [hbm4b:s2+s3], $0x80, v4, vm0, $0xb8;
	[tilespmem:$0x1F400] =	vst v63  }
0xe7: {  	s6 =	simm.s32 $0x9C00  }
0xe8: {  	[tilespmem:s6], [sflag:$0x2] =	stream.indirect_vreg.gather [hbm4b:s2+s3], $0x80, v3, vm0, $0xb8;
	[tilespmem:$0x1F400] =	vst v63  }
0xe9: {  	_ =	swait.ge [sflag:s9], $0x4000  }
0xea: {  	[sflag:s9] =	ssyncset.done $0x0  }
0xeb: {  	s6 =	rddreg [dreg:$0x8];
	[sflag:s9] =	ssyncadd.s32 $0xFFFFC000  }
0xec: {  	[hbm4b:s6+s3] =	stream.linear.scatter [tilespmem:s12], [sflag:$0x7], $0x4000, $0x38;
	[tilespmem:$0x1F400] =	vst v63  }
0xed: {  	_ =	swait.ge [sflag:s11], $0x4000  }
0xee: {  	[sflag:s11] =	ssyncset.done $0x0  }
0xef: {  	[sflag:s11] =	ssyncadd.s32 $0xFFFFC000  }
0xf0: {  	v3 =	vld [tilespmem:$0x200];
	_ =	sdelay $0x4  }
0xf1: {  	v33 =	vshll.u32 v3, $0x1  }
0xf2: {  	v3 =	vand.u32 $0x7, v3;
	v4 =	vand.u32 $0xFFFFFFF0, v33  }
0xf3: {  	v3 =	vor.u32 v3, v4  }
0xf4: {  	v4 =	vperm.xlane v3, v0;
	_ =	sdelay $0x1  }
0xf5: {  	v3 =	vperm.xlane v3, v2;
	v4 =	vadd.s32 v1, v4;
	_ =	sdelay $0x1  }
0xf6: {  	v3 =	vadd.s32 v1, v3;
	_ =	sdelay $0x2  }
0xf7: {  	[tilespmem:s12], [sflag:$0x1] =	stream.indirect_vreg.gather [hbm4b:s2+s3], $0x80, v4, vm0, $0xb8;
	[tilespmem:$0x1F400] =	vst v63  }
0xf8: {  	s6 =	simm.s32 $0x2C00  }
0xf9: {  	[tilespmem:s6], [sflag:$0x1] =	stream.indirect_vreg.gather [hbm4b:s2+s3], $0x80, v3, vm0, $0xb8;
	[tilespmem:$0x1F400] =	vst v63  }
0xfa: {  	v3 =	vld [tilespmem:$0x210];
	_ =	sdelay $0x4  }
0xfb: {  	v34 =	vshll.u32 v3, $0x1  }
0xfc: {  	v3 =	vand.u32 $0x7, v3;
	v4 =	vand.u32 $0xFFFFFFF0, v34  }
0xfd: {  	v3 =	vor.u32 v3, v4  }
0xfe: {  	v4 =	vperm.xlane v3, v0;
	_ =	sdelay $0x1  }
0xff: {  	v3 =	vperm.xlane v3, v2;
	v4 =	vadd.s32 v1, v4;
	_ =	sdelay $0x1  }
0x100: {  	v3 =	vadd.s32 v1, v3;
	_ =	sdelay $0x1  }
0x101: {  	s6 =	simm.s32 $0x3400  }
0x102: {  	[tilespmem:s6], [sflag:$0x1] =	stream.indirect_vreg.gather [hbm4b:s2+s3], $0x80, v4, vm0, $0xb8;
	[tilespmem:$0x1F400] =	vst v63  }
0x103: {  	s6 =	simm.s32 $0x3C00  }
0x104: {  	[tilespmem:s6], [sflag:$0x1] =	stream.indirect_vreg.gather [hbm4b:s2+s3], $0x80, v3, vm0, $0xb8;
	[tilespmem:$0x1F400] =	vst v63  }
0x105: {  	v3 =	vld [tilespmem:$0x220];
	_ =	sdelay $0x4  }
0x106: {  	v35 =	vshll.u32 v3, $0x1  }
0x107: {  	v3 =	vand.u32 $0x7, v3;
	v4 =	vand.u32 $0xFFFFFFF0, v35  }
0x108: {  	v3 =	vor.u32 v3, v4  }
0x109: {  	v4 =	vperm.xlane v3, v0;
	_ =	sdelay $0x1  }
0x10a: {  	v3 =	vperm.xlane v3, v2;
	v4 =	vadd.s32 v1, v4;
	_ =	sdelay $0x1  }
0x10b: {  	v3 =	vadd.s32 v1, v3;
	_ =	sdelay $0x1  }
0x10c: {  	s6 =	simm.s32 $0x4400  }
0x10d: {  	[tilespmem:s6], [sflag:$0x1] =	stream.indirect_vreg.gather [hbm4b:s2+s3], $0x80, v4, vm0, $0xb8;
	[tilespmem:$0x1F400] =	vst v63  }
0x10e: {  	s6 =	simm.s32 $0x4C00  }
0x10f: {  	[tilespmem:s6], [sflag:$0x1] =	stream.indirect_vreg.gather [hbm4b:s2+s3], $0x80, v3, vm0, $0xb8;
	[tilespmem:$0x1F400] =	vst v63  }
0x110: {  	v3 =	vld [tilespmem:$0x230];
	_ =	sdelay $0x4  }
0x111: {  	v36 =	vshll.u32 v3, $0x1  }
0x112: {  	v3 =	vand.u32 $0x7, v3;
	v4 =	vand.u32 $0xFFFFFFF0, v36  }
0x113: {  	v3 =	vor.u32 v3, v4  }
0x114: {  	v4 =	vperm.xlane v3, v0;
	_ =	sdelay $0x1  }
0x115: {  	v3 =	vperm.xlane v3, v2;
	v4 =	vadd.s32 v1, v4;
	_ =	sdelay $0x1  }
0x116: {  	v3 =	vadd.s32 v1, v3;
	_ =	sdelay $0x1  }
0x117: {  	s6 =	simm.s32 $0x5400  }
0x118: {  	[tilespmem:s6], [sflag:$0x1] =	stream.indirect_vreg.gather [hbm4b:s2+s3], $0x80, v4, vm0, $0xb8;
	[tilespmem:$0x1F400] =	vst v63  }
0x119: {  	s6 =	simm.s32 $0x5C00  }
0x11a: {  	[tilespmem:s6], [sflag:$0x1] =	stream.indirect_vreg.gather [hbm4b:s2+s3], $0x80, v3, vm0, $0xb8;
	[tilespmem:$0x1F400] =	vst v63  }
0x11b: {  	_ =	swait.ge [sflag:s10], $0x4000  }
0x11c: {  	[sflag:s10] =	ssyncset.done $0x0  }
0x11d: {  	s6 =	rddreg [dreg:$0x9];
	[sflag:s10] =	ssyncadd.s32 $0xFFFFC000  }
0x11e: {  	[hbm4b:s6+s3] =	stream.linear.scatter [tilespmem:s21], [sflag:$0x7], $0x4000, $0x38;
	[tilespmem:$0x1F400] =	vst v63  }
0x11f: {  	_ =	swait.ge [sflag:s11], $0x4000  }
0x120: {  	[sflag:s11] =	ssyncset.done $0x0  }
0x121: {  	[sflag:s11] =	ssyncadd.s32 $0xFFFFC000  }
0x122: {  	v3 =	vld [tilespmem:$0x280];
	_ =	sdelay $0x4  }
0x123: {  	v37 =	vshll.u32 v3, $0x1  }
0x124: {  	v3 =	vand.u32 $0x7, v3;
	v4 =	vand.u32 $0xFFFFFFF0, v37  }
0x125: {  	v3 =	vor.u32 v3, v4  }
0x126: {  	v4 =	vperm.xlane v3, v0;
	_ =	sdelay $0x1  }
0x127: {  	v3 =	vperm.xlane v3, v2;
	v4 =	vadd.s32 v1, v4;
	_ =	sdelay $0x1  }
0x128: {  	v3 =	vadd.s32 v1, v3;
	_ =	sdelay $0x2  }
0x129: {  	[tilespmem:s21], [sflag:$0x2] =	stream.indirect_vreg.gather [hbm4b:s2+s3], $0x80, v4, vm0, $0xb8;
	[tilespmem:$0x1F400] =	vst v63  }
0x12a: {  	s13 =	simm.s32 $0x6C00  }
0x12b: {  	[tilespmem:s13], [sflag:$0x2] =	stream.indirect_vreg.gather [hbm4b:s2+s3], $0x80, v3, vm0, $0xb8;
	[tilespmem:$0x1F400] =	vst v63  }
0x12c: {  	v3 =	vld [tilespmem:$0x290];
	_ =	sdelay $0x4  }
0x12d: {  	v38 =	vshll.u32 v3, $0x1  }
0x12e: {  	v3 =	vand.u32 $0x7, v3;
	v4 =	vand.u32 $0xFFFFFFF0, v38  }
0x12f: {  	v3 =	vor.u32 v3, v4  }
0x130: {  	v4 =	vperm.xlane v3, v0;
	_ =	sdelay $0x1  }
0x131: {  	v3 =	vperm.xlane v3, v2;
	v4 =	vadd.s32 v1, v4;
	_ =	sdelay $0x1  }
0x132: {  	v3 =	vadd.s32 v1, v3;
	_ =	sdelay $0x1  }
0x133: {  	s18 =	simm.s32 $0x7400  }
0x134: {  	[tilespmem:s18], [sflag:$0x2] =	stream.indirect_vreg.gather [hbm4b:s2+s3], $0x80, v4, vm0, $0xb8;
	[tilespmem:$0x1F400] =	vst v63  }
0x135: {  	s17 =	simm.s32 $0x7C00  }
0x136: {  	[tilespmem:s17], [sflag:$0x2] =	stream.indirect_vreg.gather [hbm4b:s2+s3], $0x80, v3, vm0, $0xb8;
	[tilespmem:$0x1F400] =	vst v63  }
0x137: {  	v3 =	vld [tilespmem:$0x2A0];
	_ =	sdelay $0x4  }
0x138: {  	v39 =	vshll.u32 v3, $0x1  }
0x139: {  	v3 =	vand.u32 $0x7, v3;
	v4 =	vand.u32 $0xFFFFFFF0, v39  }
0x13a: {  	v3 =	vor.u32 v3, v4  }
0x13b: {  	v4 =	vperm.xlane v3, v0;
	_ =	sdelay $0x1  }
0x13c: {  	v3 =	vperm.xlane v3, v2;
	v4 =	vadd.s32 v1, v4;
	_ =	sdelay $0x1  }
0x13d: {  	v3 =	vadd.s32 v1, v3;
	_ =	sdelay $0x1  }
0x13e: {  	s14 =	simm.s32 $0x8400  }
0x13f: {  	[tilespmem:s14], [sflag:$0x2] =	stream.indirect_vreg.gather [hbm4b:s2+s3], $0x80, v4, vm0, $0xb8;
	[tilespmem:$0x1F400] =	vst v63  }
0x140: {  	s6 =	simm.s32 $0x8C00  }
0x141: {  	[tilespmem:s6], [sflag:$0x2] =	stream.indirect_vreg.gather [hbm4b:s2+s3], $0x80, v3, vm0, $0xb8;
	[tilespmem:$0x1F400] =	vst v63  }
0x142: {  	v3 =	vld [tilespmem:$0x2B0];
	_ =	sdelay $0x4  }
0x143: {  	v40 =	vshll.u32 v3, $0x1  }
0x144: {  	v3 =	vand.u32 $0x7, v3;
	v4 =	vand.u32 $0xFFFFFFF0, v40  }
0x145: {  	v3 =	vor.u32 v3, v4  }
0x146: {  	v4 =	vperm.xlane v3, v0;
	_ =	sdelay $0x1  }
0x147: {  	v3 =	vperm.xlane v3, v2;
	v4 =	vadd.s32 v1, v4;
	_ =	sdelay $0x1  }
0x148: {  	v3 =	vadd.s32 v1, v3;
	_ =	sdelay $0x1  }
0x149: {  	s15 =	simm.s32 $0x9400  }
0x14a: {  	[tilespmem:s15], [sflag:$0x2] =	stream.indirect_vreg.gather [hbm4b:s2+s3], $0x80, v4, vm0, $0xb8;
	[tilespmem:$0x1F400] =	vst v63  }
0x14b: {  	s6 =	simm.s32 $0x9C00  }
0x14c: {  	[tilespmem:s6], [sflag:$0x2] =	stream.indirect_vreg.gather [hbm4b:s2+s3], $0x80, v3, vm0, $0xb8;
	[tilespmem:$0x1F400] =	vst v63  }
0x14d: {  	_ =	swait.ge [sflag:s9], $0x4000  }
0x14e: {  	[sflag:s9] =	ssyncset.done $0x0  }
0x14f: {  	s6 =	rddreg [dreg:$0xa];
	[sflag:s9] =	ssyncadd.s32 $0xFFFFC000  }
0x150: {  	[hbm4b:s6+s3] =	stream.linear.scatter [tilespmem:s12], [sflag:$0x7], $0x4000, $0x38;
	[tilespmem:$0x1F400] =	vst v63  }
0x151: {  	_ =	swait.ge [sflag:s11], $0x4000  }
0x152: {  	[sflag:s11] =	ssyncset.done $0x0  }
0x153: {  	[sflag:s11] =	ssyncadd.s32 $0xFFFFC000  }
0x154: {  	v3 =	vld [tilespmem:$0x300];
	_ =	sdelay $0x4  }
0x155: {  	v41 =	vshll.u32 v3, $0x1  }
0x156: {  	v3 =	vand.u32 $0x7, v3;
	v4 =	vand.u32 $0xFFFFFFF0, v41  }
0x157: {  	v3 =	vor.u32 v3, v4  }
0x158: {  	v4 =	vperm.xlane v3, v0;
	_ =	sdelay $0x1  }
0x159: {  	v3 =	vperm.xlane v3, v2;
	v4 =	vadd.s32 v1, v4;
	_ =	sdelay $0x1  }
0x15a: {  	v3 =	vadd.s32 v1, v3;
	_ =	sdelay $0x2  }
0x15b: {  	[tilespmem:s12], [sflag:$0x1] =	stream.indirect_vreg.gather [hbm4b:s2+s3], $0x80, v4, vm0, $0xb8;
	[tilespmem:$0x1F400] =	vst v63  }
0x15c: {  	s6 =	simm.s32 $0x2C00  }
0x15d: {  	[tilespmem:s6], [sflag:$0x1] =	stream.indirect_vreg.gather [hbm4b:s2+s3], $0x80, v3, vm0, $0xb8;
	[tilespmem:$0x1F400] =	vst v63  }
0x15e: {  	v3 =	vld [tilespmem:$0x310];
	_ =	sdelay $0x4  }
0x15f: {  	v42 =	vshll.u32 v3, $0x1  }
0x160: {  	v3 =	vand.u32 $0x7, v3;
	v4 =	vand.u32 $0xFFFFFFF0, v42  }
0x161: {  	v3 =	vor.u32 v3, v4  }
0x162: {  	v4 =	vperm.xlane v3, v0;
	_ =	sdelay $0x1  }
0x163: {  	v3 =	vperm.xlane v3, v2;
	v4 =	vadd.s32 v1, v4;
	_ =	sdelay $0x1  }
0x164: {  	v3 =	vadd.s32 v1, v3;
	_ =	sdelay $0x1  }
0x165: {  	s6 =	simm.s32 $0x3400  }
0x166: {  	[tilespmem:s6], [sflag:$0x1] =	stream.indirect_vreg.gather [hbm4b:s2+s3], $0x80, v4, vm0, $0xb8;
	[tilespmem:$0x1F400] =	vst v63  }
0x167: {  	s6 =	simm.s32 $0x3C00  }
0x168: {  	[tilespmem:s6], [sflag:$0x1] =	stream.indirect_vreg.gather [hbm4b:s2+s3], $0x80, v3, vm0, $0xb8;
	[tilespmem:$0x1F400] =	vst v63  }
0x169: {  	v3 =	vld [tilespmem:$0x320];
	_ =	sdelay $0x4  }
0x16a: {  	v43 =	vshll.u32 v3, $0x1  }
0x16b: {  	v3 =	vand.u32 $0x7, v3;
	v4 =	vand.u32 $0xFFFFFFF0, v43  }
0x16c: {  	v3 =	vor.u32 v3, v4  }
0x16d: {  	v4 =	vperm.xlane v3, v0;
	_ =	sdelay $0x1  }
0x16e: {  	v3 =	vperm.xlane v3, v2;
	v4 =	vadd.s32 v1, v4;
	_ =	sdelay $0x1  }
0x16f: {  	v3 =	vadd.s32 v1, v3;
	_ =	sdelay $0x1  }
0x170: {  	s6 =	simm.s32 $0x4400  }
0x171: {  	[tilespmem:s6], [sflag:$0x1] =	stream.indirect_vreg.gather [hbm4b:s2+s3], $0x80, v4, vm0, $0xb8;
	[tilespmem:$0x1F400] =	vst v63  }
0x172: {  	s6 =	simm.s32 $0x4C00  }
0x173: {  	[tilespmem:s6], [sflag:$0x1] =	stream.indirect_vreg.gather [hbm4b:s2+s3], $0x80, v3, vm0, $0xb8;
	[tilespmem:$0x1F400] =	vst v63  }
0x174: {  	v3 =	vld [tilespmem:$0x330];
	_ =	sdelay $0x4  }
0x175: {  	v44 =	vshll.u32 v3, $0x1  }
0x176: {  	v3 =	vand.u32 $0x7, v3;
	v4 =	vand.u32 $0xFFFFFFF0, v44  }
0x177: {  	v3 =	vor.u32 v3, v4  }
0x178: {  	v4 =	vperm.xlane v3, v0;
	_ =	sdelay $0x1  }
0x179: {  	v3 =	vperm.xlane v3, v2;
	v4 =	vadd.s32 v1, v4;
	_ =	sdelay $0x1  }
0x17a: {  	v3 =	vadd.s32 v1, v3;
	_ =	sdelay $0x1  }
0x17b: {  	s6 =	simm.s32 $0x5400  }
0x17c: {  	[tilespmem:s6], [sflag:$0x1] =	stream.indirect_vreg.gather [hbm4b:s2+s3], $0x80, v4, vm0, $0xb8;
	[tilespmem:$0x1F400] =	vst v63  }
0x17d: {  	s6 =	simm.s32 $0x5C00  }
0x17e: {  	[tilespmem:s6], [sflag:$0x1] =	stream.indirect_vreg.gather [hbm4b:s2+s3], $0x80, v3, vm0, $0xb8;
	[tilespmem:$0x1F400] =	vst v63  }
0x17f: {  	_ =	swait.ge [sflag:s10], $0x4000  }
0x180: {  	[sflag:s10] =	ssyncset.done $0x0  }
0x181: {  	s6 =	rddreg [dreg:$0xb];
	[sflag:s10] =	ssyncadd.s32 $0xFFFFC000  }
0x182: {  	[hbm4b:s6+s3] =	stream.linear.scatter [tilespmem:s21], [sflag:$0x7], $0x4000, $0x38;
	[tilespmem:$0x1F400] =	vst v63  }
0x183: {  	_ =	swait.ge [sflag:s11], $0x4000  }
0x184: {  	[sflag:s11] =	ssyncset.done $0x0  }
0x185: {  	[sflag:s11] =	ssyncadd.s32 $0xFFFFC000  }
0x186: {  	v3 =	vld [tilespmem:$0x380];
	_ =	sdelay $0x4  }
0x187: {  	v45 =	vshll.u32 v3, $0x1  }
0x188: {  	v3 =	vand.u32 $0x7, v3;
	v4 =	vand.u32 $0xFFFFFFF0, v45  }
0x189: {  	v3 =	vor.u32 v3, v4  }
0x18a: {  	v4 =	vperm.xlane v3, v0;
	_ =	sdelay $0x1  }
0x18b: {  	v3 =	vperm.xlane v3, v2;
	v4 =	vadd.s32 v1, v4;
	_ =	sdelay $0x1  }
0x18c: {  	v3 =	vadd.s32 v1, v3;
	_ =	sdelay $0x2  }
0x18d: {  	[tilespmem:s21], [sflag:$0x2] =	stream.indirect_vreg.gather [hbm4b:s2+s3], $0x80, v4, vm0, $0xb8;
	[tilespmem:$0x1F400] =	vst v63  }
0x18e: {  	s13 =	simm.s32 $0x6C00  }
0x18f: {  	[tilespmem:s13], [sflag:$0x2] =	stream.indirect_vreg.gather [hbm4b:s2+s3], $0x80, v3, vm0, $0xb8;
	[tilespmem:$0x1F400] =	vst v63  }
0x190: {  	v3 =	vld [tilespmem:$0x390];
	_ =	sdelay $0x4  }
0x191: {  	v46 =	vshll.u32 v3, $0x1  }
0x192: {  	v3 =	vand.u32 $0x7, v3;
	v4 =	vand.u32 $0xFFFFFFF0, v46  }
0x193: {  	v3 =	vor.u32 v3, v4  }
0x194: {  	v4 =	vperm.xlane v3, v0;
	_ =	sdelay $0x1  }
0x195: {  	v3 =	vperm.xlane v3, v2;
	v4 =	vadd.s32 v1, v4;
	_ =	sdelay $0x1  }
0x196: {  	v3 =	vadd.s32 v1, v3;
	_ =	sdelay $0x1  }
0x197: {  	s18 =	simm.s32 $0x7400  }
0x198: {  	[tilespmem:s18], [sflag:$0x2] =	stream.indirect_vreg.gather [hbm4b:s2+s3], $0x80, v4, vm0, $0xb8;
	[tilespmem:$0x1F400] =	vst v63  }
0x199: {  	s17 =	simm.s32 $0x7C00  }
0x19a: {  	[tilespmem:s17], [sflag:$0x2] =	stream.indirect_vreg.gather [hbm4b:s2+s3], $0x80, v3, vm0, $0xb8;
	[tilespmem:$0x1F400] =	vst v63  }
0x19b: {  	v3 =	vld [tilespmem:$0x3A0];
	_ =	sdelay $0x4  }
0x19c: {  	v47 =	vshll.u32 v3, $0x1  }
0x19d: {  	v3 =	vand.u32 $0x7, v3;
	v4 =	vand.u32 $0xFFFFFFF0, v47  }
0x19e: {  	v3 =	vor.u32 v3, v4  }
0x19f: {  	v4 =	vperm.xlane v3, v0;
	_ =	sdelay $0x1  }
0x1a0: {  	v3 =	vperm.xlane v3, v2;
	v4 =	vadd.s32 v1, v4;
	_ =	sdelay $0x1  }
0x1a1: {  	v3 =	vadd.s32 v1, v3;
	_ =	sdelay $0x1  }
0x1a2: {  	s14 =	simm.s32 $0x8400  }
0x1a3: {  	[tilespmem:s14], [sflag:$0x2] =	stream.indirect_vreg.gather [hbm4b:s2+s3], $0x80, v4, vm0, $0xb8;
	[tilespmem:$0x1F400] =	vst v63  }
0x1a4: {  	s13 =	simm.s32 $0x8C00  }
0x1a5: {  	[tilespmem:s13], [sflag:$0x2] =	stream.indirect_vreg.gather [hbm4b:s2+s3], $0x80, v3, vm0, $0xb8;
	[tilespmem:$0x1F400] =	vst v63  }
0x1a6: {  	v3 =	vld [tilespmem:$0x3B0];
	_ =	sdelay $0x4  }
0x1a7: {  	v48 =	vshll.u32 v3, $0x1  }
0x1a8: {  	v3 =	vand.u32 $0x7, v3;
	v4 =	vand.u32 $0xFFFFFFF0, v48  }
0x1a9: {  	v3 =	vor.u32 v3, v4  }
0x1aa: {  	v4 =	vperm.xlane v3, v0;
	_ =	sdelay $0x1  }
0x1ab: {  	v3 =	vperm.xlane v3, v2;
	v4 =	vadd.s32 v1, v4;
	_ =	sdelay $0x1  }
0x1ac: {  	v3 =	vadd.s32 v1, v3;
	_ =	sdelay $0x1  }
0x1ad: {  	s15 =	simm.s32 $0x9400  }
0x1ae: {  	[tilespmem:s15], [sflag:$0x2] =	stream.indirect_vreg.gather [hbm4b:s2+s3], $0x80, v4, vm0, $0xb8;
	[tilespmem:$0x1F400] =	vst v63  }
0x1af: {  	s14 =	simm.s32 $0x9C00  }
0x1b0: {  	[tilespmem:s14], [sflag:$0x2] =	stream.indirect_vreg.gather [hbm4b:s2+s3], $0x80, v3, vm0, $0xb8;
	[tilespmem:$0x1F400] =	vst v63  }
0x1b1: {  	_ =	swait.ge [sflag:s9], $0x4000  }
0x1b2: {  	[sflag:s9] =	ssyncset.done $0x0  }
0x1b3: {  	s15 =	rddreg [dreg:$0xc];
	[sflag:s9] =	ssyncadd.s32 $0xFFFFC000  }
0x1b4: {  	[hbm4b:s15+s3] =	stream.linear.scatter [tilespmem:s12], [sflag:$0x7], $0x4000, $0x38;
	[tilespmem:$0x1F400] =	vst v63  }
0x1b5: {  	_ =	swait.ge [sflag:s11], $0x4000  }
0x1b6: {  	[sflag:s11] =	ssyncset.done $0x0  }
0x1b7: {  	[sflag:s11] =	ssyncadd.s32 $0xFFFFC000  }
0x1b8: {  	_ =	swait.ge [sflag:s10], $0x4000  }
0x1b9: {  	[sflag:s10] =	ssyncset.done $0x0  }
0x1ba: {  	s17 =	rddreg [dreg:$0xd];
	[sflag:s10] =	ssyncadd.s32 $0xFFFFC000  }
0x1bb: {  	[hbm4b:s17+s3] =	stream.linear.scatter [tilespmem:s21], [sflag:$0x7], $0x4000, $0x38;
	[tilespmem:$0x1F400] =	vst v63  }
0x1bc: {  	_ =	swait.ge [sflag:s11], $0x4000  }
0x1bd: {  	[sflag:s11] =	ssyncset.done $0x0  }
0x1be: {  	[sflag:s11] =	ssyncadd.s32 $0xFFFFC000  }
0x1bf: {  	v3 =	vld [tilespmem:$0x400];
	_ =	sdelay $0x4  }
0x1c0: {  	v49 =	vshll.u32 v3, $0x1  }
0x1c1: {  	v3 =	vand.u32 $0x7, v3;
	v4 =	vand.u32 $0xFFFFFFF0, v49  }
0x1c2: {  	v3 =	vor.u32 v3, v4  }
0x1c3: {  	v4 =	vperm.xlane v3, v0;
	_ =	sdelay $0x1  }
0x1c4: {  	v3 =	vperm.xlane v3, v2;
	v4 =	vadd.s32 v1, v4;
	_ =	sdelay $0x1  }
0x1c5: {  	v3 =	vadd.s32 v1, v3;
	_ =	sdelay $0x1  }
0x1c6: {  	s21 =	simm.s32 $0xA400  }
0x1c7: {  	[tilespmem:s21], [sflag:$0x1] =	stream.indirect_vreg.gather [hbm4b:s2+s3], $0x80, v4, vm0, $0xb8;
	[tilespmem:$0x1F400] =	vst v63  }
0x1c8: {  	s18 =	simm.s32 $0xAC00  }
0x1c9: {  	[tilespmem:s18], [sflag:$0x1] =	stream.indirect_vreg.gather [hbm4b:s2+s3], $0x80, v3, vm0, $0xb8;
	[tilespmem:$0x1F400] =	vst v63  }
0x1ca: {  	v3 =	vld [tilespmem:$0x410];
	_ =	sdelay $0x4  }
0x1cb: {  	v50 =	vshll.u32 v3, $0x1  }
0x1cc: {  	v3 =	vand.u32 $0x7, v3;
	v4 =	vand.u32 $0xFFFFFFF0, v50  }
0x1cd: {  	v3 =	vor.u32 v3, v4  }
0x1ce: {  	v4 =	vperm.xlane v3, v0;
	_ =	sdelay $0x1  }
0x1cf: {  	v3 =	vperm.xlane v3, v2;
	v4 =	vadd.s32 v1, v4;
	_ =	sdelay $0x1  }
0x1d0: {  	v3 =	vadd.s32 v1, v3;
	_ =	sdelay $0x1  }
0x1d1: {  	s11 =	simm.s32 $0xB400  }
0x1d2: {  	[tilespmem:s11], [sflag:$0x1] =	stream.indirect_vreg.gather [hbm4b:s2+s3], $0x80, v4, vm0, $0xb8;
	[tilespmem:$0x1F400] =	vst v63  }
0x1d3: {  	s12 =	simm.s32 $0xBC00  }
0x1d4: {  	[tilespmem:s12], [sflag:$0x1] =	stream.indirect_vreg.gather [hbm4b:s2+s3], $0x80, v3, vm0, $0xb8;
	[tilespmem:$0x1F400] =	vst v63  }
0x1d5: {  	v3 =	vld [tilespmem:$0x420];
	_ =	sdelay $0x4  }
0x1d6: {  	v51 =	vshll.u32 v3, $0x1  }
0x1d7: {  	v3 =	vand.u32 $0x7, v3;
	v4 =	vand.u32 $0xFFFFFFF0, v51  }
0x1d8: {  	v3 =	vor.u32 v3, v4  }
0x1d9: {  	v4 =	vperm.xlane v3, v0;
	_ =	sdelay $0x1  }
0x1da: {  	v3 =	vperm.xlane v3, v2;
	v4 =	vadd.s32 v1, v4;
	_ =	sdelay $0x1  }
0x1db: {  	v3 =	vadd.s32 v1, v3;
	_ =	sdelay $0x1  }
0x1dc: {  	s13 =	simm.s32 $0xC400  }
0x1dd: {  	[tilespmem:s13], [sflag:$0x1] =	stream.indirect_vreg.gather [hbm4b:s2+s3], $0x80, v4, vm0, $0xb8;
	[tilespmem:$0x1F400] =	vst v63  }
0x1de: {  	s14 =	simm.s32 $0xCC00  }
0x1df: {  	[tilespmem:s14], [sflag:$0x1] =	stream.indirect_vreg.gather [hbm4b:s2+s3], $0x80, v3, vm0, $0xb8;
	[tilespmem:$0x1F400] =	vst v63  }
0x1e0: {  	v3 =	vld [tilespmem:$0x430];
	_ =	sdelay $0x4  }
0x1e1: {  	v52 =	vshll.u32 v3, $0x1  }
0x1e2: {  	v3 =	vand.u32 $0x7, v3;
	v4 =	vand.u32 $0xFFFFFFF0, v52  }
0x1e3: {  	v3 =	vor.u32 v3, v4  }
0x1e4: {  	v4 =	vperm.xlane v3, v0;
	_ =	sdelay $0x1  }
0x1e5: {  	v3 =	vperm.xlane v3, v2;
	v4 =	vadd.s32 v1, v4;
	_ =	sdelay $0x1  }
0x1e6: {  	v3 =	vadd.s32 v1, v3;
	_ =	sdelay $0x1  }
0x1e7: {  	s15 =	simm.s32 $0xD400  }
0x1e8: {  	[tilespmem:s15], [sflag:$0x1] =	stream.indirect_vreg.gather [hbm4b:s2+s3], $0x80, v4, vm0, $0xb8;
	[tilespmem:$0x1F400] =	vst v63  }
0x1e9: {  	s17 =	simm.s32 $0xDC00  }
0x1ea: {  	[tilespmem:s17], [sflag:$0x1] =	stream.indirect_vreg.gather [hbm4b:s2+s3], $0x80, v3, vm0, $0xb8;
	[tilespmem:$0x1F400] =	vst v63  }
0x1eb: {  	v3 =	vld [tilespmem:$0x440];
	_ =	sdelay $0x4  }
0x1ec: {  	v53 =	vshll.u32 v3, $0x1  }
0x1ed: {  	v3 =	vand.u32 $0x7, v3;
	v4 =	vand.u32 $0xFFFFFFF0, v53  }
0x1ee: {  	v3 =	vor.u32 v3, v4  }
0x1ef: {  	v4 =	vperm.xlane v3, v0;
	_ =	sdelay $0x1  }
0x1f0: {  	v3 =	vperm.xlane v3, v2;
	v4 =	vadd.s32 v1, v4;
	_ =	sdelay $0x1  }
0x1f1: {  	v3 =	vadd.s32 v1, v3;
	_ =	sdelay $0x1  }
0x1f2: {  	s18 =	simm.s32 $0xE400  }
0x1f3: {  	[tilespmem:s18], [sflag:$0x1] =	stream.indirect_vreg.gather [hbm4b:s2+s3], $0x80, v4, vm0, $0xb8;
	[tilespmem:$0x1F400] =	vst v63  }
0x1f4: {  	s11 =	simm.s32 $0xEC00  }
0x1f5: {  	[tilespmem:s11], [sflag:$0x1] =	stream.indirect_vreg.gather [hbm4b:s2+s3], $0x80, v3, vm0, $0xb8;
	[tilespmem:$0x1F400] =	vst v63  }
0x1f6: {  	v3 =	vld [tilespmem:$0x480];
	_ =	sdelay $0x4  }
0x1f7: {  	v54 =	vshll.u32 v3, $0x1  }
0x1f8: {  	v3 =	vand.u32 $0x7, v3;
	v4 =	vand.u32 $0xFFFFFFF0, v54  }
0x1f9: {  	v3 =	vor.u32 v3, v4  }
0x1fa: {  	v4 =	vperm.xlane v3, v0;
	_ =	sdelay $0x1  }
0x1fb: {  	v3 =	vperm.xlane v3, v2;
	v4 =	vadd.s32 v1, v4;
	_ =	sdelay $0x1  }
0x1fc: {  	v3 =	vadd.s32 v1, v3;
	_ =	sdelay $0x1  }
0x1fd: {  	s12 =	simm.s32 $0xF400  }
0x1fe: {  	[tilespmem:s12], [sflag:$0x2] =	stream.indirect_vreg.gather [hbm4b:s2+s3], $0x80, v4, vm0, $0xb8;
	[tilespmem:$0x1F400] =	vst v63  }
0x1ff: {  	s13 =	simm.s32 $0xFC00  }
0x200: {  	[tilespmem:s13], [sflag:$0x2] =	stream.indirect_vreg.gather [hbm4b:s2+s3], $0x80, v3, vm0, $0xb8;
	[tilespmem:$0x1F400] =	vst v63  }
0x201: {  	v3 =	vld [tilespmem:$0x490];
	_ =	sdelay $0x4  }
0x202: {  	v55 =	vshll.u32 v3, $0x1  }
0x203: {  	v3 =	vand.u32 $0x7, v3;
	v4 =	vand.u32 $0xFFFFFFF0, v55  }
0x204: {  	v3 =	vor.u32 v3, v4  }
0x205: {  	v4 =	vperm.xlane v3, v0;
	_ =	sdelay $0x1  }
0x206: {  	v3 =	vperm.xlane v3, v2;
	v4 =	vadd.s32 v1, v4;
	_ =	sdelay $0x1  }
0x207: {  	v3 =	vadd.s32 v1, v3;
	_ =	sdelay $0x1  }
0x208: {  	s14 =	simm.s32 $0x10400  }
0x209: {  	[tilespmem:s14], [sflag:$0x2] =	stream.indirect_vreg.gather [hbm4b:s2+s3], $0x80, v4, vm0, $0xb8;
	[tilespmem:$0x1F400] =	vst v63  }
0x20a: {  	s15 =	simm.s32 $0x10C00  }
0x20b: {  	[tilespmem:s15], [sflag:$0x2] =	stream.indirect_vreg.gather [hbm4b:s2+s3], $0x80, v3, vm0, $0xb8;
	[tilespmem:$0x1F400] =	vst v63  }
0x20c: {  	v3 =	vld [tilespmem:$0x4A0];
	_ =	sdelay $0x4  }
0x20d: {  	v56 =	vshll.u32 v3, $0x1  }
0x20e: {  	v3 =	vand.u32 $0x7, v3;
	v4 =	vand.u32 $0xFFFFFFF0, v56  }
0x20f: {  	v3 =	vor.u32 v3, v4  }
0x210: {  	v4 =	vperm.xlane v3, v0;
	_ =	sdelay $0x1  }
0x211: {  	v3 =	vperm.xlane v3, v2;
	v4 =	vadd.s32 v1, v4;
	_ =	sdelay $0x1  }
0x212: {  	v3 =	vadd.s32 v1, v3;
	_ =	sdelay $0x1  }
0x213: {  	s17 =	simm.s32 $0x11400  }
0x214: {  	[tilespmem:s17], [sflag:$0x2] =	stream.indirect_vreg.gather [hbm4b:s2+s3], $0x80, v4, vm0, $0xb8;
	[tilespmem:$0x1F400] =	vst v63  }
0x215: {  	s18 =	simm.s32 $0x11C00  }
0x216: {  	[tilespmem:s18], [sflag:$0x2] =	stream.indirect_vreg.gather [hbm4b:s2+s3], $0x80, v3, vm0, $0xb8;
	[tilespmem:$0x1F400] =	vst v63  }
0x217: {  	v3 =	vld [tilespmem:$0x4B0];
	_ =	sdelay $0x4  }
0x218: {  	v57 =	vshll.u32 v3, $0x1  }
0x219: {  	v3 =	vand.u32 $0x7, v3;
	v4 =	vand.u32 $0xFFFFFFF0, v57  }
0x21a: {  	v3 =	vor.u32 v3, v4  }
0x21b: {  	v4 =	vperm.xlane v3, v0;
	_ =	sdelay $0x1  }
0x21c: {  	v3 =	vperm.xlane v3, v2;
	v4 =	vadd.s32 v1, v4;
	_ =	sdelay $0x1  }
0x21d: {  	v3 =	vadd.s32 v1, v3;
	_ =	sdelay $0x1  }
0x21e: {  	s11 =	simm.s32 $0x12400  }
0x21f: {  	[tilespmem:s11], [sflag:$0x2] =	stream.indirect_vreg.gather [hbm4b:s2+s3], $0x80, v4, vm0, $0xb8;
	[tilespmem:$0x1F400] =	vst v63  }
0x220: {  	s12 =	simm.s32 $0x12C00  }
0x221: {  	[tilespmem:s12], [sflag:$0x2] =	stream.indirect_vreg.gather [hbm4b:s2+s3], $0x80, v3, vm0, $0xb8;
	[tilespmem:$0x1F400] =	vst v63  }
0x222: {  	v3 =	vld [tilespmem:$0x4C0];
	_ =	sdelay $0x4  }
0x223: {  	v58 =	vshll.u32 v3, $0x1  }
0x224: {  	v3 =	vand.u32 $0x7, v3;
	v4 =	vand.u32 $0xFFFFFFF0, v58  }
0x225: {  	v3 =	vor.u32 v3, v4  }
0x226: {  	v4 =	vperm.xlane v3, v0;
	_ =	sdelay $0x1  }
0x227: {  	v3 =	vperm.xlane v3, v2;
	v4 =	vadd.s32 v1, v4;
	_ =	sdelay $0x1  }
0x228: {  	v3 =	vadd.s32 v1, v3;
	_ =	sdelay $0x1  }
0x229: {  	s13 =	simm.s32 $0x13400  }
0x22a: {  	[tilespmem:s13], [sflag:$0x2] =	stream.indirect_vreg.gather [hbm4b:s2+s3], $0x80, v4, vm0, $0xb8;
	[tilespmem:$0x1F400] =	vst v63  }
0x22b: {  	s14 =	simm.s32 $0x13C00  }
0x22c: {  	[tilespmem:s14], [sflag:$0x2] =	stream.indirect_vreg.gather [hbm4b:s2+s3], $0x80, v3, vm0, $0xb8;
	[tilespmem:$0x1F400] =	vst v63  }
0x22d: {  	v3 =	vld [tilespmem:$0x500];
	_ =	sdelay $0x4  }
0x22e: {  	v59 =	vshll.u32 v3, $0x1  }
0x22f: {  	v3 =	vand.u32 $0x7, v3;
	v4 =	vand.u32 $0xFFFFFFF0, v59  }
0x230: {  	v3 =	vor.u32 v3, v4  }
0x231: {  	v4 =	vperm.xlane v3, v0;
	_ =	sdelay $0x1  }
0x232: {  	v3 =	vperm.xlane v3, v2;
	v4 =	vadd.s32 v1, v4;
	_ =	sdelay $0x1  }
0x233: {  	v3 =	vadd.s32 v1, v3;
	_ =	sdelay $0x1  }
0x234: {  	s15 =	simm.s32 $0x14400  }
0x235: {  	[tilespmem:s15], [sflag:$0x3] =	stream.indirect_vreg.gather [hbm4b:s2+s3], $0x80, v4, vm0, $0xb8;
	[tilespmem:$0x1F400] =	vst v63  }
0x236: {  	s17 =	simm.s32 $0x14C00  }
0x237: {  	[tilespmem:s17], [sflag:$0x3] =	stream.indirect_vreg.gather [hbm4b:s2+s3], $0x80, v3, vm0, $0xb8;
	[tilespmem:$0x1F400] =	vst v63  }
0x238: {  	v3 =	vld [tilespmem:$0x510];
	_ =	sdelay $0x4  }
0x239: {  	v60 =	vshll.u32 v3, $0x1  }
0x23a: {  	v3 =	vand.u32 $0x7, v3;
	v4 =	vand.u32 $0xFFFFFFF0, v60  }
0x23b: {  	v3 =	vor.u32 v3, v4  }
0x23c: {  	v4 =	vperm.xlane v3, v0;
	_ =	sdelay $0x1  }
0x23d: {  	v3 =	vperm.xlane v3, v2;
	v4 =	vadd.s32 v1, v4;
	_ =	sdelay $0x1  }
0x23e: {  	v3 =	vadd.s32 v1, v3;
	_ =	sdelay $0x1  }
0x23f: {  	s18 =	simm.s32 $0x15400  }
0x240: {  	[tilespmem:s18], [sflag:$0x3] =	stream.indirect_vreg.gather [hbm4b:s2+s3], $0x80, v4, vm0, $0xb8;
	[tilespmem:$0x1F400] =	vst v63  }
0x241: {  	s11 =	simm.s32 $0x15C00  }
0x242: {  	[tilespmem:s11], [sflag:$0x3] =	stream.indirect_vreg.gather [hbm4b:s2+s3], $0x80, v3, vm0, $0xb8;
	[tilespmem:$0x1F400] =	vst v63  }
0x243: {  	v3 =	vld [tilespmem:$0x520];
	_ =	sdelay $0x4  }
0x244: {  	v61 =	vshll.u32 v3, $0x1  }
0x245: {  	v3 =	vand.u32 $0x7, v3;
	v4 =	vand.u32 $0xFFFFFFF0, v61  }
0x246: {  	v3 =	vor.u32 v3, v4  }
0x247: {  	v4 =	vperm.xlane v3, v0;
	_ =	sdelay $0x1  }
0x248: {  	v3 =	vperm.xlane v3, v2;
	v4 =	vadd.s32 v1, v4;
	_ =	sdelay $0x1  }
0x249: {  	v3 =	vadd.s32 v1, v3;
	_ =	sdelay $0x1  }
0x24a: {  	s12 =	simm.s32 $0x16400  }
0x24b: {  	[tilespmem:s12], [sflag:$0x3] =	stream.indirect_vreg.gather [hbm4b:s2+s3], $0x80, v4, vm0, $0xb8;
	[tilespmem:$0x1F400] =	vst v63  }
0x24c: {  	s13 =	simm.s32 $0x16C00  }
0x24d: {  	[tilespmem:s13], [sflag:$0x3] =	stream.indirect_vreg.gather [hbm4b:s2+s3], $0x80, v3, vm0, $0xb8;
	[tilespmem:$0x1F400] =	vst v63  }
0x24e: {  	v3 =	vld [tilespmem:$0x530];
	_ =	sdelay $0x4  }
0x24f: {  	v62 =	vshll.u32 v3, $0x1  }
0x250: {  	v3 =	vand.u32 $0x7, v3;
	v4 =	vand.u32 $0xFFFFFFF0, v62  }
0x251: {  	v3 =	vor.u32 v3, v4  }
0x252: {  	v4 =	vperm.xlane v3, v0;
	_ =	sdelay $0x1  }
0x253: {  	v3 =	vperm.xlane v3, v2;
	v4 =	vadd.s32 v1, v4;
	_ =	sdelay $0x1  }
0x254: {  	v3 =	vadd.s32 v1, v3;
	_ =	sdelay $0x1  }
0x255: {  	s14 =	simm.s32 $0x17400  }
0x256: {  	[tilespmem:s14], [sflag:$0x3] =	stream.indirect_vreg.gather [hbm4b:s2+s3], $0x80, v4, vm0, $0xb8;
	[tilespmem:$0x1F400] =	vst v63  }
0x257: {  	s15 =	simm.s32 $0x17C00  }
0x258: {  	[tilespmem:s15], [sflag:$0x3] =	stream.indirect_vreg.gather [hbm4b:s2+s3], $0x80, v3, vm0, $0xb8;
	[tilespmem:$0x1F400] =	vst v63  }
0x259: {  	v3 =	vld [tilespmem:$0x540];
	_ =	sdelay $0x4  }
0x25a: {  	v63 =	vshll.u32 v3, $0x1  }
0x25b: {  	v3 =	vand.u32 $0x7, v3;
	v4 =	vand.u32 $0xFFFFFFF0, v63  }
0x25c: {  	v3 =	vor.u32 v3, v4  }
0x25d: {  	v4 =	vperm.xlane v3, v0;
	_ =	sdelay $0x1  }
0x25e: {  	v3 =	vperm.xlane v3, v2;
	v4 =	vadd.s32 v1, v4;
	_ =	sdelay $0x1  }
0x25f: {  	v3 =	vadd.s32 v1, v3  }
.Ltmp2:
0x260: {  	_ = 	snop;
	(pc) =	sbr.rel .LBB2_2-.Ltmp2, $4  }
0x261: {  	s17 =	simm.s32 $0x18400  }
0x262: {  	[tilespmem:s17], [sflag:$0x3] =	stream.indirect_vreg.gather [hbm4b:s2+s3], $0x80, v4, vm0, $0xb8;
	[tilespmem:$0x1F400] =	vst v63  }
0x263: {  	s18 =	simm.s32 $0x18C00;
	s11 =	simm.s32 $0x0  }
0x264: {  	[tilespmem:s18], [sflag:$0x3] =	stream.indirect_vreg.gather [hbm4b:s2+s3], $0x80, v3, vm0, $0xb8;
	[tilespmem:$0x1F400] =	vst v63  }
.LBB2_16:
0x265: {  	s11 =	sadd.s32 $0x1, s11  }
0x266: {  	p0 =	sne.s32 s11, $0x10  }
.Ltmp3:
0x267: {  	_ = 	snop;
	(pc) =	sbr.rel @!p0 .LBB2_17-.Ltmp3, $4  }
0x268: {  	_ = 	snop  }
0x269: {  	s6 =	sshll.u32 s12, $0x8  }
0x26a: {  	s6 =	sadd.s32 s6, s16  }
0x26b: {  	[hbm4b:s6+s3] =	stream.linear.scatter [tilespmem:s19], [sflag:$0x6], $0x800, $0x38;
	[tilespmem:$0x1F400] =	vst v63  }
.LBB2_2:
0x26c: {  	_ =	swait.ge [sflag:s9], $0x5000  }
0x26d: {  	p0 =	seq.s32 s11, $0x0;
	[sflag:s9] =	ssyncset.done $0x0  }
0x26e: {  	s6 =	simm.s32 @!p0 $0x5;
	[sflag:s9] =	ssyncadd.s32 $0xFFFFB000  }
0x26f: {  	s12 =	simm.s32 $0x0;
	_ =	swait.ge @!p0 [sflag:s6], $0x800  }
0x270: {  	s13 =	sand.u32 $0x300, s12;
	s12 =	sand.u32 $0x7800, s12;
	[sflag:s6] =	ssyncset.done @!p0 $0x0  }
0x271: {  	s18 =	sor.u32 s13, s12;
	[sflag:s6] =	ssyncadd.s32 @!p0 $0xFFFFF800  }
0x272: {  	v3 =	vld [tilespmem:s18+$0xA400];
	_ =	sdelay $0x3  }
0x273: {  	s13 =	simm.s32 $0x1E800  }
0x274: {  	[tilespmem:s13+$0xFFFFFC00] =	vst v3  }
0x275: {  	v3 =	vld [tilespmem:s18+$0xA410];
	_ =	sdelay $0x4  }
0x276: {  	[tilespmem:s13+$0xFFFFFC10] =	vst v3  }
0x277: {  	v3 =	vld [tilespmem:s18+$0xA420];
	_ =	sdelay $0x4  }
0x278: {  	[tilespmem:s13+$0xFFFFFC20] =	vst v3  }
0x279: {  	v3 =	vld [tilespmem:s18+$0xA430];
	_ =	sdelay $0x4  }
0x27a: {  	[tilespmem:s13+$0xFFFFFC30] =	vst v3  }
0x27b: {  	v3 =	vld [tilespmem:s18+$0xA440];
	_ =	sdelay $0x4  }
0x27c: {  	[tilespmem:s13+$0xFFFFFC40] =	vst v3  }
0x27d: {  	v3 =	vld [tilespmem:s18+$0xA450];
	_ =	sdelay $0x4  }
0x27e: {  	[tilespmem:s13+$0xFFFFFC50] =	vst v3  }
0x27f: {  	v3 =	vld [tilespmem:s18+$0xA460];
	_ =	sdelay $0x4  }
0x280: {  	[tilespmem:s13+$0xFFFFFC60] =	vst v3  }
0x281: {  	v3 =	vld [tilespmem:s18+$0xA470];
	_ =	sdelay $0x4  }
0x282: {  	[tilespmem:s13+$0xFFFFFC70] =	vst v3  }
0x283: {  	v3 =	vld [tilespmem:s18+$0xA800];
	_ =	sdelay $0x4  }
0x284: {  	[tilespmem:s13+$0x0] =	vst v3  }
0x285: {  	v3 =	vld [tilespmem:s18+$0xA810];
	_ =	sdelay $0x4  }
0x286: {  	[tilespmem:s13+$0x10] =	vst v3  }
0x287: {  	v3 =	vld [tilespmem:s18+$0xA820];
	_ =	sdelay $0x4  }
0x288: {  	[tilespmem:s13+$0x20] =	vst v3  }
0x289: {  	v3 =	vld [tilespmem:s18+$0xA830];
	_ =	sdelay $0x4  }
0x28a: {  	[tilespmem:s13+$0x30] =	vst v3  }
0x28b: {  	v3 =	vld [tilespmem:s18+$0xA840];
	_ =	sdelay $0x4  }
0x28c: {  	[tilespmem:s13+$0x40] =	vst v3  }
0x28d: {  	v3 =	vld [tilespmem:s18+$0xA850];
	_ =	sdelay $0x4  }
0x28e: {  	[tilespmem:s13+$0x50] =	vst v3  }
0x28f: {  	v3 =	vld [tilespmem:s18+$0xA860];
	_ =	sdelay $0x4  }
0x290: {  	[tilespmem:s13+$0x60] =	vst v3  }
0x291: {  	v3 =	vld [tilespmem:s18+$0xA870];
	_ =	sdelay $0x1  }
0x292: {  	s14 =	simm.s32 $0xA00  }
0x293: {  	s15 =	simm.s32 $0x100;
	s17 =	sand.u32 $0x7800, s14  }
0x294: {  	s12 =	sshll.u32 s11, $0x2;
	s6 =	sand.u32 $0x300, s15;
	s15 =	simm.s32 $0x200  }
.LBB2_3:
0x295: {  	p1 =	sne.s32 s15, $0x700;
	s17 =	sor.u32 s6, s17;
	[tilespmem:s13+$0x70] =	vst v3  }
0x296: {  	v3 =	vld [tilespmem:s17+$0xA400];
	_ =	sdelay $0x3  }
0x297: {  	s13 =	sadd.s32 $0x80, s13  }
0x298: {  	[tilespmem:s13+$0xFFFFFC00] =	vst v3  }
0x299: {  	v3 =	vld [tilespmem:s17+$0xA410];
	_ =	sdelay $0x4  }
0x29a: {  	[tilespmem:s13+$0xFFFFFC10] =	vst v3  }
0x29b: {  	v3 =	vld [tilespmem:s17+$0xA420];
	_ =	sdelay $0x4  }
0x29c: {  	[tilespmem:s13+$0xFFFFFC20] =	vst v3  }
0x29d: {  	v3 =	vld [tilespmem:s17+$0xA430];
	_ =	sdelay $0x4  }
0x29e: {  	[tilespmem:s13+$0xFFFFFC30] =	vst v3  }
0x29f: {  	v3 =	vld [tilespmem:s17+$0xA440];
	_ =	sdelay $0x4  }
0x2a0: {  	[tilespmem:s13+$0xFFFFFC40] =	vst v3  }
0x2a1: {  	v3 =	vld [tilespmem:s17+$0xA450];
	_ =	sdelay $0x4  }
0x2a2: {  	[tilespmem:s13+$0xFFFFFC50] =	vst v3  }
0x2a3: {  	v3 =	vld [tilespmem:s17+$0xA460];
	_ =	sdelay $0x4  }
0x2a4: {  	[tilespmem:s13+$0xFFFFFC60] =	vst v3  }
0x2a5: {  	v3 =	vld [tilespmem:s17+$0xA470];
	_ =	sdelay $0x4  }
0x2a6: {  	[tilespmem:s13+$0xFFFFFC70] =	vst v3  }
0x2a7: {  	v3 =	vld [tilespmem:s17+$0xA800];
	_ =	sdelay $0x4  }
0x2a8: {  	[tilespmem:s13+$0x0] =	vst v3  }
0x2a9: {  	v3 =	vld [tilespmem:s17+$0xA810];
	_ =	sdelay $0x4  }
0x2aa: {  	[tilespmem:s13+$0x10] =	vst v3  }
0x2ab: {  	v3 =	vld [tilespmem:s17+$0xA820];
	_ =	sdelay $0x4  }
0x2ac: {  	[tilespmem:s13+$0x20] =	vst v3  }
0x2ad: {  	v3 =	vld [tilespmem:s17+$0xA830];
	_ =	sdelay $0x4  }
0x2ae: {  	[tilespmem:s13+$0x30] =	vst v3  }
0x2af: {  	v3 =	vld [tilespmem:s17+$0xA840];
	_ =	sdelay $0x4  }
0x2b0: {  	[tilespmem:s13+$0x40] =	vst v3  }
0x2b1: {  	v3 =	vld [tilespmem:s17+$0xA850];
	_ =	sdelay $0x4  }
0x2b2: {  	[tilespmem:s13+$0x50] =	vst v3  }
0x2b3: {  	v3 =	vld [tilespmem:s17+$0xA860];
	_ =	sdelay $0x4  }
0x2b4: {  	[tilespmem:s13+$0x60] =	vst v3  }
.Ltmp4:
0x2b5: {  	v3 =	vld [tilespmem:s17+$0xA870];
	(pc) =	sbr.rel @p1 .LBB2_3-.Ltmp4, $3  }
0x2b6: {  	_ =	sdelay $0x1  }
0x2b7: {  	s14 =	sadd.s32 $0xA00, s14  }
0x2b8: {  	s6 =	sand.u32 $0x300, s15;
	s15 =	sadd.s32 $0x100, s15;
	s17 =	sand.u32 $0x7800, s14  }
0x2b9: {  	s6 =	sor.u32 s6, s17;
	[tilespmem:s13+$0x70] =	vst v3  }
0x2ba: {  	v3 =	vld [tilespmem:s6+$0xA400];
	_ =	sdelay $0x3  }
0x2bb: {  	s17 =	sadd.s32 $0x80, s13  }
0x2bc: {  	[tilespmem:s17+$0xFFFFFC00] =	vst v3  }
0x2bd: {  	v3 =	vld [tilespmem:s6+$0xA410];
	_ =	sdelay $0x4  }
0x2be: {  	[tilespmem:s17+$0xFFFFFC10] =	vst v3  }
0x2bf: {  	v3 =	vld [tilespmem:s6+$0xA420];
	_ =	sdelay $0x4  }
0x2c0: {  	[tilespmem:s17+$0xFFFFFC20] =	vst v3  }
0x2c1: {  	v3 =	vld [tilespmem:s6+$0xA430];
	_ =	sdelay $0x4  }
0x2c2: {  	[tilespmem:s17+$0xFFFFFC30] =	vst v3  }
0x2c3: {  	v3 =	vld [tilespmem:s6+$0xA440];
	_ =	sdelay $0x4  }
0x2c4: {  	[tilespmem:s17+$0xFFFFFC40] =	vst v3  }
0x2c5: {  	v3 =	vld [tilespmem:s6+$0xA450];
	_ =	sdelay $0x4  }
0x2c6: {  	[tilespmem:s17+$0xFFFFFC50] =	vst v3  }
0x2c7: {  	v3 =	vld [tilespmem:s6+$0xA460];
	_ =	sdelay $0x4  }
0x2c8: {  	[tilespmem:s17+$0xFFFFFC60] =	vst v3  }
0x2c9: {  	v3 =	vld [tilespmem:s6+$0xA470];
	_ =	sdelay $0x4  }
0x2ca: {  	[tilespmem:s17+$0xFFFFFC70] =	vst v3  }
0x2cb: {  	v3 =	vld [tilespmem:s6+$0xA800];
	_ =	sdelay $0x4  }
0x2cc: {  	[tilespmem:s17+$0x0] =	vst v3  }
0x2cd: {  	v3 =	vld [tilespmem:s6+$0xA810];
	_ =	sdelay $0x4  }
0x2ce: {  	[tilespmem:s17+$0x10] =	vst v3  }
0x2cf: {  	v3 =	vld [tilespmem:s6+$0xA820];
	_ =	sdelay $0x4  }
0x2d0: {  	[tilespmem:s17+$0x20] =	vst v3  }
0x2d1: {  	v3 =	vld [tilespmem:s6+$0xA830];
	_ =	sdelay $0x4  }
0x2d2: {  	[tilespmem:s17+$0x30] =	vst v3  }
0x2d3: {  	v3 =	vld [tilespmem:s6+$0xA840];
	_ =	sdelay $0x4  }
0x2d4: {  	[tilespmem:s17+$0x40] =	vst v3  }
0x2d5: {  	v3 =	vld [tilespmem:s6+$0xA850];
	_ =	sdelay $0x4  }
0x2d6: {  	[tilespmem:s17+$0x50] =	vst v3  }
0x2d7: {  	v3 =	vld [tilespmem:s6+$0xA860];
	_ =	sdelay $0x4  }
0x2d8: {  	[tilespmem:s17+$0x60] =	vst v3  }
0x2d9: {  	v3 =	vld [tilespmem:s6+$0xA870];
	_ =	sdelay $0x2  }
0x2da: {  	s12 =	sor.u32 $0x3, s12  }
0x2db: {  	s18 =	sshll.u32 s12, $0x7  }
0x2dc: {  	s6 =	sand.u32 $0x3FFFFF80, s18;
	[tilespmem:s17+$0x70] =	vst v3  }
0x2dd: {  	v3 =	vld [tilespmem:s6+$0x400];
	_ =	sdelay $0x4  }
0x2de: {  	v4 =	vshll.u32 v3, $0x1  }
0x2df: {  	v3 =	vand.u32 $0x7, v3;
	v4 =	vand.u32 $0xFFFFFFF0, v4  }
0x2e0: {  	v3 =	vor.u32 v3, v4  }
0x2e1: {  	v4 =	vperm.xlane v3, v0;
	_ =	sdelay $0x1  }
0x2e2: {  	v3 =	vperm.xlane v3, v2;
	v4 =	vadd.s32 v1, v4;
	_ =	sdelay $0x1  }
0x2e3: {  	v3 =	vadd.s32 v1, v3;
	_ =	sdelay $0x1  }
0x2e4: {  	s14 =	simm.s32 $0x19400  }
0x2e5: {  	[tilespmem:s14], [sflag:$0x4] =	stream.indirect_vreg.gather [hbm4b:s2+s3], $0x80, v4, vm0, $0xb8;
	[tilespmem:$0x1F400] =	vst v63  }
0x2e6: {  	_ = 	snop  }
0x2e7: {  	[tilespmem:s22], [sflag:$0x4] =	stream.indirect_vreg.gather [hbm4b:s2+s3], $0x80, v3, vm0, $0xb8;
	[tilespmem:$0x1F400] =	vst v63  }
0x2e8: {  	v3 =	vld [tilespmem:s6+$0x410];
	_ =	sdelay $0x4  }
0x2e9: {  	v4 =	vshll.u32 v3, $0x1  }
0x2ea: {  	v3 =	vand.u32 $0x7, v3;
	v4 =	vand.u32 $0xFFFFFFF0, v4  }
0x2eb: {  	v3 =	vor.u32 v3, v4  }
0x2ec: {  	v4 =	vperm.xlane v3, v0;
	_ =	sdelay $0x1  }
0x2ed: {  	v3 =	vperm.xlane v3, v2;
	v4 =	vadd.s32 v1, v4;
	_ =	sdelay $0x1  }
0x2ee: {  	v3 =	vadd.s32 v1, v3;
	_ =	sdelay $0x2  }
0x2ef: {  	[tilespmem:s23], [sflag:$0x4] =	stream.indirect_vreg.gather [hbm4b:s2+s3], $0x80, v4, vm0, $0xb8;
	[tilespmem:$0x1F400] =	vst v63  }
0x2f0: {  	_ = 	snop  }
0x2f1: {  	[tilespmem:s24], [sflag:$0x4] =	stream.indirect_vreg.gather [hbm4b:s2+s3], $0x80, v3, vm0, $0xb8;
	[tilespmem:$0x1F400] =	vst v63  }
0x2f2: {  	v3 =	vld [tilespmem:s6+$0x420];
	_ =	sdelay $0x4  }
0x2f3: {  	v4 =	vshll.u32 v3, $0x1  }
0x2f4: {  	v3 =	vand.u32 $0x7, v3;
	v4 =	vand.u32 $0xFFFFFFF0, v4  }
0x2f5: {  	v3 =	vor.u32 v3, v4  }
0x2f6: {  	v4 =	vperm.xlane v3, v0;
	_ =	sdelay $0x1  }
0x2f7: {  	v3 =	vperm.xlane v3, v2;
	v4 =	vadd.s32 v1, v4;
	_ =	sdelay $0x1  }
0x2f8: {  	v3 =	vadd.s32 v1, v3;
	_ =	sdelay $0x2  }
0x2f9: {  	[tilespmem:s25], [sflag:$0x4] =	stream.indirect_vreg.gather [hbm4b:s2+s3], $0x80, v4, vm0, $0xb8;
	[tilespmem:$0x1F400] =	vst v63  }
0x2fa: {  	_ = 	snop  }
0x2fb: {  	[tilespmem:s26], [sflag:$0x4] =	stream.indirect_vreg.gather [hbm4b:s2+s3], $0x80, v3, vm0, $0xb8;
	[tilespmem:$0x1F400] =	vst v63  }
0x2fc: {  	v3 =	vld [tilespmem:s6+$0x430];
	_ =	sdelay $0x4  }
0x2fd: {  	v4 =	vshll.u32 v3, $0x1  }
0x2fe: {  	v3 =	vand.u32 $0x7, v3;
	v4 =	vand.u32 $0xFFFFFFF0, v4  }
0x2ff: {  	v3 =	vor.u32 v3, v4  }
0x300: {  	v4 =	vperm.xlane v3, v0;
	_ =	sdelay $0x1  }
0x301: {  	v3 =	vperm.xlane v3, v2;
	v4 =	vadd.s32 v1, v4;
	_ =	sdelay $0x1  }
0x302: {  	v3 =	vadd.s32 v1, v3;
	_ =	sdelay $0x2  }
0x303: {  	[tilespmem:s28], [sflag:$0x4] =	stream.indirect_vreg.gather [hbm4b:s2+s3], $0x80, v4, vm0, $0xb8;
	[tilespmem:$0x1F400] =	vst v63  }
0x304: {  	_ = 	snop  }
0x305: {  	[tilespmem:s30], [sflag:$0x4] =	stream.indirect_vreg.gather [hbm4b:s2+s3], $0x80, v3, vm0, $0xb8;
	[tilespmem:$0x1F400] =	vst v63  }
0x306: {  	v3 =	vld [tilespmem:s6+$0x440];
	_ =	sdelay $0x4  }
0x307: {  	v4 =	vshll.u32 v3, $0x1  }
0x308: {  	v3 =	vand.u32 $0x7, v3;
	v4 =	vand.u32 $0xFFFFFFF0, v4  }
0x309: {  	v3 =	vor.u32 v3, v4  }
0x30a: {  	v4 =	vperm.xlane v3, v0;
	_ =	sdelay $0x1  }
0x30b: {  	v3 =	vperm.xlane v3, v2;
	v4 =	vadd.s32 v1, v4;
	_ =	sdelay $0x1  }
0x30c: {  	v3 =	vadd.s32 v1, v3;
	_ =	sdelay $0x2  }
0x30d: {  	[tilespmem:s31], [sflag:$0x4] =	stream.indirect_vreg.gather [hbm4b:s2+s3], $0x80, v4, vm0, $0xb8;
	[tilespmem:$0x1F400] =	vst v63  }
0x30e: {  	s15 =	sshll.u32 s11, $0xA  }
0x30f: {  	[tilespmem:s0], [sflag:$0x4] =	stream.indirect_vreg.gather [hbm4b:s2+s3], $0x80, v3, vm0, $0xb8;
	[tilespmem:$0x1F400] =	vst v63  }
0x310: {  	s6 =	sadd.s32 s15, s16  }
0x311: {  	[hbm4b:s6+s3] =	stream.linear.scatter [tilespmem:s1], [sflag:$0x5], $0x800, $0x38;
	[tilespmem:$0x1F400] =	vst v63  }
0x312: {  	_ =	swait.ge [sflag:s10], $0x5000  }
0x313: {  	[sflag:s10] =	ssyncset.done $0x0  }
0x314: {  	s6 =	simm.s32 @!p0 $0x6;
	[sflag:s10] =	ssyncadd.s32 $0xFFFFB000  }
0x315: {  	s17 =	simm.s32 $0x0;
	_ =	swait.ge @!p0 [sflag:s6], $0x800  }
0x316: {  	s13 =	sand.u32 $0x7800, s17;
	s14 =	sand.u32 $0x300, s17;
	[sflag:s6] =	ssyncset.done @!p0 $0x0  }
0x317: {  	s18 =	sor.u32 s14, s13;
	[sflag:s6] =	ssyncadd.s32 @!p0 $0xFFFFF800  }
0x318: {  	v3 =	vld [tilespmem:s18+$0xF400];
	_ =	sdelay $0x3  }
0x319: {  	s13 =	simm.s32 $0x1F000  }
0x31a: {  	[tilespmem:s13+$0xFFFFFC00] =	vst v3  }
0x31b: {  	v3 =	vld [tilespmem:s18+$0xF410];
	_ =	sdelay $0x4  }
0x31c: {  	[tilespmem:s13+$0xFFFFFC10] =	vst v3  }
0x31d: {  	v3 =	vld [tilespmem:s18+$0xF420];
	_ =	sdelay $0x4  }
0x31e: {  	[tilespmem:s13+$0xFFFFFC20] =	vst v3  }
0x31f: {  	v3 =	vld [tilespmem:s18+$0xF430];
	_ =	sdelay $0x4  }
0x320: {  	[tilespmem:s13+$0xFFFFFC30] =	vst v3  }
0x321: {  	v3 =	vld [tilespmem:s18+$0xF440];
	_ =	sdelay $0x4  }
0x322: {  	[tilespmem:s13+$0xFFFFFC40] =	vst v3  }
0x323: {  	v3 =	vld [tilespmem:s18+$0xF450];
	_ =	sdelay $0x4  }
0x324: {  	[tilespmem:s13+$0xFFFFFC50] =	vst v3  }
0x325: {  	v3 =	vld [tilespmem:s18+$0xF460];
	_ =	sdelay $0x4  }
0x326: {  	[tilespmem:s13+$0xFFFFFC60] =	vst v3  }
0x327: {  	v3 =	vld [tilespmem:s18+$0xF470];
	_ =	sdelay $0x4  }
0x328: {  	[tilespmem:s13+$0xFFFFFC70] =	vst v3  }
0x329: {  	v3 =	vld [tilespmem:s18+$0xF800];
	_ =	sdelay $0x4  }
0x32a: {  	[tilespmem:s13+$0x0] =	vst v3  }
0x32b: {  	v3 =	vld [tilespmem:s18+$0xF810];
	_ =	sdelay $0x4  }
0x32c: {  	[tilespmem:s13+$0x10] =	vst v3  }
0x32d: {  	v3 =	vld [tilespmem:s18+$0xF820];
	_ =	sdelay $0x4  }
0x32e: {  	[tilespmem:s13+$0x20] =	vst v3  }
0x32f: {  	v3 =	vld [tilespmem:s18+$0xF830];
	_ =	sdelay $0x4  }
0x330: {  	[tilespmem:s13+$0x30] =	vst v3  }
0x331: {  	v3 =	vld [tilespmem:s18+$0xF840];
	_ =	sdelay $0x4  }
0x332: {  	[tilespmem:s13+$0x40] =	vst v3  }
0x333: {  	v3 =	vld [tilespmem:s18+$0xF850];
	_ =	sdelay $0x4  }
0x334: {  	[tilespmem:s13+$0x50] =	vst v3  }
0x335: {  	v3 =	vld [tilespmem:s18+$0xF860];
	_ =	sdelay $0x4  }
0x336: {  	[tilespmem:s13+$0x60] =	vst v3  }
0x337: {  	v3 =	vld [tilespmem:s18+$0xF870];
	_ =	sdelay $0x2  }
0x338: {  	s14 =	simm.s32 $0xA00;
	s15 =	simm.s32 $0x100  }
0x339: {  	s17 =	sand.u32 $0x7800, s14;
	s6 =	sand.u32 $0x300, s15;
	s15 =	simm.s32 $0x200  }
.LBB2_5:
0x33a: {  	p0 =	sne.s32 s15, $0x700;
	s17 =	sor.u32 s6, s17;
	[tilespmem:s13+$0x70] =	vst v3  }
0x33b: {  	v3 =	vld [tilespmem:s17+$0xF400];
	_ =	sdelay $0x3  }
0x33c: {  	s13 =	sadd.s32 $0x80, s13  }
0x33d: {  	[tilespmem:s13+$0xFFFFFC00] =	vst v3  }
0x33e: {  	v3 =	vld [tilespmem:s17+$0xF410];
	_ =	sdelay $0x4  }
0x33f: {  	[tilespmem:s13+$0xFFFFFC10] =	vst v3  }
0x340: {  	v3 =	vld [tilespmem:s17+$0xF420];
	_ =	sdelay $0x4  }
0x341: {  	[tilespmem:s13+$0xFFFFFC20] =	vst v3  }
0x342: {  	v3 =	vld [tilespmem:s17+$0xF430];
	_ =	sdelay $0x4  }
0x343: {  	[tilespmem:s13+$0xFFFFFC30] =	vst v3  }
0x344: {  	v3 =	vld [tilespmem:s17+$0xF440];
	_ =	sdelay $0x4  }
0x345: {  	[tilespmem:s13+$0xFFFFFC40] =	vst v3  }
0x346: {  	v3 =	vld [tilespmem:s17+$0xF450];
	_ =	sdelay $0x4  }
0x347: {  	[tilespmem:s13+$0xFFFFFC50] =	vst v3  }
0x348: {  	v3 =	vld [tilespmem:s17+$0xF460];
	_ =	sdelay $0x4  }
0x349: {  	[tilespmem:s13+$0xFFFFFC60] =	vst v3  }
0x34a: {  	v3 =	vld [tilespmem:s17+$0xF470];
	_ =	sdelay $0x4  }
0x34b: {  	[tilespmem:s13+$0xFFFFFC70] =	vst v3  }
0x34c: {  	v3 =	vld [tilespmem:s17+$0xF800];
	_ =	sdelay $0x4  }
0x34d: {  	[tilespmem:s13+$0x0] =	vst v3  }
0x34e: {  	v3 =	vld [tilespmem:s17+$0xF810];
	_ =	sdelay $0x4  }
0x34f: {  	[tilespmem:s13+$0x10] =	vst v3  }
0x350: {  	v3 =	vld [tilespmem:s17+$0xF820];
	_ =	sdelay $0x4  }
0x351: {  	[tilespmem:s13+$0x20] =	vst v3  }
0x352: {  	v3 =	vld [tilespmem:s17+$0xF830];
	_ =	sdelay $0x4  }
0x353: {  	[tilespmem:s13+$0x30] =	vst v3  }
0x354: {  	v3 =	vld [tilespmem:s17+$0xF840];
	_ =	sdelay $0x4  }
0x355: {  	[tilespmem:s13+$0x40] =	vst v3  }
0x356: {  	v3 =	vld [tilespmem:s17+$0xF850];
	_ =	sdelay $0x4  }
0x357: {  	[tilespmem:s13+$0x50] =	vst v3  }
0x358: {  	v3 =	vld [tilespmem:s17+$0xF860];
	_ =	sdelay $0x4  }
0x359: {  	[tilespmem:s13+$0x60] =	vst v3  }
.Ltmp5:
0x35a: {  	v3 =	vld [tilespmem:s17+$0xF870];
	(pc) =	sbr.rel @p0 .LBB2_5-.Ltmp5, $3  }
0x35b: {  	_ =	sdelay $0x1  }
0x35c: {  	s14 =	sadd.s32 $0xA00, s14  }
0x35d: {  	s6 =	sand.u32 $0x300, s15;
	s15 =	sadd.s32 $0x100, s15;
	s17 =	sand.u32 $0x7800, s14  }
0x35e: {  	s6 =	sor.u32 s6, s17;
	[tilespmem:s13+$0x70] =	vst v3  }
0x35f: {  	v3 =	vld [tilespmem:s6+$0xF400];
	_ =	sdelay $0x3  }
0x360: {  	s18 =	sadd.s32 $0x80, s13  }
0x361: {  	[tilespmem:s18+$0xFFFFFC00] =	vst v3  }
0x362: {  	v3 =	vld [tilespmem:s6+$0xF410];
	_ =	sdelay $0x4  }
0x363: {  	[tilespmem:s18+$0xFFFFFC10] =	vst v3  }
0x364: {  	v3 =	vld [tilespmem:s6+$0xF420];
	_ =	sdelay $0x4  }
0x365: {  	[tilespmem:s18+$0xFFFFFC20] =	vst v3  }
0x366: {  	v3 =	vld [tilespmem:s6+$0xF430];
	_ =	sdelay $0x4  }
0x367: {  	[tilespmem:s18+$0xFFFFFC30] =	vst v3  }
0x368: {  	v3 =	vld [tilespmem:s6+$0xF440];
	_ =	sdelay $0x4  }
0x369: {  	[tilespmem:s18+$0xFFFFFC40] =	vst v3  }
0x36a: {  	v3 =	vld [tilespmem:s6+$0xF450];
	_ =	sdelay $0x4  }
0x36b: {  	[tilespmem:s18+$0xFFFFFC50] =	vst v3  }
0x36c: {  	v3 =	vld [tilespmem:s6+$0xF460];
	_ =	sdelay $0x4  }
0x36d: {  	[tilespmem:s18+$0xFFFFFC60] =	vst v3  }
0x36e: {  	v3 =	vld [tilespmem:s6+$0xF470];
	_ =	sdelay $0x4  }
0x36f: {  	[tilespmem:s18+$0xFFFFFC70] =	vst v3  }
0x370: {  	v3 =	vld [tilespmem:s6+$0xF800];
	_ =	sdelay $0x4  }
0x371: {  	[tilespmem:s18+$0x0] =	vst v3  }
0x372: {  	v3 =	vld [tilespmem:s6+$0xF810];
	_ =	sdelay $0x4  }
0x373: {  	[tilespmem:s18+$0x10] =	vst v3  }
0x374: {  	v3 =	vld [tilespmem:s6+$0xF820];
	_ =	sdelay $0x4  }
0x375: {  	[tilespmem:s18+$0x20] =	vst v3  }
0x376: {  	v3 =	vld [tilespmem:s6+$0xF830];
	_ =	sdelay $0x4  }
0x377: {  	[tilespmem:s18+$0x30] =	vst v3  }
0x378: {  	v3 =	vld [tilespmem:s6+$0xF840];
	_ =	sdelay $0x4  }
0x379: {  	[tilespmem:s18+$0x40] =	vst v3  }
0x37a: {  	v3 =	vld [tilespmem:s6+$0xF850];
	_ =	sdelay $0x4  }
0x37b: {  	[tilespmem:s18+$0x50] =	vst v3  }
0x37c: {  	v3 =	vld [tilespmem:s6+$0xF860];
	_ =	sdelay $0x4  }
0x37d: {  	[tilespmem:s18+$0x60] =	vst v3  }
0x37e: {  	p0 =	seq.s32 s11, $0xF;
	v3 =	vld [tilespmem:s6+$0xF870]  }
.Ltmp6:
0x37f: {  	_ = 	snop;
	(pc) =	sbr.rel @p0 .LBB2_8-.Ltmp6, $2  }
0x380: {  	_ =	sdelay $0x2  }
0x381: {  	[tilespmem:s18+$0x70] =	vst v3  }
0x382: {  	s6 =	sshll.u32 s11, $0x9  }
0x383: {  	s6 =	sand.u32 $0x3FFFFE00, s6  }
0x384: {  	v3 =	vld [tilespmem:s6+$0x600];
	_ =	sdelay $0x4  }
0x385: {  	v4 =	vshll.u32 v3, $0x1  }
0x386: {  	v3 =	vand.u32 $0x7, v3;
	v4 =	vand.u32 $0xFFFFFFF0, v4  }
0x387: {  	v3 =	vor.u32 v3, v4  }
0x388: {  	v4 =	vperm.xlane v3, v0;
	_ =	sdelay $0x1  }
0x389: {  	v3 =	vperm.xlane v3, v2;
	v4 =	vadd.s32 v1, v4;
	_ =	sdelay $0x1  }
0x38a: {  	v3 =	vadd.s32 v1, v3;
	_ =	sdelay $0x2  }
0x38b: {  	[tilespmem:s21], [sflag:$0x1] =	stream.indirect_vreg.gather [hbm4b:s2+s3], $0x80, v4, vm0, $0xb8;
	[tilespmem:$0x1F400] =	vst v63  }
0x38c: {  	s13 =	simm.s32 $0xAC00  }
0x38d: {  	[tilespmem:s13], [sflag:$0x1] =	stream.indirect_vreg.gather [hbm4b:s2+s3], $0x80, v3, vm0, $0xb8;
	[tilespmem:$0x1F400] =	vst v63  }
0x38e: {  	v3 =	vld [tilespmem:s6+$0x610];
	_ =	sdelay $0x4  }
0x38f: {  	v60 =	vshll.u32 v3, $0x1  }
0x390: {  	v3 =	vand.u32 $0x7, v3;
	v4 =	vand.u32 $0xFFFFFFF0, v60  }
0x391: {  	v3 =	vor.u32 v3, v4  }
0x392: {  	v4 =	vperm.xlane v3, v0;
	_ =	sdelay $0x1  }
0x393: {  	v3 =	vperm.xlane v3, v2;
	v4 =	vadd.s32 v1, v4;
	_ =	sdelay $0x1  }
0x394: {  	v3 =	vadd.s32 v1, v3;
	_ =	sdelay $0x1  }
0x395: {  	s14 =	simm.s32 $0xB400  }
0x396: {  	[tilespmem:s14], [sflag:$0x1] =	stream.indirect_vreg.gather [hbm4b:s2+s3], $0x80, v4, vm0, $0xb8;
	[tilespmem:$0x1F400] =	vst v63  }
0x397: {  	s15 =	simm.s32 $0xBC00  }
0x398: {  	[tilespmem:s15], [sflag:$0x1] =	stream.indirect_vreg.gather [hbm4b:s2+s3], $0x80, v3, vm0, $0xb8;
	[tilespmem:$0x1F400] =	vst v63  }
0x399: {  	v3 =	vld [tilespmem:s6+$0x620];
	_ =	sdelay $0x4  }
0x39a: {  	v61 =	vshll.u32 v3, $0x1  }
0x39b: {  	v3 =	vand.u32 $0x7, v3;
	v4 =	vand.u32 $0xFFFFFFF0, v61  }
0x39c: {  	v3 =	vor.u32 v3, v4  }
0x39d: {  	v4 =	vperm.xlane v3, v0;
	_ =	sdelay $0x1  }
0x39e: {  	v3 =	vperm.xlane v3, v2;
	v4 =	vadd.s32 v1, v4;
	_ =	sdelay $0x1  }
0x39f: {  	v3 =	vadd.s32 v1, v3;
	_ =	sdelay $0x1  }
0x3a0: {  	s17 =	simm.s32 $0xC400  }
0x3a1: {  	[tilespmem:s17], [sflag:$0x1] =	stream.indirect_vreg.gather [hbm4b:s2+s3], $0x80, v4, vm0, $0xb8;
	[tilespmem:$0x1F400] =	vst v63  }
0x3a2: {  	s18 =	simm.s32 $0xCC00  }
0x3a3: {  	[tilespmem:s18], [sflag:$0x1] =	stream.indirect_vreg.gather [hbm4b:s2+s3], $0x80, v3, vm0, $0xb8;
	[tilespmem:$0x1F400] =	vst v63  }
0x3a4: {  	v3 =	vld [tilespmem:s6+$0x630];
	_ =	sdelay $0x4  }
0x3a5: {  	v62 =	vshll.u32 v3, $0x1  }
0x3a6: {  	v3 =	vand.u32 $0x7, v3;
	v4 =	vand.u32 $0xFFFFFFF0, v62  }
0x3a7: {  	v3 =	vor.u32 v3, v4  }
0x3a8: {  	v4 =	vperm.xlane v3, v0;
	_ =	sdelay $0x1  }
0x3a9: {  	v3 =	vperm.xlane v3, v2;
	v4 =	vadd.s32 v1, v4;
	_ =	sdelay $0x1  }
0x3aa: {  	v3 =	vadd.s32 v1, v3;
	_ =	sdelay $0x1  }
0x3ab: {  	s14 =	simm.s32 $0xD400  }
0x3ac: {  	[tilespmem:s14], [sflag:$0x1] =	stream.indirect_vreg.gather [hbm4b:s2+s3], $0x80, v4, vm0, $0xb8;
	[tilespmem:$0x1F400] =	vst v63  }
0x3ad: {  	s15 =	simm.s32 $0xDC00  }
0x3ae: {  	[tilespmem:s15], [sflag:$0x1] =	stream.indirect_vreg.gather [hbm4b:s2+s3], $0x80, v3, vm0, $0xb8;
	[tilespmem:$0x1F400] =	vst v63  }
0x3af: {  	v3 =	vld [tilespmem:s6+$0x640];
	_ =	sdelay $0x4  }
0x3b0: {  	v63 =	vshll.u32 v3, $0x1  }
0x3b1: {  	v3 =	vand.u32 $0x7, v3;
	v4 =	vand.u32 $0xFFFFFFF0, v63  }
0x3b2: {  	v3 =	vor.u32 v3, v4  }
0x3b3: {  	v4 =	vperm.xlane v3, v0;
	_ =	sdelay $0x1  }
0x3b4: {  	v3 =	vperm.xlane v3, v2;
	v4 =	vadd.s32 v1, v4;
	_ =	sdelay $0x1  }
0x3b5: {  	v3 =	vadd.s32 v1, v3;
	_ =	sdelay $0x1  }
0x3b6: {  	s17 =	simm.s32 $0xE400  }
0x3b7: {  	[tilespmem:s17], [sflag:$0x1] =	stream.indirect_vreg.gather [hbm4b:s2+s3], $0x80, v4, vm0, $0xb8;
	[tilespmem:$0x1F400] =	vst v63  }
0x3b8: {  	s18 =	simm.s32 $0xEC00  }
0x3b9: {  	[tilespmem:s18], [sflag:$0x1] =	stream.indirect_vreg.gather [hbm4b:s2+s3], $0x80, v3, vm0, $0xb8;
	[tilespmem:$0x1F400] =	vst v63  }
.LBB2_8:
0x3ba: {  	s6 =	sshll.u32 s11, $0x5  }
0x3bb: {  	s6 =	sadd.s32 s6, s5  }
0x3bc: {  	s6 =	sshll.u32 s6, $0x5  }
0x3bd: {  	s13 =	sadd.s32 s4, s6  }
0x3be: {  	s14 =	simm.s32 $0x0;
	s6 =	sadd.s32 $0x100, s13  }
0x3bf: {  	[hbm4b:s6+s14] =	stream.linear.scatter [tilespmem:s19], [sflag:$0x6], $0x800, $0x38;
	[tilespmem:$0x1F400] =	vst v63  }
0x3c0: {  	_ =	swait.ge [sflag:s7], $0x5000  }
0x3c1: {  	[sflag:s7] =	ssyncset.done $0x0  }
0x3c2: {  	[sflag:s7] =	ssyncadd.s32 $0xFFFFB000  }
0x3c3: {  	_ =	swait.ge [sflag:s8], $0x800  }
0x3c4: {  	s18 =	sand.u32 $0x300, s14;
	s14 =	sand.u32 $0x7800, s14;
	[sflag:s8] =	ssyncset.done $0x0  }
0x3c5: {  	s6 =	sor.u32 s18, s14;
	[sflag:s8] =	ssyncadd.s32 $0xFFFFF800  }
0x3c6: {  	v3 =	vld [tilespmem:s6+$0x14400];
	_ =	sdelay $0x3  }
0x3c7: {  	s14 =	simm.s32 $0x1E800  }
0x3c8: {  	s6 =	sadd.s32 $0x14400, s6;
	[tilespmem:s14+$0xFFFFFC00] =	vst v3  }
0x3c9: {  	v3 =	vld [tilespmem:s6+$0x10];
	_ =	sdelay $0x4  }
0x3ca: {  	[tilespmem:s14+$0xFFFFFC10] =	vst v3  }
0x3cb: {  	v3 =	vld [tilespmem:s6+$0x20];
	_ =	sdelay $0x4  }
0x3cc: {  	[tilespmem:s14+$0xFFFFFC20] =	vst v3  }
0x3cd: {  	v3 =	vld [tilespmem:s6+$0x30];
	_ =	sdelay $0x4  }
0x3ce: {  	[tilespmem:s14+$0xFFFFFC30] =	vst v3  }
0x3cf: {  	v3 =	vld [tilespmem:s6+$0x40];
	_ =	sdelay $0x4  }
0x3d0: {  	[tilespmem:s14+$0xFFFFFC40] =	vst v3  }
0x3d1: {  	v3 =	vld [tilespmem:s6+$0x50];
	_ =	sdelay $0x4  }
0x3d2: {  	[tilespmem:s14+$0xFFFFFC50] =	vst v3  }
0x3d3: {  	v3 =	vld [tilespmem:s6+$0x60];
	_ =	sdelay $0x4  }
0x3d4: {  	[tilespmem:s14+$0xFFFFFC60] =	vst v3  }
0x3d5: {  	v3 =	vld [tilespmem:s6+$0x70];
	_ =	sdelay $0x4  }
0x3d6: {  	[tilespmem:s14+$0xFFFFFC70] =	vst v3  }
0x3d7: {  	v3 =	vld [tilespmem:s6+$0x400];
	_ =	sdelay $0x4  }
0x3d8: {  	[tilespmem:s14+$0x0] =	vst v3  }
0x3d9: {  	v3 =	vld [tilespmem:s6+$0x410];
	_ =	sdelay $0x4  }
0x3da: {  	[tilespmem:s14+$0x10] =	vst v3  }
0x3db: {  	v3 =	vld [tilespmem:s6+$0x420];
	_ =	sdelay $0x4  }
0x3dc: {  	[tilespmem:s14+$0x20] =	vst v3  }
0x3dd: {  	v3 =	vld [tilespmem:s6+$0x430];
	_ =	sdelay $0x4  }
0x3de: {  	[tilespmem:s14+$0x30] =	vst v3  }
0x3df: {  	v3 =	vld [tilespmem:s6+$0x440];
	_ =	sdelay $0x4  }
0x3e0: {  	[tilespmem:s14+$0x40] =	vst v3  }
0x3e1: {  	v3 =	vld [tilespmem:s6+$0x450];
	_ =	sdelay $0x4  }
0x3e2: {  	[tilespmem:s14+$0x50] =	vst v3  }
0x3e3: {  	v3 =	vld [tilespmem:s6+$0x460];
	_ =	sdelay $0x4  }
0x3e4: {  	[tilespmem:s14+$0x60] =	vst v3  }
0x3e5: {  	v3 =	vld [tilespmem:s6+$0x470];
	_ =	sdelay $0x2  }
0x3e6: {  	s17 =	simm.s32 $0x100;
	s15 =	simm.s32 $0xA00  }
0x3e7: {  	s18 =	sand.u32 $0x7800, s15;
	s6 =	sand.u32 $0x300, s17;
	s17 =	simm.s32 $0x200  }
.LBB2_9:
0x3e8: {  	p1 =	sne.s32 s17, $0x700;
	s6 =	sor.u32 s6, s18;
	[tilespmem:s14+$0x70] =	vst v3  }
0x3e9: {  	v3 =	vld [tilespmem:s6+$0x14400];
	_ =	sdelay $0x3  }
0x3ea: {  	s14 =	sadd.s32 $0x80, s14  }
0x3eb: {  	s6 =	sadd.s32 $0x14400, s6;
	[tilespmem:s14+$0xFFFFFC00] =	vst v3  }
0x3ec: {  	v3 =	vld [tilespmem:s6+$0x10];
	_ =	sdelay $0x4  }
0x3ed: {  	[tilespmem:s14+$0xFFFFFC10] =	vst v3  }
0x3ee: {  	v3 =	vld [tilespmem:s6+$0x20];
	_ =	sdelay $0x4  }
0x3ef: {  	[tilespmem:s14+$0xFFFFFC20] =	vst v3  }
0x3f0: {  	v3 =	vld [tilespmem:s6+$0x30];
	_ =	sdelay $0x4  }
0x3f1: {  	[tilespmem:s14+$0xFFFFFC30] =	vst v3  }
0x3f2: {  	v3 =	vld [tilespmem:s6+$0x40];
	_ =	sdelay $0x4  }
0x3f3: {  	[tilespmem:s14+$0xFFFFFC40] =	vst v3  }
0x3f4: {  	v3 =	vld [tilespmem:s6+$0x50];
	_ =	sdelay $0x4  }
0x3f5: {  	[tilespmem:s14+$0xFFFFFC50] =	vst v3  }
0x3f6: {  	v3 =	vld [tilespmem:s6+$0x60];
	_ =	sdelay $0x4  }
0x3f7: {  	[tilespmem:s14+$0xFFFFFC60] =	vst v3  }
0x3f8: {  	v3 =	vld [tilespmem:s6+$0x70];
	_ =	sdelay $0x4  }
0x3f9: {  	[tilespmem:s14+$0xFFFFFC70] =	vst v3  }
0x3fa: {  	v3 =	vld [tilespmem:s6+$0x400];
	_ =	sdelay $0x4  }
0x3fb: {  	[tilespmem:s14+$0x0] =	vst v3  }
0x3fc: {  	v3 =	vld [tilespmem:s6+$0x410];
	_ =	sdelay $0x4  }
0x3fd: {  	[tilespmem:s14+$0x10] =	vst v3  }
0x3fe: {  	v3 =	vld [tilespmem:s6+$0x420];
	_ =	sdelay $0x4  }
0x3ff: {  	[tilespmem:s14+$0x20] =	vst v3  }
0x400: {  	v3 =	vld [tilespmem:s6+$0x430];
	_ =	sdelay $0x4  }
0x401: {  	[tilespmem:s14+$0x30] =	vst v3  }
0x402: {  	v3 =	vld [tilespmem:s6+$0x440];
	_ =	sdelay $0x4  }
0x403: {  	[tilespmem:s14+$0x40] =	vst v3  }
0x404: {  	v3 =	vld [tilespmem:s6+$0x450];
	_ =	sdelay $0x4  }
0x405: {  	[tilespmem:s14+$0x50] =	vst v3  }
0x406: {  	v3 =	vld [tilespmem:s6+$0x460];
	_ =	sdelay $0x4  }
0x407: {  	[tilespmem:s14+$0x60] =	vst v3  }
.Ltmp7:
0x408: {  	v3 =	vld [tilespmem:s6+$0x470];
	(pc) =	sbr.rel @p1 .LBB2_9-.Ltmp7, $3  }
0x409: {  	_ =	sdelay $0x1  }
0x40a: {  	s15 =	sadd.s32 $0xA00, s15  }
0x40b: {  	s18 =	sand.u32 $0x7800, s15;
	s6 =	sand.u32 $0x300, s17;
	s17 =	sadd.s32 $0x100, s17  }
0x40c: {  	s6 =	sor.u32 s6, s18;
	[tilespmem:s14+$0x70] =	vst v3  }
0x40d: {  	v3 =	vld [tilespmem:s6+$0x14400];
	_ =	sdelay $0x3  }
0x40e: {  	s18 =	sadd.s32 $0x80, s14  }
0x40f: {  	s6 =	sadd.s32 $0x14400, s6;
	[tilespmem:s18+$0xFFFFFC00] =	vst v3  }
0x410: {  	v3 =	vld [tilespmem:s6+$0x10];
	_ =	sdelay $0x4  }
0x411: {  	[tilespmem:s18+$0xFFFFFC10] =	vst v3  }
0x412: {  	v3 =	vld [tilespmem:s6+$0x20];
	_ =	sdelay $0x4  }
0x413: {  	[tilespmem:s18+$0xFFFFFC20] =	vst v3  }
0x414: {  	v3 =	vld [tilespmem:s6+$0x30];
	_ =	sdelay $0x4  }
0x415: {  	[tilespmem:s18+$0xFFFFFC30] =	vst v3  }
0x416: {  	v3 =	vld [tilespmem:s6+$0x40];
	_ =	sdelay $0x4  }
0x417: {  	[tilespmem:s18+$0xFFFFFC40] =	vst v3  }
0x418: {  	v3 =	vld [tilespmem:s6+$0x50];
	_ =	sdelay $0x4  }
0x419: {  	[tilespmem:s18+$0xFFFFFC50] =	vst v3  }
0x41a: {  	v3 =	vld [tilespmem:s6+$0x60];
	_ =	sdelay $0x4  }
0x41b: {  	[tilespmem:s18+$0xFFFFFC60] =	vst v3  }
0x41c: {  	v3 =	vld [tilespmem:s6+$0x70];
	_ =	sdelay $0x4  }
0x41d: {  	[tilespmem:s18+$0xFFFFFC70] =	vst v3  }
0x41e: {  	v3 =	vld [tilespmem:s6+$0x400];
	_ =	sdelay $0x4  }
0x41f: {  	[tilespmem:s18+$0x0] =	vst v3  }
0x420: {  	v3 =	vld [tilespmem:s6+$0x410];
	_ =	sdelay $0x4  }
0x421: {  	[tilespmem:s18+$0x10] =	vst v3  }
0x422: {  	v3 =	vld [tilespmem:s6+$0x420];
	_ =	sdelay $0x4  }
0x423: {  	[tilespmem:s18+$0x20] =	vst v3  }
0x424: {  	v3 =	vld [tilespmem:s6+$0x430];
	_ =	sdelay $0x4  }
0x425: {  	[tilespmem:s18+$0x30] =	vst v3  }
0x426: {  	v3 =	vld [tilespmem:s6+$0x440];
	_ =	sdelay $0x4  }
0x427: {  	[tilespmem:s18+$0x40] =	vst v3  }
0x428: {  	v3 =	vld [tilespmem:s6+$0x450];
	_ =	sdelay $0x4  }
0x429: {  	[tilespmem:s18+$0x50] =	vst v3  }
0x42a: {  	v3 =	vld [tilespmem:s6+$0x460];
	_ =	sdelay $0x4  }
0x42b: {  	[tilespmem:s18+$0x60] =	vst v3  }
0x42c: {  	v3 =	vld [tilespmem:s6+$0x470]  }
.Ltmp8:
0x42d: {  	_ = 	snop;
	(pc) =	sbr.rel @p0 .LBB2_12-.Ltmp8, $2  }
0x42e: {  	_ =	sdelay $0x2  }
0x42f: {  	[tilespmem:s18+$0x70] =	vst v3  }
0x430: {  	s6 =	sshll.u32 s11, $0x9  }
0x431: {  	s6 =	sand.u32 $0x3FFFFE00, s6  }
0x432: {  	v3 =	vld [tilespmem:s6+$0x680];
	_ =	sdelay $0x4  }
0x433: {  	v4 =	vshll.u32 v3, $0x1  }
0x434: {  	v3 =	vand.u32 $0x7, v3;
	v4 =	vand.u32 $0xFFFFFFF0, v4  }
0x435: {  	v3 =	vor.u32 v3, v4  }
0x436: {  	v4 =	vperm.xlane v3, v0;
	_ =	sdelay $0x1  }
0x437: {  	v3 =	vperm.xlane v3, v2;
	v4 =	vadd.s32 v1, v4;
	_ =	sdelay $0x1  }
0x438: {  	v3 =	vadd.s32 v1, v3;
	_ =	sdelay $0x1  }
0x439: {  	s14 =	simm.s32 $0xF400  }
0x43a: {  	[tilespmem:s14], [sflag:$0x2] =	stream.indirect_vreg.gather [hbm4b:s2+s3], $0x80, v4, vm0, $0xb8;
	[tilespmem:$0x1F400] =	vst v63  }
0x43b: {  	s15 =	simm.s32 $0xFC00  }
0x43c: {  	[tilespmem:s15], [sflag:$0x2] =	stream.indirect_vreg.gather [hbm4b:s2+s3], $0x80, v3, vm0, $0xb8;
	[tilespmem:$0x1F400] =	vst v63  }
0x43d: {  	v3 =	vld [tilespmem:s6+$0x690];
	_ =	sdelay $0x4  }
0x43e: {  	v60 =	vshll.u32 v3, $0x1  }
0x43f: {  	v3 =	vand.u32 $0x7, v3;
	v4 =	vand.u32 $0xFFFFFFF0, v60  }
0x440: {  	v3 =	vor.u32 v3, v4  }
0x441: {  	v4 =	vperm.xlane v3, v0;
	_ =	sdelay $0x1  }
0x442: {  	v3 =	vperm.xlane v3, v2;
	v4 =	vadd.s32 v1, v4;
	_ =	sdelay $0x1  }
0x443: {  	v3 =	vadd.s32 v1, v3;
	_ =	sdelay $0x1  }
0x444: {  	s17 =	simm.s32 $0x10400  }
0x445: {  	[tilespmem:s17], [sflag:$0x2] =	stream.indirect_vreg.gather [hbm4b:s2+s3], $0x80, v4, vm0, $0xb8;
	[tilespmem:$0x1F400] =	vst v63  }
0x446: {  	s18 =	simm.s32 $0x10C00  }
0x447: {  	[tilespmem:s18], [sflag:$0x2] =	stream.indirect_vreg.gather [hbm4b:s2+s3], $0x80, v3, vm0, $0xb8;
	[tilespmem:$0x1F400] =	vst v63  }
0x448: {  	v3 =	vld [tilespmem:s6+$0x6A0];
	_ =	sdelay $0x4  }
0x449: {  	v61 =	vshll.u32 v3, $0x1  }
0x44a: {  	v3 =	vand.u32 $0x7, v3;
	v4 =	vand.u32 $0xFFFFFFF0, v61  }
0x44b: {  	v3 =	vor.u32 v3, v4  }
0x44c: {  	v4 =	vperm.xlane v3, v0;
	_ =	sdelay $0x1  }
0x44d: {  	v3 =	vperm.xlane v3, v2;
	v4 =	vadd.s32 v1, v4;
	_ =	sdelay $0x1  }
0x44e: {  	v3 =	vadd.s32 v1, v3;
	_ =	sdelay $0x1  }
0x44f: {  	s15 =	simm.s32 $0x11400  }
0x450: {  	[tilespmem:s15], [sflag:$0x2] =	stream.indirect_vreg.gather [hbm4b:s2+s3], $0x80, v4, vm0, $0xb8;
	[tilespmem:$0x1F400] =	vst v63  }
0x451: {  	s17 =	simm.s32 $0x11C00  }
0x452: {  	[tilespmem:s17], [sflag:$0x2] =	stream.indirect_vreg.gather [hbm4b:s2+s3], $0x80, v3, vm0, $0xb8;
	[tilespmem:$0x1F400] =	vst v63  }
0x453: {  	v3 =	vld [tilespmem:s6+$0x6B0];
	_ =	sdelay $0x4  }
0x454: {  	v62 =	vshll.u32 v3, $0x1  }
0x455: {  	v3 =	vand.u32 $0x7, v3;
	v4 =	vand.u32 $0xFFFFFFF0, v62  }
0x456: {  	v3 =	vor.u32 v3, v4  }
0x457: {  	v4 =	vperm.xlane v3, v0;
	_ =	sdelay $0x1  }
0x458: {  	v3 =	vperm.xlane v3, v2;
	v4 =	vadd.s32 v1, v4;
	_ =	sdelay $0x1  }
0x459: {  	v3 =	vadd.s32 v1, v3;
	_ =	sdelay $0x1  }
0x45a: {  	s18 =	simm.s32 $0x12400  }
0x45b: {  	[tilespmem:s18], [sflag:$0x2] =	stream.indirect_vreg.gather [hbm4b:s2+s3], $0x80, v4, vm0, $0xb8;
	[tilespmem:$0x1F400] =	vst v63  }
0x45c: {  	s15 =	simm.s32 $0x12C00  }
0x45d: {  	[tilespmem:s15], [sflag:$0x2] =	stream.indirect_vreg.gather [hbm4b:s2+s3], $0x80, v3, vm0, $0xb8;
	[tilespmem:$0x1F400] =	vst v63  }
0x45e: {  	v3 =	vld [tilespmem:s6+$0x6C0];
	_ =	sdelay $0x4  }
0x45f: {  	v63 =	vshll.u32 v3, $0x1  }
0x460: {  	v3 =	vand.u32 $0x7, v3;
	v4 =	vand.u32 $0xFFFFFFF0, v63  }
0x461: {  	v3 =	vor.u32 v3, v4  }
0x462: {  	v4 =	vperm.xlane v3, v0;
	_ =	sdelay $0x1  }
0x463: {  	v3 =	vperm.xlane v3, v2;
	v4 =	vadd.s32 v1, v4;
	_ =	sdelay $0x1  }
0x464: {  	v3 =	vadd.s32 v1, v3;
	_ =	sdelay $0x1  }
0x465: {  	s17 =	simm.s32 $0x13400  }
0x466: {  	[tilespmem:s17], [sflag:$0x2] =	stream.indirect_vreg.gather [hbm4b:s2+s3], $0x80, v4, vm0, $0xb8;
	[tilespmem:$0x1F400] =	vst v63  }
0x467: {  	s18 =	simm.s32 $0x13C00  }
0x468: {  	[tilespmem:s18], [sflag:$0x2] =	stream.indirect_vreg.gather [hbm4b:s2+s3], $0x80, v3, vm0, $0xb8;
	[tilespmem:$0x1F400] =	vst v63  }
.LBB2_12:
0x469: {  	s6 =	sadd.s32 $0x200, s13;
	s17 =	simm.s32 $0x0  }
0x46a: {  	[hbm4b:s6+s17] =	stream.linear.scatter [tilespmem:s1], [sflag:$0x5], $0x800, $0x38;
	[tilespmem:$0x1F400] =	vst v63  }
0x46b: {  	_ =	swait.ge [sflag:s20], $0x5000  }
0x46c: {  	[sflag:s20] =	ssyncset.done $0x0  }
0x46d: {  	[sflag:s20] =	ssyncadd.s32 $0xFFFFB000  }
0x46e: {  	_ =	swait.ge [sflag:s29], $0x800  }
0x46f: {  	s18 =	sand.u32 $0x300, s17;
	s13 =	sand.u32 $0x7800, s17;
	[sflag:s29] =	ssyncset.done $0x0  }
0x470: {  	s6 =	sor.u32 s18, s13;
	[sflag:s29] =	ssyncadd.s32 $0xFFFFF800  }
0x471: {  	v3 =	vld [tilespmem:s6+$0x19400];
	_ =	sdelay $0x3  }
0x472: {  	s13 =	simm.s32 $0x1F000  }
0x473: {  	s6 =	sadd.s32 $0x19400, s6;
	[tilespmem:s13+$0xFFFFFC00] =	vst v3  }
0x474: {  	v3 =	vld [tilespmem:s6+$0x10];
	_ =	sdelay $0x4  }
0x475: {  	[tilespmem:s13+$0xFFFFFC10] =	vst v3  }
0x476: {  	v3 =	vld [tilespmem:s6+$0x20];
	_ =	sdelay $0x4  }
0x477: {  	[tilespmem:s13+$0xFFFFFC20] =	vst v3  }
0x478: {  	v3 =	vld [tilespmem:s6+$0x30];
	_ =	sdelay $0x4  }
0x479: {  	[tilespmem:s13+$0xFFFFFC30] =	vst v3  }
0x47a: {  	v3 =	vld [tilespmem:s6+$0x40];
	_ =	sdelay $0x4  }
0x47b: {  	[tilespmem:s13+$0xFFFFFC40] =	vst v3  }
0x47c: {  	v3 =	vld [tilespmem:s6+$0x50];
	_ =	sdelay $0x4  }
0x47d: {  	[tilespmem:s13+$0xFFFFFC50] =	vst v3  }
0x47e: {  	v3 =	vld [tilespmem:s6+$0x60];
	_ =	sdelay $0x4  }
0x47f: {  	[tilespmem:s13+$0xFFFFFC60] =	vst v3  }
0x480: {  	v3 =	vld [tilespmem:s6+$0x70];
	_ =	sdelay $0x4  }
0x481: {  	[tilespmem:s13+$0xFFFFFC70] =	vst v3  }
0x482: {  	v3 =	vld [tilespmem:s6+$0x400];
	_ =	sdelay $0x4  }
0x483: {  	[tilespmem:s13+$0x0] =	vst v3  }
0x484: {  	v3 =	vld [tilespmem:s6+$0x410];
	_ =	sdelay $0x4  }
0x485: {  	[tilespmem:s13+$0x10] =	vst v3  }
0x486: {  	v3 =	vld [tilespmem:s6+$0x420];
	_ =	sdelay $0x4  }
0x487: {  	[tilespmem:s13+$0x20] =	vst v3  }
0x488: {  	v3 =	vld [tilespmem:s6+$0x430];
	_ =	sdelay $0x4  }
0x489: {  	[tilespmem:s13+$0x30] =	vst v3  }
0x48a: {  	v3 =	vld [tilespmem:s6+$0x440];
	_ =	sdelay $0x4  }
0x48b: {  	[tilespmem:s13+$0x40] =	vst v3  }
0x48c: {  	v3 =	vld [tilespmem:s6+$0x450];
	_ =	sdelay $0x4  }
0x48d: {  	[tilespmem:s13+$0x50] =	vst v3  }
0x48e: {  	v3 =	vld [tilespmem:s6+$0x460];
	_ =	sdelay $0x4  }
0x48f: {  	[tilespmem:s13+$0x60] =	vst v3  }
0x490: {  	v3 =	vld [tilespmem:s6+$0x470];
	_ =	sdelay $0x2  }
0x491: {  	s15 =	simm.s32 $0x100;
	s14 =	simm.s32 $0xA00  }
0x492: {  	s17 =	sand.u32 $0x7800, s14;
	s6 =	sand.u32 $0x300, s15;
	s15 =	simm.s32 $0x200  }
.LBB2_13:
0x493: {  	p1 =	sne.s32 s15, $0x700;
	s6 =	sor.u32 s6, s17;
	[tilespmem:s13+$0x70] =	vst v3  }
0x494: {  	v3 =	vld [tilespmem:s6+$0x19400];
	_ =	sdelay $0x3  }
0x495: {  	s13 =	sadd.s32 $0x80, s13  }
0x496: {  	s6 =	sadd.s32 $0x19400, s6;
	[tilespmem:s13+$0xFFFFFC00] =	vst v3  }
0x497: {  	v3 =	vld [tilespmem:s6+$0x10];
	_ =	sdelay $0x4  }
0x498: {  	[tilespmem:s13+$0xFFFFFC10] =	vst v3  }
0x499: {  	v3 =	vld [tilespmem:s6+$0x20];
	_ =	sdelay $0x4  }
0x49a: {  	[tilespmem:s13+$0xFFFFFC20] =	vst v3  }
0x49b: {  	v3 =	vld [tilespmem:s6+$0x30];
	_ =	sdelay $0x4  }
0x49c: {  	[tilespmem:s13+$0xFFFFFC30] =	vst v3  }
0x49d: {  	v3 =	vld [tilespmem:s6+$0x40];
	_ =	sdelay $0x4  }
0x49e: {  	[tilespmem:s13+$0xFFFFFC40] =	vst v3  }
0x49f: {  	v3 =	vld [tilespmem:s6+$0x50];
	_ =	sdelay $0x4  }
0x4a0: {  	[tilespmem:s13+$0xFFFFFC50] =	vst v3  }
0x4a1: {  	v3 =	vld [tilespmem:s6+$0x60];
	_ =	sdelay $0x4  }
0x4a2: {  	[tilespmem:s13+$0xFFFFFC60] =	vst v3  }
0x4a3: {  	v3 =	vld [tilespmem:s6+$0x70];
	_ =	sdelay $0x4  }
0x4a4: {  	[tilespmem:s13+$0xFFFFFC70] =	vst v3  }
0x4a5: {  	v3 =	vld [tilespmem:s6+$0x400];
	_ =	sdelay $0x4  }
0x4a6: {  	[tilespmem:s13+$0x0] =	vst v3  }
0x4a7: {  	v3 =	vld [tilespmem:s6+$0x410];
	_ =	sdelay $0x4  }
0x4a8: {  	[tilespmem:s13+$0x10] =	vst v3  }
0x4a9: {  	v3 =	vld [tilespmem:s6+$0x420];
	_ =	sdelay $0x4  }
0x4aa: {  	[tilespmem:s13+$0x20] =	vst v3  }
0x4ab: {  	v3 =	vld [tilespmem:s6+$0x430];
	_ =	sdelay $0x4  }
0x4ac: {  	[tilespmem:s13+$0x30] =	vst v3  }
0x4ad: {  	v3 =	vld [tilespmem:s6+$0x440];
	_ =	sdelay $0x4  }
0x4ae: {  	[tilespmem:s13+$0x40] =	vst v3  }
0x4af: {  	v3 =	vld [tilespmem:s6+$0x450];
	_ =	sdelay $0x4  }
0x4b0: {  	[tilespmem:s13+$0x50] =	vst v3  }
0x4b1: {  	v3 =	vld [tilespmem:s6+$0x460];
	_ =	sdelay $0x4  }
0x4b2: {  	[tilespmem:s13+$0x60] =	vst v3  }
.Ltmp9:
0x4b3: {  	v3 =	vld [tilespmem:s6+$0x470];
	(pc) =	sbr.rel @p1 .LBB2_13-.Ltmp9, $3  }
0x4b4: {  	_ =	sdelay $0x1  }
0x4b5: {  	s14 =	sadd.s32 $0xA00, s14  }
0x4b6: {  	s17 =	sand.u32 $0x7800, s14;
	s6 =	sand.u32 $0x300, s15;
	s15 =	sadd.s32 $0x100, s15  }
0x4b7: {  	s6 =	sor.u32 s6, s17;
	[tilespmem:s13+$0x70] =	vst v3  }
0x4b8: {  	v3 =	vld [tilespmem:s6+$0x19400];
	_ =	sdelay $0x3  }
0x4b9: {  	s18 =	sadd.s32 $0x80, s13  }
0x4ba: {  	s6 =	sadd.s32 $0x19400, s6;
	[tilespmem:s18+$0xFFFFFC00] =	vst v3  }
0x4bb: {  	v3 =	vld [tilespmem:s6+$0x10];
	_ =	sdelay $0x4  }
0x4bc: {  	[tilespmem:s18+$0xFFFFFC10] =	vst v3  }
0x4bd: {  	v3 =	vld [tilespmem:s6+$0x20];
	_ =	sdelay $0x4  }
0x4be: {  	[tilespmem:s18+$0xFFFFFC20] =	vst v3  }
0x4bf: {  	v3 =	vld [tilespmem:s6+$0x30];
	_ =	sdelay $0x4  }
0x4c0: {  	[tilespmem:s18+$0xFFFFFC30] =	vst v3  }
0x4c1: {  	v3 =	vld [tilespmem:s6+$0x40];
	_ =	sdelay $0x4  }
0x4c2: {  	[tilespmem:s18+$0xFFFFFC40] =	vst v3  }
0x4c3: {  	v3 =	vld [tilespmem:s6+$0x50];
	_ =	sdelay $0x4  }
0x4c4: {  	[tilespmem:s18+$0xFFFFFC50] =	vst v3  }
0x4c5: {  	v3 =	vld [tilespmem:s6+$0x60];
	_ =	sdelay $0x4  }
0x4c6: {  	[tilespmem:s18+$0xFFFFFC60] =	vst v3  }
0x4c7: {  	v3 =	vld [tilespmem:s6+$0x70];
	_ =	sdelay $0x4  }
0x4c8: {  	[tilespmem:s18+$0xFFFFFC70] =	vst v3  }
0x4c9: {  	v3 =	vld [tilespmem:s6+$0x400];
	_ =	sdelay $0x4  }
0x4ca: {  	[tilespmem:s18+$0x0] =	vst v3  }
0x4cb: {  	v3 =	vld [tilespmem:s6+$0x410];
	_ =	sdelay $0x4  }
0x4cc: {  	[tilespmem:s18+$0x10] =	vst v3  }
0x4cd: {  	v3 =	vld [tilespmem:s6+$0x420];
	_ =	sdelay $0x4  }
0x4ce: {  	[tilespmem:s18+$0x20] =	vst v3  }
0x4cf: {  	v3 =	vld [tilespmem:s6+$0x430];
	_ =	sdelay $0x4  }
0x4d0: {  	[tilespmem:s18+$0x30] =	vst v3  }
0x4d1: {  	v3 =	vld [tilespmem:s6+$0x440];
	_ =	sdelay $0x4  }
0x4d2: {  	[tilespmem:s18+$0x40] =	vst v3  }
0x4d3: {  	v3 =	vld [tilespmem:s6+$0x450];
	_ =	sdelay $0x4  }
0x4d4: {  	[tilespmem:s18+$0x50] =	vst v3  }
0x4d5: {  	v3 =	vld [tilespmem:s6+$0x460];
	_ =	sdelay $0x4  }
0x4d6: {  	[tilespmem:s18+$0x60] =	vst v3  }
0x4d7: {  	v3 =	vld [tilespmem:s6+$0x470]  }
.Ltmp10:
0x4d8: {  	_ = 	snop;
	(pc) =	sbr.rel @p0 .LBB2_16-.Ltmp10, $2  }
0x4d9: {  	_ =	sdelay $0x2  }
0x4da: {  	[tilespmem:s18+$0x70] =	vst v3  }
0x4db: {  	s6 =	sshll.u32 s11, $0x9  }
0x4dc: {  	s6 =	sand.u32 $0x3FFFFE00, s6  }
0x4dd: {  	v3 =	vld [tilespmem:s6+$0x700];
	_ =	sdelay $0x4  }
0x4de: {  	v4 =	vshll.u32 v3, $0x1  }
0x4df: {  	v3 =	vand.u32 $0x7, v3;
	v4 =	vand.u32 $0xFFFFFFF0, v4  }
0x4e0: {  	v3 =	vor.u32 v3, v4  }
0x4e1: {  	v4 =	vperm.xlane v3, v0;
	_ =	sdelay $0x1  }
0x4e2: {  	v3 =	vperm.xlane v3, v2;
	v4 =	vadd.s32 v1, v4;
	_ =	sdelay $0x1  }
0x4e3: {  	v3 =	vadd.s32 v1, v3;
	_ =	sdelay $0x1  }
0x4e4: {  	s13 =	simm.s32 $0x14400  }
0x4e5: {  	[tilespmem:s13], [sflag:$0x3] =	stream.indirect_vreg.gather [hbm4b:s2+s3], $0x80, v4, vm0, $0xb8;
	[tilespmem:$0x1F400] =	vst v63  }
0x4e6: {  	s18 =	simm.s32 $0x14C00  }
0x4e7: {  	[tilespmem:s18], [sflag:$0x3] =	stream.indirect_vreg.gather [hbm4b:s2+s3], $0x80, v3, vm0, $0xb8;
	[tilespmem:$0x1F400] =	vst v63  }
0x4e8: {  	v3 =	vld [tilespmem:s6+$0x710];
	_ =	sdelay $0x4  }
0x4e9: {  	v60 =	vshll.u32 v3, $0x1  }
0x4ea: {  	v3 =	vand.u32 $0x7, v3;
	v4 =	vand.u32 $0xFFFFFFF0, v60  }
0x4eb: {  	v3 =	vor.u32 v3, v4  }
0x4ec: {  	v4 =	vperm.xlane v3, v0;
	_ =	sdelay $0x1  }
0x4ed: {  	v3 =	vperm.xlane v3, v2;
	v4 =	vadd.s32 v1, v4;
	_ =	sdelay $0x1  }
0x4ee: {  	v3 =	vadd.s32 v1, v3;
	_ =	sdelay $0x1  }
0x4ef: {  	s14 =	simm.s32 $0x15400  }
0x4f0: {  	[tilespmem:s14], [sflag:$0x3] =	stream.indirect_vreg.gather [hbm4b:s2+s3], $0x80, v4, vm0, $0xb8;
	[tilespmem:$0x1F400] =	vst v63  }
0x4f1: {  	s15 =	simm.s32 $0x15C00  }
0x4f2: {  	[tilespmem:s15], [sflag:$0x3] =	stream.indirect_vreg.gather [hbm4b:s2+s3], $0x80, v3, vm0, $0xb8;
	[tilespmem:$0x1F400] =	vst v63  }
0x4f3: {  	v3 =	vld [tilespmem:s6+$0x720];
	_ =	sdelay $0x4  }
0x4f4: {  	v61 =	vshll.u32 v3, $0x1  }
0x4f5: {  	v3 =	vand.u32 $0x7, v3;
	v4 =	vand.u32 $0xFFFFFFF0, v61  }
0x4f6: {  	v3 =	vor.u32 v3, v4  }
0x4f7: {  	v4 =	vperm.xlane v3, v0;
	_ =	sdelay $0x1  }
0x4f8: {  	v3 =	vperm.xlane v3, v2;
	v4 =	vadd.s32 v1, v4;
	_ =	sdelay $0x1  }
0x4f9: {  	v3 =	vadd.s32 v1, v3;
	_ =	sdelay $0x1  }
0x4fa: {  	s17 =	simm.s32 $0x16400  }
0x4fb: {  	[tilespmem:s17], [sflag:$0x3] =	stream.indirect_vreg.gather [hbm4b:s2+s3], $0x80, v4, vm0, $0xb8;
	[tilespmem:$0x1F400] =	vst v63  }
0x4fc: {  	s18 =	simm.s32 $0x16C00  }
0x4fd: {  	[tilespmem:s18], [sflag:$0x3] =	stream.indirect_vreg.gather [hbm4b:s2+s3], $0x80, v3, vm0, $0xb8;
	[tilespmem:$0x1F400] =	vst v63  }
0x4fe: {  	v3 =	vld [tilespmem:s6+$0x730];
	_ =	sdelay $0x4  }
0x4ff: {  	v62 =	vshll.u32 v3, $0x1  }
0x500: {  	v3 =	vand.u32 $0x7, v3;
	v4 =	vand.u32 $0xFFFFFFF0, v62  }
0x501: {  	v3 =	vor.u32 v3, v4  }
0x502: {  	v4 =	vperm.xlane v3, v0;
	_ =	sdelay $0x1  }
0x503: {  	v3 =	vperm.xlane v3, v2;
	v4 =	vadd.s32 v1, v4;
	_ =	sdelay $0x1  }
0x504: {  	v3 =	vadd.s32 v1, v3;
	_ =	sdelay $0x1  }
0x505: {  	s14 =	simm.s32 $0x17400  }
0x506: {  	[tilespmem:s14], [sflag:$0x3] =	stream.indirect_vreg.gather [hbm4b:s2+s3], $0x80, v4, vm0, $0xb8;
	[tilespmem:$0x1F400] =	vst v63  }
0x507: {  	s15 =	simm.s32 $0x17C00  }
0x508: {  	[tilespmem:s15], [sflag:$0x3] =	stream.indirect_vreg.gather [hbm4b:s2+s3], $0x80, v3, vm0, $0xb8;
	[tilespmem:$0x1F400] =	vst v63  }
0x509: {  	v3 =	vld [tilespmem:s6+$0x740];
	_ =	sdelay $0x4  }
0x50a: {  	v63 =	vshll.u32 v3, $0x1  }
0x50b: {  	v3 =	vand.u32 $0x7, v3;
	v4 =	vand.u32 $0xFFFFFFF0, v63  }
0x50c: {  	v3 =	vor.u32 v3, v4  }
0x50d: {  	v4 =	vperm.xlane v3, v0;
	_ =	sdelay $0x1  }
0x50e: {  	v3 =	vperm.xlane v3, v2;
	v4 =	vadd.s32 v1, v4;
	_ =	sdelay $0x1  }
0x50f: {  	v3 =	vadd.s32 v1, v3  }
.Ltmp11:
0x510: {  	_ = 	snop;
	(pc) =	sbr.rel .LBB2_16-.Ltmp11, $4  }
0x511: {  	s17 =	simm.s32 $0x18400  }
0x512: {  	[tilespmem:s17], [sflag:$0x3] =	stream.indirect_vreg.gather [hbm4b:s2+s3], $0x80, v4, vm0, $0xb8;
	[tilespmem:$0x1F400] =	vst v63  }
0x513: {  	s18 =	simm.s32 $0x18C00  }
0x514: {  	[tilespmem:s18], [sflag:$0x3] =	stream.indirect_vreg.gather [hbm4b:s2+s3], $0x80, v3, vm0, $0xb8;
	[tilespmem:$0x1F400] =	vst v63  }
.LBB2_18:
0x515: {  	_ =	sfence.sel $0x180000  }
0x516: {  	[bflag:$0x0] =	sbarrier.arrive $0xFFFF  }
0x517: {  	_ =	strace $0x90000047  }
0x518: {  	s0 =	stileid.u32;
	[bflag:$0x2] =	sbarrier.arrive $0xFFFF  }
0x519: {  	p0 =	sne.s32 s0, $0x0;
	s0 =	rddreg [dreg:$0x3]  }
0x51a: {  	s0 =	sadd.s32 @!p0 $0x100000, s0  }
0x51b: {  	[sflag:s0] =	ssyncadd.tile.s32 @!p0 $0x1;
	_ =	shalt  }
.Lfunc_end2:
_tile_overlayer_lowered:
.L_overlay_start_2:
0x51c: {  	(tag) =	ssettag $0x2  }
0x51d: {  	s0 =	rddreg [dreg:$0x0];
	s2 =	stileid.u32  }
0x51e: {  	s1 =	rddreg [dreg:$0x1];
	p0 =	sne.s32 s2, $0x0  }
0x51f: {  	s3 =	rddreg [dreg:$0x2];
	[bflag:$0x3] =	sbarrier.arrive $0xFFFF;
	s2 =	simm.s32 @!p0 $0x1C07  }
0x520: {  	[timem:s3], [sflag:s2] =	dma.local @!p0 [hbm:s0], s1  }
0x521: {  	s0 =	simm.s32 @!p0 $0x7  }
0x522: {  	_ =	swait.ge @!p0 [sflag:s0], s1  }
0x523: {  	s1 =	ssub.s32 @!p0 $0x0, s1;
	[sflag:s0] =	ssyncset.done @!p0 $0x0  }
0x524: {  	[sflag:s0] =	ssyncadd.s32 @!p0 s1  }
0x525: {  	[bflag:$0x3] =	sbarrier.arrive $0xFFFF  }
0x526: {  	_ =	shalt  }

</sc_bundles>
